<compile_context>
chip_gen: v7x
topology: tpu7x:2x2x1
jax: 0.10.2.dev20260603
libtpu: 0.0.44.dev20260713+nightly
codegen_flags: <defaults>
</compile_context>

<pallas_src>
import jax
import jax.numpy as jnp
from jax import lax
from jax.experimental import pallas as pl
from jax.experimental.pallas import tpu as pltpu
from jax.experimental.pallas import tpu_sc as plsc

N = 16 * 512 * 512
NB = 512
IL = 2 * NB
EMAX = 12.0
SCALE = NB / EMAX
NC, NS = 2, 16
NW = NC * NS
ROWS, COLS = N // 512, 512
RPW = ROWS // NW
CR = 16
UNROLL = 32
NCHUNK = RPW // CR


def _sc_hist_body(logits_hbm, masks_hbm, out_hbm,
                  log0, log1, msk0, msk1, hist_c, hist_s, redc, reds, outbuf,
                  sem0, sem1):
    wid = lax.axis_index("s") * NC + lax.axis_index("c")
    base = wid * RPW
    zero16 = jnp.zeros((16,), jnp.float32)
    ones16 = jnp.ones((16,), jnp.float32)
    iota16 = lax.iota(jnp.int32, 16)
    laneoff = iota16 * IL
    laneoff_f = laneoff.astype(jnp.float32)
    bucket_hi = laneoff_f + float(2 * NB - 1)
    scale2 = 2.0 * SCALE

    def dma_pair(t, lv, mv, sem):
        r0 = base + t * CR
        lc = pltpu.make_async_copy(logits_hbm.at[pl.ds(r0, CR), :], lv, sem)
        mc = pltpu.make_async_copy(masks_hbm.at[pl.ds(r0, CR), :], mv, sem)
        return lc, mc

    def start_pair(t, lv, mv, sem):
        lc, mc = dma_pair(t, lv, mv, sem)
        lc.start()
        mc.start()

    def wait_pair(t, lv, mv, sem):
        lc, mc = dma_pair(t, lv, mv, sem)
        lc.wait()
        mc.wait()

    start_pair(0, log0, msk0, sem0)

    def zero_body(j, carry):
        for u in range(8):
            off = (j * 8 + u) * 16
            hist_c[pl.ds(off, 16)] = zero16
            hist_s[pl.ds(off, 16)] = zero16
        return carry

    lax.fori_loop(0, 16 * IL // 128, zero_body, 0)

    def compute_chunk(log_v, msk_v):
        def row_body(rr, c2):
            for g in range(COLS // 16 // UNROLL):
                ls, ms = [], []
                for u in range(UNROLL):
                    cc = (g * UNROLL + u) * 16
                    ls.append(log_v[rr, pl.ds(cc, 16)])
                    ms.append(msk_v[rr, pl.ds(cc, 16)])
                idxs, rs = [], []
                for u in range(UNROLL):
                    l, m = ls[u], ms[u]
                    lflip = lax.bitcast_convert_type(
                        lax.bitcast_convert_type(l, jnp.int32) ^ (m << 31),
                        jnp.float32)
                    e = 1.0 + lflip
                    r = jnp.maximum(e, 0.0)
                    bf = jnp.maximum(bucket_hi - r * scale2, laneoff_f)
                    b2 = bf.astype(jnp.int32)
                    idxs.append((b2 & -2) + m)
                    rs.append(r)
                for u in range(UNROLL):
                    plsc.addupdate_scatter(hist_c, [idxs[u]], ones16)
                    plsc.addupdate_scatter(hist_s, [idxs[u]], rs[u])
            return c2

        lax.fori_loop(0, CR, row_body, 0)

    def pair_body(tt, carry):
        t0 = tt * 2
        start_pair(t0 + 1, log1, msk1, sem1)
        wait_pair(t0, log0, msk0, sem0)
        compute_chunk(log0, msk0)

        @pl.when(tt < NCHUNK // 2 - 1)
        def _():
            start_pair(t0 + 2, log0, msk0, sem0)

        wait_pair(t0 + 1, log1, msk1, sem1)
        compute_chunk(log1, msk1)
        return carry

    lax.fori_loop(0, NCHUNK // 2, pair_body, 0)

    def red_body(j, carry):
        off = j * 16
        ac = zero16
        asum = zero16
        for lane in range(16):
            lb = lane * IL + off
            ac = ac + hist_c[pl.ds(lb, 16)]
            asum = asum + hist_s[pl.ds(lb, 16)]
        redc[pl.ds(off, 16)] = ac
        reds[pl.ds(off, 16)] = asum
        return carry

    lax.fori_loop(0, IL // 16, red_body, 0)

    def deint_body(j, carry):
        off = j * 16
        idx2 = (off + iota16) * 2
        cn = plsc.load_gather(redc, [idx2])
        cp = plsc.load_gather(redc, [idx2 + 1])
        sn = plsc.load_gather(reds, [idx2])
        sp = plsc.load_gather(reds, [idx2 + 1])
        outbuf[pl.ds(off, 16)] = cp
        outbuf[pl.ds(NB + off, 16)] = cn
        outbuf[pl.ds(2 * NB + off, 16)] = sp
        outbuf[pl.ds(3 * NB + off, 16)] = sn
        return carry

    lax.fori_loop(0, NB // 16, deint_body, 0)
    pltpu.sync_copy(outbuf, out_hbm.at[pl.ds(wid * 4 * NB, 4 * NB)])


def _tc_finish_body(h_ref, o_ref):
    h = h_ref[...]
    cp = jnp.sum(h[:, 0:NB], axis=0, keepdims=True)
    cn = jnp.sum(h[:, NB:2 * NB], axis=0, keepdims=True)
    sp = jnp.sum(h[:, 2 * NB:3 * NB], axis=0, keepdims=True)
    sn = jnp.sum(h[:, 3 * NB:4 * NB], axis=0, keepdims=True)
    g = jnp.sum(cp)
    row = lax.broadcasted_iota(jnp.int32, (NB, NB), 0)
    col = lax.broadcasted_iota(jnp.int32, (NB, NB), 1)
    upper = (row < col).astype(jnp.float32)
    cc = jnp.concatenate([cn, cp], axis=0)
    bases = jnp.dot(cc, upper, preferred_element_type=jnp.float32)
    n_base = bases[0:1, :]
    p_base = bases[1:2, :]
    d0 = g + n_base
    d0c = jnp.maximum(d0, 1.0)
    pos_c = sp / jnp.maximum(d0, 0.5)
    neg_c = sn * (g - p_base - cp) / (d0c * (d0c + cn))
    o_ref[...] = jnp.sum(pos_c + neg_c).reshape(1, 1)


@jax.jit
def kernel(logits, masks):
    l2 = logits.reshape(ROWS, COLS)
    m2 = masks.reshape(ROWS, COLS).astype(jnp.int32)

    hist = pl.kernel(
        _sc_hist_body,
        out_type=jax.ShapeDtypeStruct((NW * 4 * NB,), jnp.float32),
        mesh=plsc.VectorSubcoreMesh(core_axis_name="c", subcore_axis_name="s"),
        compiler_params=pltpu.CompilerParams(
            needs_layout_passes=False, use_tc_tiling_on_sc=True),
        scratch_types=[
            pltpu.VMEM((CR, COLS), jnp.float32),
            pltpu.VMEM((CR, COLS), jnp.float32),
            pltpu.VMEM((CR, COLS), jnp.int32),
            pltpu.VMEM((CR, COLS), jnp.int32),
            pltpu.VMEM((16 * IL,), jnp.float32),
            pltpu.VMEM((16 * IL,), jnp.float32),
            pltpu.VMEM((IL,), jnp.float32),
            pltpu.VMEM((IL,), jnp.float32),
            pltpu.VMEM((4 * NB,), jnp.float32),
            pltpu.SemaphoreType.DMA,
            pltpu.SemaphoreType.DMA,
        ],
    )(l2, m2)

    loss = pl.pallas_call(
        _tc_finish_body,
        out_shape=jax.ShapeDtypeStruct((1, 1), jnp.float32),
    )(hist.reshape(NW, 4 * NB))
    return jnp.reshape(loss, ())

# --- scband reference (transcript-rebuilt; emitter-appended) ---
"""Pipeline reference for scband-binary-lovasz-loss-34617436406443 (READ-ONLY COPY).

The authoritative reference and input builder live on the scoring server;
editing this copy changes nothing except your own understanding.
"""

import jax, jax.numpy as jnp
import numpy as np

MARGIN = 1.0
LOSS_WEIGHT = 1.0


def flatten_probas(probas, labels):
    # [N,C,H,W] -> [N*H*W, C]
    num_classes = probas.shape[1]
    probas = jnp.transpose(probas, (0, 2, 3, 1)).reshape(-1, num_classes)
    labels = jnp.transpose(labels, (0, 2, 3, 1)).reshape(-1, num_classes)
    return probas, labels


def lovasz_grad(gt_sorted):
    gts = gt_sorted.sum()
    intersection = gts - jnp.cumsum(gt_sorted, axis=0)
    union = gts + jnp.cumsum(1.0 - gt_sorted, axis=0)
    jaccard = 1.0 - intersection / union
    jaccard = jnp.concatenate([jaccard[:1], jaccard[1:] - jaccard[:-1]], axis=0)
    return jaccard


def lovasz_hinge_flat(logits, labels, margin=1.0):
    signs = 2.0 * labels - 1.0
    errors = margin - signs * logits
    # descending sort with permutation, matching torch.sort(errors, 0, descending=True)
    perm = jnp.argsort(-errors, axis=0)
    errors_sorted = jnp.take_along_axis(errors, perm, axis=0)
    num_classes = logits.shape[1]
    losses = []
    for c in range(num_classes):
        errors_sorted_c = errors_sorted[:, c]
        perm_c = perm[:, c]
        labels_c = labels[:, c]
        gt_sorted_c = labels_c[perm_c]
        grad_c = lovasz_grad(gt_sorted_c)
        loss_c = jnp.dot(jax.nn.relu(errors_sorted_c), grad_c)
        losses.append(loss_c)
    acc = losses[0]
    for v in losses[1:]:
        acc = acc + v
    return acc / len(losses)


def setup_inputs(seed: int = 0) -> dict:
    key = jax.random.key(seed)
    k1, k2 = jax.random.split(key)
    logits = jax.random.normal(k1, (16, 1, 512, 512), dtype=jnp.float32)
    masks = jax.random.randint(k2, (16, 1, 512, 512), 0, 2, dtype=jnp.int64)
    return {"logits": logits, "masks": masks}


def reference(logits, masks):
    masks = masks.astype(jnp.float32)
    probas, labels = flatten_probas(logits, masks)
    loss = lovasz_hinge_flat(probas, labels, margin=MARGIN)
    return loss * LOSS_WEIGHT

if __name__ == "__main__":
    import jax
    _d = setup_inputs()
    print(jax.jit(kernel)(*tuple(_d.values())))

</pallas_src>

<mosaic_0001>
#map = affine_map<(d0, d1) -> (0, 0)>
#map1 = affine_map<(d0, d1) -> (0)>
module attributes {stable_mosaic.version = 14 : i64} {
  func.func @_sc_hist_body(%arg0: i32, %arg1: i32, %arg2: memref<8192x512xf32, #tpu.memory_space<hbm>>, %arg3: memref<8192x512xi32, #tpu.memory_space<hbm>>, %arg4: memref<65536xf32, #tpu.memory_space<hbm>>, %arg5: memref<16x512xf32, #tpu.memory_space<vmem>>, %arg6: memref<16x512xf32, #tpu.memory_space<vmem>>, %arg7: memref<16x512xi32, #tpu.memory_space<vmem>>, %arg8: memref<16x512xi32, #tpu.memory_space<vmem>>, %arg9: memref<16384xf32, #tpu.memory_space<vmem>>, %arg10: memref<16384xf32, #tpu.memory_space<vmem>>, %arg11: memref<1024xf32, #tpu.memory_space<vmem>>, %arg12: memref<1024xf32, #tpu.memory_space<vmem>>, %arg13: memref<2048xf32, #tpu.memory_space<vmem>>, %arg14: memref<!tpu.dma_semaphore, #tpu.memory_space<semaphore_mem>>, %arg15: memref<!tpu.dma_semaphore, #tpu.memory_space<semaphore_mem>>) attributes {dimension_semantics = [#tpu.dimension_semantics<core_parallel>, #tpu.dimension_semantics<subcore_parallel>], iteration_bounds = array<i64: 2, 16>, scalar_prefetch = 0 : i64, scratch_operands = 11 : i64, tpu.core_type = #tpu.core_type<sc_vector_subcore>, window_params = [{transform_indices = #map}, {transform_indices = #map}, {transform_indices = #map1}]} {
    %mul3A = arith.constant 2 : i32
    %mul3A_0 = arith.muli %arg1, %mul3A : i32
    %add3A = arith.addi %mul3A_0, %arg0 : i32
    %mul3A_1 = arith.constant 256 : i32
    %mul3A_2 = arith.muli %add3A, %mul3A_1 : i32
    %broadcast_in_dim3A = arith.constant 0.000000e+00 : f32
    %broadcast_in_dim3A_3 = vector.broadcast %broadcast_in_dim3A : f32 to vector<16xf32>
    %broadcast_in_dim3A_4 = arith.constant 1.000000e+00 : f32
    %broadcast_in_dim3A_5 = vector.broadcast %broadcast_in_dim3A_4 : f32 to vector<16xf32>
    %iota3A = tpu.iota {dimensions = array<i32: 0>} : vector<16xi32>
    %mul3A_6 = arith.constant 1024 : i32
    %mul3A_7 = vector.broadcast %mul3A_6 : i32 to vector<16xi32>
    %mul3A_8 = arith.muli %iota3A, %mul3A_7 : vector<16xi32>
    %convert_element_type3A = arith.sitofp %mul3A_8 : vector<16xi32> to vector<16xf32>
    %add3A_9 = arith.constant 1.023000e+03 : f32
    %add3A_10 = vector.broadcast %add3A_9 : f32 to vector<16xf32>
    %add3A_11 = arith.addf %convert_element_type3A, %add3A_10 : vector<16xf32>
    %add3A_12 = arith.constant 0 : i32
    %add3A_13 = arith.addi %mul3A_2, %add3A_12 : i32
    %dma_start3A = arith.constant 0 : i32
    %dma_start3A_14 = tpu.memref_slice %arg2[%add3A_13, %dma_start3A] : memref<8192x512xf32, #tpu.memory_space<hbm>> -> memref<16x512xf32, #tpu.memory_space<hbm>>
    %dma_start3A_15 = arith.constant 0 : i32
    %dma_start3A_16 = tpu.memref_slice %arg2[%add3A_13, %dma_start3A_15] : memref<8192x512xf32, #tpu.memory_space<hbm>> -> memref<16x512xf32, #tpu.memory_space<hbm>>
    tpu.enqueue_dma source(%dma_start3A_16 : memref<16x512xf32, #tpu.memory_space<hbm>>) target(%arg5 : memref<16x512xf32, #tpu.memory_space<vmem>>) target_semaphore(%arg14 : memref<!tpu.dma_semaphore, #tpu.memory_space<semaphore_mem>>)
    %dma_start3A_17 = arith.constant 0 : i32
    %dma_start3A_18 = tpu.memref_slice %arg3[%add3A_13, %dma_start3A_17] : memref<8192x512xi32, #tpu.memory_space<hbm>> -> memref<16x512xi32, #tpu.memory_space<hbm>>
    %dma_start3A_19 = arith.constant 0 : i32
    %dma_start3A_20 = tpu.memref_slice %arg3[%add3A_13, %dma_start3A_19] : memref<8192x512xi32, #tpu.memory_space<hbm>> -> memref<16x512xi32, #tpu.memory_space<hbm>>
    tpu.enqueue_dma source(%dma_start3A_20 : memref<16x512xi32, #tpu.memory_space<hbm>>) target(%arg7 : memref<16x512xi32, #tpu.memory_space<vmem>>) target_semaphore(%arg14 : memref<!tpu.dma_semaphore, #tpu.memory_space<semaphore_mem>>)
    %scan3A = arith.constant 0 : i32
    %scan3A_21 = arith.constant 0 : i32
    %scan3A_22 = arith.constant 128 : i32
    %scan3A_23 = arith.addi %scan3A_21, %scan3A_22 : i32
    %scan3A_24 = arith.constant 1 : i32
    scf.for %scan3A_48 = %scan3A_21 to %scan3A_23 step %scan3A_24  : i32 {
      %mul3A_49 = arith.constant 8 : i32
      %mul3A_50 = arith.muli %scan3A_48, %mul3A_49 : i32
      %add3A_51 = arith.constant 0 : i32
      %add3A_52 = arith.addi %mul3A_50, %add3A_51 : i32
      %mul3A_53 = arith.constant 16 : i32
      %mul3A_54 = arith.muli %add3A_52, %mul3A_53 : i32
      %swap3A = arith.index_cast %mul3A_54 : i32 to index
      %swap3A_55 = tpu.vector_load %arg9[%swap3A] {strides = array<i32>} : memref<16384xf32, #tpu.memory_space<vmem>>, vector<16xf32>,
      tpu.vector_store %arg9[%swap3A], %broadcast_in_dim3A_3 {strides = array<i32>} : memref<16384xf32, #tpu.memory_space<vmem>>, vector<16xf32>,
      %swap3A_56 = arith.index_cast %mul3A_54 : i32 to index
      %swap3A_57 = tpu.vector_load %arg10[%swap3A_56] {strides = array<i32>} : memref<16384xf32, #tpu.memory_space<vmem>>, vector<16xf32>,
      tpu.vector_store %arg10[%swap3A_56], %broadcast_in_dim3A_3 {strides = array<i32>} : memref<16384xf32, #tpu.memory_space<vmem>>, vector<16xf32>,
      %mul3A_58 = arith.constant 8 : i32
      %mul3A_59 = arith.muli %scan3A_48, %mul3A_58 : i32
      %add3A_60 = arith.constant 1 : i32
      %add3A_61 = arith.addi %mul3A_59, %add3A_60 : i32
      %mul3A_62 = arith.constant 16 : i32
      %mul3A_63 = arith.muli %add3A_61, %mul3A_62 : i32
      %swap3A_64 = arith.index_cast %mul3A_63 : i32 to index
      %swap3A_65 = tpu.vector_load %arg9[%swap3A_64] {strides = array<i32>} : memref<16384xf32, #tpu.memory_space<vmem>>, vector<16xf32>,
      tpu.vector_store %arg9[%swap3A_64], %broadcast_in_dim3A_3 {strides = array<i32>} : memref<16384xf32, #tpu.memory_space<vmem>>, vector<16xf32>,
      %swap3A_66 = arith.index_cast %mul3A_63 : i32 to index
      %swap3A_67 = tpu.vector_load %arg10[%swap3A_66] {strides = array<i32>} : memref<16384xf32, #tpu.memory_space<vmem>>, vector<16xf32>,
      tpu.vector_store %arg10[%swap3A_66], %broadcast_in_dim3A_3 {strides = array<i32>} : memref<16384xf32, #tpu.memory_space<vmem>>, vector<16xf32>,
      %mul3A_68 = arith.constant 8 : i32
      %mul3A_69 = arith.muli %scan3A_48, %mul3A_68 : i32
      %add3A_70 = arith.constant 2 : i32
      %add3A_71 = arith.addi %mul3A_69, %add3A_70 : i32
      %mul3A_72 = arith.constant 16 : i32
      %mul3A_73 = arith.muli %add3A_71, %mul3A_72 : i32
      %swap3A_74 = arith.index_cast %mul3A_73 : i32 to index
      %swap3A_75 = tpu.vector_load %arg9[%swap3A_74] {strides = array<i32>} : memref<16384xf32, #tpu.memory_space<vmem>>, vector<16xf32>,
      tpu.vector_store %arg9[%swap3A_74], %broadcast_in_dim3A_3 {strides = array<i32>} : memref<16384xf32, #tpu.memory_space<vmem>>, vector<16xf32>,
      %swap3A_76 = arith.index_cast %mul3A_73 : i32 to index
      %swap3A_77 = tpu.vector_load %arg10[%swap3A_76] {strides = array<i32>} : memref<16384xf32, #tpu.memory_space<vmem>>, vector<16xf32>,
      tpu.vector_store %arg10[%swap3A_76], %broadcast_in_dim3A_3 {strides = array<i32>} : memref<16384xf32, #tpu.memory_space<vmem>>, vector<16xf32>,
      %mul3A_78 = arith.constant 8 : i32
      %mul3A_79 = arith.muli %scan3A_48, %mul3A_78 : i32
      %add3A_80 = arith.constant 3 : i32
      %add3A_81 = arith.addi %mul3A_79, %add3A_80 : i32
      %mul3A_82 = arith.constant 16 : i32
      %mul3A_83 = arith.muli %add3A_81, %mul3A_82 : i32
      %swap3A_84 = arith.index_cast %mul3A_83 : i32 to index
      %swap3A_85 = tpu.vector_load %arg9[%swap3A_84] {strides = array<i32>} : memref<16384xf32, #tpu.memory_space<vmem>>, vector<16xf32>,
      tpu.vector_store %arg9[%swap3A_84], %broadcast_in_dim3A_3 {strides = array<i32>} : memref<16384xf32, #tpu.memory_space<vmem>>, vector<16xf32>,
      %swap3A_86 = arith.index_cast %mul3A_83 : i32 to index
      %swap3A_87 = tpu.vector_load %arg10[%swap3A_86] {strides = array<i32>} : memref<16384xf32, #tpu.memory_space<vmem>>, vector<16xf32>,
      tpu.vector_store %arg10[%swap3A_86], %broadcast_in_dim3A_3 {strides = array<i32>} : memref<16384xf32, #tpu.memory_space<vmem>>, vector<16xf32>,
      %mul3A_88 = arith.constant 8 : i32
      %mul3A_89 = arith.muli %scan3A_48, %mul3A_88 : i32
      %add3A_90 = arith.constant 4 : i32
      %add3A_91 = arith.addi %mul3A_89, %add3A_90 : i32
      %mul3A_92 = arith.constant 16 : i32
      %mul3A_93 = arith.muli %add3A_91, %mul3A_92 : i32
      %swap3A_94 = arith.index_cast %mul3A_93 : i32 to index
      %swap3A_95 = tpu.vector_load %arg9[%swap3A_94] {strides = array<i32>} : memref<16384xf32, #tpu.memory_space<vmem>>, vector<16xf32>,
      tpu.vector_store %arg9[%swap3A_94], %broadcast_in_dim3A_3 {strides = array<i32>} : memref<16384xf32, #tpu.memory_space<vmem>>, vector<16xf32>,
      %swap3A_96 = arith.index_cast %mul3A_93 : i32 to index
      %swap3A_97 = tpu.vector_load %arg10[%swap3A_96] {strides = array<i32>} : memref<16384xf32, #tpu.memory_space<vmem>>, vector<16xf32>,
      tpu.vector_store %arg10[%swap3A_96], %broadcast_in_dim3A_3 {strides = array<i32>} : memref<16384xf32, #tpu.memory_space<vmem>>, vector<16xf32>,
      %mul3A_98 = arith.constant 8 : i32
      %mul3A_99 = arith.muli %scan3A_48, %mul3A_98 : i32
      %add3A_100 = arith.constant 5 : i32
      %add3A_101 = arith.addi %mul3A_99, %add3A_100 : i32
      %mul3A_102 = arith.constant 16 : i32
      %mul3A_103 = arith.muli %add3A_101, %mul3A_102 : i32
      %swap3A_104 = arith.index_cast %mul3A_103 : i32 to index
      %swap3A_105 = tpu.vector_load %arg9[%swap3A_104] {strides = array<i32>} : memref<16384xf32, #tpu.memory_space<vmem>>, vector<16xf32>,
      tpu.vector_store %arg9[%swap3A_104], %broadcast_in_dim3A_3 {strides = array<i32>} : memref<16384xf32, #tpu.memory_space<vmem>>, vector<16xf32>,
      %swap3A_106 = arith.index_cast %mul3A_103 : i32 to index
      %swap3A_107 = tpu.vector_load %arg10[%swap3A_106] {strides = array<i32>} : memref<16384xf32, #tpu.memory_space<vmem>>, vector<16xf32>,
      tpu.vector_store %arg10[%swap3A_106], %broadcast_in_dim3A_3 {strides = array<i32>} : memref<16384xf32, #tpu.memory_space<vmem>>, vector<16xf32>,
      %mul3A_108 = arith.constant 8 : i32
      %mul3A_109 = arith.muli %scan3A_48, %mul3A_108 : i32
      %add3A_110 = arith.constant 6 : i32
      %add3A_111 = arith.addi %mul3A_109, %add3A_110 : i32
      %mul3A_112 = arith.constant 16 : i32
      %mul3A_113 = arith.muli %add3A_111, %mul3A_112 : i32
      %swap3A_114 = arith.index_cast %mul3A_113 : i32 to index
      %swap3A_115 = tpu.vector_load %arg9[%swap3A_114] {strides = array<i32>} : memref<16384xf32, #tpu.memory_space<vmem>>, vector<16xf32>,
      tpu.vector_store %arg9[%swap3A_114], %broadcast_in_dim3A_3 {strides = array<i32>} : memref<16384xf32, #tpu.memory_space<vmem>>, vector<16xf32>,
      %swap3A_116 = arith.index_cast %mul3A_113 : i32 to index
      %swap3A_117 = tpu.vector_load %arg10[%swap3A_116] {strides = array<i32>} : memref<16384xf32, #tpu.memory_space<vmem>>, vector<16xf32>,
      tpu.vector_store %arg10[%swap3A_116], %broadcast_in_dim3A_3 {strides = array<i32>} : memref<16384xf32, #tpu.memory_space<vmem>>, vector<16xf32>,
      %mul3A_118 = arith.constant 8 : i32
      %mul3A_119 = arith.muli %scan3A_48, %mul3A_118 : i32
      %add3A_120 = arith.constant 7 : i32
      %add3A_121 = arith.addi %mul3A_119, %add3A_120 : i32
      %mul3A_122 = arith.constant 16 : i32
      %mul3A_123 = arith.muli %add3A_121, %mul3A_122 : i32
      %swap3A_124 = arith.index_cast %mul3A_123 : i32 to index
      %swap3A_125 = tpu.vector_load %arg9[%swap3A_124] {strides = array<i32>} : memref<16384xf32, #tpu.memory_space<vmem>>, vector<16xf32>,
      tpu.vector_store %arg9[%swap3A_124], %broadcast_in_dim3A_3 {strides = array<i32>} : memref<16384xf32, #tpu.memory_space<vmem>>, vector<16xf32>,
      %swap3A_126 = arith.index_cast %mul3A_123 : i32 to index
      %swap3A_127 = tpu.vector_load %arg10[%swap3A_126] {strides = array<i32>} : memref<16384xf32, #tpu.memory_space<vmem>>, vector<16xf32>,
      tpu.vector_store %arg10[%swap3A_126], %broadcast_in_dim3A_3 {strides = array<i32>} : memref<16384xf32, #tpu.memory_space<vmem>>, vector<16xf32>,
    }
    %scan3A_25 = arith.constant 128 : i32
    %scan3A_26 = arith.constant 0 : i32
    %scan3A_27 = arith.constant 0 : i32
    %scan3A_28 = arith.constant 8 : i32
    %scan3A_29 = arith.addi %scan3A_27, %scan3A_28 : i32
    %scan3A_30 = arith.constant 1 : i32
    scf.for %scan3A_48 = %scan3A_27 to %scan3A_29 step %scan3A_30  : i32 {
      %mul3A_49 = arith.constant 2 : i32
      %mul3A_50 = arith.muli %scan3A_48, %mul3A_49 : i32
      %add3A_51 = arith.constant 1 : i32
      %add3A_52 = arith.addi %mul3A_50, %add3A_51 : i32
      %mul3A_53 = arith.constant 16 : i32
      %mul3A_54 = arith.muli %add3A_52, %mul3A_53 : i32
      %add3A_55 = arith.addi %mul3A_2, %mul3A_54 : i32
      %dma_start3A_56 = arith.constant 0 : i32
      %dma_start3A_57 = tpu.memref_slice %arg2[%add3A_55, %dma_start3A_56] : memref<8192x512xf32, #tpu.memory_space<hbm>> -> memref<16x512xf32, #tpu.memory_space<hbm>>
      %dma_start3A_58 = arith.constant 0 : i32
      %dma_start3A_59 = tpu.memref_slice %arg2[%add3A_55, %dma_start3A_58] : memref<8192x512xf32, #tpu.memory_space<hbm>> -> memref<16x512xf32, #tpu.memory_space<hbm>>
      tpu.enqueue_dma source(%dma_start3A_59 : memref<16x512xf32, #tpu.memory_space<hbm>>) target(%arg6 : memref<16x512xf32, #tpu.memory_space<vmem>>) target_semaphore(%arg15 : memref<!tpu.dma_semaphore, #tpu.memory_space<semaphore_mem>>)
      %dma_start3A_60 = arith.constant 0 : i32
      %dma_start3A_61 = tpu.memref_slice %arg3[%add3A_55, %dma_start3A_60] : memref<8192x512xi32, #tpu.memory_space<hbm>> -> memref<16x512xi32, #tpu.memory_space<hbm>>
      %dma_start3A_62 = arith.constant 0 : i32
      %dma_start3A_63 = tpu.memref_slice %arg3[%add3A_55, %dma_start3A_62] : memref<8192x512xi32, #tpu.memory_space<hbm>> -> memref<16x512xi32, #tpu.memory_space<hbm>>
      tpu.enqueue_dma source(%dma_start3A_63 : memref<16x512xi32, #tpu.memory_space<hbm>>) target(%arg8 : memref<16x512xi32, #tpu.memory_space<vmem>>) target_semaphore(%arg15 : memref<!tpu.dma_semaphore, #tpu.memory_space<semaphore_mem>>)
      %mul3A_64 = arith.constant 16 : i32
      %mul3A_65 = arith.muli %mul3A_50, %mul3A_64 : i32
      %add3A_66 = arith.addi %mul3A_2, %mul3A_65 : i32
      %dma_wait3A = arith.constant 0 : i32
      %dma_wait3A_67 = tpu.memref_slice %arg2[%add3A_66, %dma_wait3A] : memref<8192x512xf32, #tpu.memory_space<hbm>> -> memref<16x512xf32, #tpu.memory_space<hbm>>
      %dma_wait3A_68 = arith.constant 0 : i32
      %dma_wait3A_69 = tpu.memref_slice %arg2[%add3A_66, %dma_wait3A_68] : memref<8192x512xf32, #tpu.memory_space<hbm>> -> memref<16x512xf32, #tpu.memory_space<hbm>>
      tpu.wait_dma2 semaphore(%arg14 : memref<!tpu.dma_semaphore, #tpu.memory_space<semaphore_mem>>) src(%dma_wait3A_69 : memref<16x512xf32, #tpu.memory_space<hbm>>) dst(%arg5 : memref<16x512xf32, #tpu.memory_space<vmem>>)
      %dma_wait3A_70 = arith.constant 0 : i32
      %dma_wait3A_71 = tpu.memref_slice %arg3[%add3A_66, %dma_wait3A_70] : memref<8192x512xi32, #tpu.memory_space<hbm>> -> memref<16x512xi32, #tpu.memory_space<hbm>>
      %dma_wait3A_72 = arith.constant 0 : i32
      %dma_wait3A_73 = tpu.memref_slice %arg3[%add3A_66, %dma_wait3A_72] : memref<8192x512xi32, #tpu.memory_space<hbm>> -> memref<16x512xi32, #tpu.memory_space<hbm>>
      tpu.wait_dma2 semaphore(%arg14 : memref<!tpu.dma_semaphore, #tpu.memory_space<semaphore_mem>>) src(%dma_wait3A_73 : memref<16x512xi32, #tpu.memory_space<hbm>>) dst(%arg7 : memref<16x512xi32, #tpu.memory_space<vmem>>)
      %scan3A_74 = arith.constant 0 : i32
      %scan3A_75 = arith.constant 0 : i32
      %scan3A_76 = arith.constant 16 : i32
      %scan3A_77 = arith.addi %scan3A_75, %scan3A_76 : i32
      %scan3A_78 = arith.constant 1 : i32
      scf.for %scan3A_102 = %scan3A_75 to %scan3A_77 step %scan3A_78  : i32 {
        %get3A = arith.index_cast %scan3A_102 : i32 to index
        %get3A_103 = arith.constant 0 : index
        %get3A_104 = tpu.vector_load %arg5[%get3A, %get3A_103] {strides = array<i32>} : memref<16x512xf32, #tpu.memory_space<vmem>>, vector<16xf32>,
        %get3A_105 = arith.index_cast %scan3A_102 : i32 to index
        %get3A_106 = arith.constant 0 : index
        %get3A_107 = tpu.vector_load %arg7[%get3A_105, %get3A_106] {strides = array<i32>} : memref<16x512xi32, #tpu.memory_space<vmem>>, vector<16xi32>,
        %get3A_108 = arith.index_cast %scan3A_102 : i32 to index
        %get3A_109 = arith.constant 16 : index
        %get3A_110 = tpu.vector_load %arg5[%get3A_108, %get3A_109] {strides = array<i32>} : memref<16x512xf32, #tpu.memory_space<vmem>>, vector<16xf32>,
        %get3A_111 = arith.index_cast %scan3A_102 : i32 to index
        %get3A_112 = arith.constant 16 : index
        %get3A_113 = tpu.vector_load %arg7[%get3A_111, %get3A_112] {strides = array<i32>} : memref<16x512xi32, #tpu.memory_space<vmem>>, vector<16xi32>,
        %get3A_114 = arith.index_cast %scan3A_102 : i32 to index
        %get3A_115 = arith.constant 32 : index
        %get3A_116 = tpu.vector_load %arg5[%get3A_114, %get3A_115] {strides = array<i32>} : memref<16x512xf32, #tpu.memory_space<vmem>>, vector<16xf32>,
        %get3A_117 = arith.index_cast %scan3A_102 : i32 to index
        %get3A_118 = arith.constant 32 : index
        %get3A_119 = tpu.vector_load %arg7[%get3A_117, %get3A_118] {strides = array<i32>} : memref<16x512xi32, #tpu.memory_space<vmem>>, vector<16xi32>,
        %get3A_120 = arith.index_cast %scan3A_102 : i32 to index
        %get3A_121 = arith.constant 48 : index
        %get3A_122 = tpu.vector_load %arg5[%get3A_120, %get3A_121] {strides = array<i32>} : memref<16x512xf32, #tpu.memory_space<vmem>>, vector<16xf32>,
        %get3A_123 = arith.index_cast %scan3A_102 : i32 to index
        %get3A_124 = arith.constant 48 : index
        %get3A_125 = tpu.vector_load %arg7[%get3A_123, %get3A_124] {strides = array<i32>} : memref<16x512xi32, #tpu.memory_space<vmem>>, vector<16xi32>,
        %get3A_126 = arith.index_cast %scan3A_102 : i32 to index
        %get3A_127 = arith.constant 64 : index
        %get3A_128 = tpu.vector_load %arg5[%get3A_126, %get3A_127] {strides = array<i32>} : memref<16x512xf32, #tpu.memory_space<vmem>>, vector<16xf32>,
        %get3A_129 = arith.index_cast %scan3A_102 : i32 to index
        %get3A_130 = arith.constant 64 : index
        %get3A_131 = tpu.vector_load %arg7[%get3A_129, %get3A_130] {strides = array<i32>} : memref<16x512xi32, #tpu.memory_space<vmem>>, vector<16xi32>,
        %get3A_132 = arith.index_cast %scan3A_102 : i32 to index
        %get3A_133 = arith.constant 80 : index
        %get3A_134 = tpu.vector_load %arg5[%get3A_132, %get3A_133] {strides = array<i32>} : memref<16x512xf32, #tpu.memory_space<vmem>>, vector<16xf32>,
        %get3A_135 = arith.index_cast %scan3A_102 : i32 to index
        %get3A_136 = arith.constant 80 : index
        %get3A_137 = tpu.vector_load %arg7[%get3A_135, %get3A_136] {strides = array<i32>} : memref<16x512xi32, #tpu.memory_space<vmem>>, vector<16xi32>,
        %get3A_138 = arith.index_cast %scan3A_102 : i32 to index
        %get3A_139 = arith.constant 96 : index
        %get3A_140 = tpu.vector_load %arg5[%get3A_138, %get3A_139] {strides = array<i32>} : memref<16x512xf32, #tpu.memory_space<vmem>>, vector<16xf32>,
        %get3A_141 = arith.index_cast %scan3A_102 : i32 to index
        %get3A_142 = arith.constant 96 : index
        %get3A_143 = tpu.vector_load %arg7[%get3A_141, %get3A_142] {strides = array<i32>} : memref<16x512xi32, #tpu.memory_space<vmem>>, vector<16xi32>,
        %get3A_144 = arith.index_cast %scan3A_102 : i32 to index
        %get3A_145 = arith.constant 112 : index
        %get3A_146 = tpu.vector_load %arg5[%get3A_144, %get3A_145] {strides = array<i32>} : memref<16x512xf32, #tpu.memory_space<vmem>>, vector<16xf32>,
        %get3A_147 = arith.index_cast %scan3A_102 : i32 to index
        %get3A_148 = arith.constant 112 : index
        %get3A_149 = tpu.vector_load %arg7[%get3A_147, %get3A_148] {strides = array<i32>} : memref<16x512xi32, #tpu.memory_space<vmem>>, vector<16xi32>,
        %get3A_150 = arith.index_cast %scan3A_102 : i32 to index
        %get3A_151 = arith.constant 128 : index
        %get3A_152 = tpu.vector_load %arg5[%get3A_150, %get3A_151] {strides = array<i32>} : memref<16x512xf32, #tpu.memory_space<vmem>>, vector<16xf32>,
        %get3A_153 = arith.index_cast %scan3A_102 : i32 to index
        %get3A_154 = arith.constant 128 : index
        %get3A_155 = tpu.vector_load %arg7[%get3A_153, %get3A_154] {strides = array<i32>} : memref<16x512xi32, #tpu.memory_space<vmem>>, vector<16xi32>,
        %get3A_156 = arith.index_cast %scan3A_102 : i32 to index
        %get3A_157 = arith.constant 144 : index
        %get3A_158 = tpu.vector_load %arg5[%get3A_156, %get3A_157] {strides = array<i32>} : memref<16x512xf32, #tpu.memory_space<vmem>>, vector<16xf32>,
        %get3A_159 = arith.index_cast %scan3A_102 : i32 to index
        %get3A_160 = arith.constant 144 : index
        %get3A_161 = tpu.vector_load %arg7[%get3A_159, %get3A_160] {strides = array<i32>} : memref<16x512xi32, #tpu.memory_space<vmem>>, vector<16xi32>,
        %get3A_162 = arith.index_cast %scan3A_102 : i32 to index
        %get3A_163 = arith.constant 160 : index
        %get3A_164 = tpu.vector_load %arg5[%get3A_162, %get3A_163] {strides = array<i32>} : memref<16x512xf32, #tpu.memory_space<vmem>>, vector<16xf32>,
        %get3A_165 = arith.index_cast %scan3A_102 : i32 to index
        %get3A_166 = arith.constant 160 : index
        %get3A_167 = tpu.vector_load %arg7[%get3A_165, %get3A_166] {strides = array<i32>} : memref<16x512xi32, #tpu.memory_space<vmem>>, vector<16xi32>,
        %get3A_168 = arith.index_cast %scan3A_102 : i32 to index
        %get3A_169 = arith.constant 176 : index
        %get3A_170 = tpu.vector_load %arg5[%get3A_168, %get3A_169] {strides = array<i32>} : memref<16x512xf32, #tpu.memory_space<vmem>>, vector<16xf32>,
        %get3A_171 = arith.index_cast %scan3A_102 : i32 to index
        %get3A_172 = arith.constant 176 : index
        %get3A_173 = tpu.vector_load %arg7[%get3A_171, %get3A_172] {strides = array<i32>} : memref<16x512xi32, #tpu.memory_space<vmem>>, vector<16xi32>,
        %get3A_174 = arith.index_cast %scan3A_102 : i32 to index
        %get3A_175 = arith.constant 192 : index
        %get3A_176 = tpu.vector_load %arg5[%get3A_174, %get3A_175] {strides = array<i32>} : memref<16x512xf32, #tpu.memory_space<vmem>>, vector<16xf32>,
        %get3A_177 = arith.index_cast %scan3A_102 : i32 to index
        %get3A_178 = arith.constant 192 : index
        %get3A_179 = tpu.vector_load %arg7[%get3A_177, %get3A_178] {strides = array<i32>} : memref<16x512xi32, #tpu.memory_space<vmem>>, vector<16xi32>,
        %get3A_180 = arith.index_cast %scan3A_102 : i32 to index
        %get3A_181 = arith.constant 208 : index
        %get3A_182 = tpu.vector_load %arg5[%get3A_180, %get3A_181] {strides = array<i32>} : memref<16x512xf32, #tpu.memory_space<vmem>>, vector<16xf32>,
        %get3A_183 = arith.index_cast %scan3A_102 : i32 to index
        %get3A_184 = arith.constant 208 : index
        %get3A_185 = tpu.vector_load %arg7[%get3A_183, %get3A_184] {strides = array<i32>} : memref<16x512xi32, #tpu.memory_space<vmem>>, vector<16xi32>,
        %get3A_186 = arith.index_cast %scan3A_102 : i32 to index
        %get3A_187 = arith.constant 224 : index
        %get3A_188 = tpu.vector_load %arg5[%get3A_186, %get3A_187] {strides = array<i32>} : memref<16x512xf32, #tpu.memory_space<vmem>>, vector<16xf32>,
        %get3A_189 = arith.index_cast %scan3A_102 : i32 to index
        %get3A_190 = arith.constant 224 : index
        %get3A_191 = tpu.vector_load %arg7[%get3A_189, %get3A_190] {strides = array<i32>} : memref<16x512xi32, #tpu.memory_space<vmem>>, vector<16xi32>,
        %get3A_192 = arith.index_cast %scan3A_102 : i32 to index
        %get3A_193 = arith.constant 240 : index
        %get3A_194 = tpu.vector_load %arg5[%get3A_192, %get3A_193] {strides = array<i32>} : memref<16x512xf32, #tpu.memory_space<vmem>>, vector<16xf32>,
        %get3A_195 = arith.index_cast %scan3A_102 : i32 to index
        %get3A_196 = arith.constant 240 : index
        %get3A_197 = tpu.vector_load %arg7[%get3A_195, %get3A_196] {strides = array<i32>} : memref<16x512xi32, #tpu.memory_space<vmem>>, vector<16xi32>,
        %get3A_198 = arith.index_cast %scan3A_102 : i32 to index
        %get3A_199 = arith.constant 256 : index
        %get3A_200 = tpu.vector_load %arg5[%get3A_198, %get3A_199] {strides = array<i32>} : memref<16x512xf32, #tpu.memory_space<vmem>>, vector<16xf32>,
        %get3A_201 = arith.index_cast %scan3A_102 : i32 to index
        %get3A_202 = arith.constant 256 : index
        %get3A_203 = tpu.vector_load %arg7[%get3A_201, %get3A_202] {strides = array<i32>} : memref<16x512xi32, #tpu.memory_space<vmem>>, vector<16xi32>,
        %get3A_204 = arith.index_cast %scan3A_102 : i32 to index
        %get3A_205 = arith.constant 272 : index
        %get3A_206 = tpu.vector_load %arg5[%get3A_204, %get3A_205] {strides = array<i32>} : memref<16x512xf32, #tpu.memory_space<vmem>>, vector<16xf32>,
        %get3A_207 = arith.index_cast %scan3A_102 : i32 to index
        %get3A_208 = arith.constant 272 : index
        %get3A_209 = tpu.vector_load %arg7[%get3A_207, %get3A_208] {strides = array<i32>} : memref<16x512xi32, #tpu.memory_space<vmem>>, vector<16xi32>,
        %get3A_210 = arith.index_cast %scan3A_102 : i32 to index
        %get3A_211 = arith.constant 288 : index
        %get3A_212 = tpu.vector_load %arg5[%get3A_210, %get3A_211] {strides = array<i32>} : memref<16x512xf32, #tpu.memory_space<vmem>>, vector<16xf32>,
        %get3A_213 = arith.index_cast %scan3A_102 : i32 to index
        %get3A_214 = arith.constant 288 : index
        %get3A_215 = tpu.vector_load %arg7[%get3A_213, %get3A_214] {strides = array<i32>} : memref<16x512xi32, #tpu.memory_space<vmem>>, vector<16xi32>,
        %get3A_216 = arith.index_cast %scan3A_102 : i32 to index
        %get3A_217 = arith.constant 304 : index
        %get3A_218 = tpu.vector_load %arg5[%get3A_216, %get3A_217] {strides = array<i32>} : memref<16x512xf32, #tpu.memory_space<vmem>>, vector<16xf32>,
        %get3A_219 = arith.index_cast %scan3A_102 : i32 to index
        %get3A_220 = arith.constant 304 : index
        %get3A_221 = tpu.vector_load %arg7[%get3A_219, %get3A_220] {strides = array<i32>} : memref<16x512xi32, #tpu.memory_space<vmem>>, vector<16xi32>,
        %get3A_222 = arith.index_cast %scan3A_102 : i32 to index
        %get3A_223 = arith.constant 320 : index
        %get3A_224 = tpu.vector_load %arg5[%get3A_222, %get3A_223] {strides = array<i32>} : memref<16x512xf32, #tpu.memory_space<vmem>>, vector<16xf32>,
        %get3A_225 = arith.index_cast %scan3A_102 : i32 to index
        %get3A_226 = arith.constant 320 : index
        %get3A_227 = tpu.vector_load %arg7[%get3A_225, %get3A_226] {strides = array<i32>} : memref<16x512xi32, #tpu.memory_space<vmem>>, vector<16xi32>,
        %get3A_228 = arith.index_cast %scan3A_102 : i32 to index
        %get3A_229 = arith.constant 336 : index
        %get3A_230 = tpu.vector_load %arg5[%get3A_228, %get3A_229] {strides = array<i32>} : memref<16x512xf32, #tpu.memory_space<vmem>>, vector<16xf32>,
        %get3A_231 = arith.index_cast %scan3A_102 : i32 to index
        %get3A_232 = arith.constant 336 : index
        %get3A_233 = tpu.vector_load %arg7[%get3A_231, %get3A_232] {strides = array<i32>} : memref<16x512xi32, #tpu.memory_space<vmem>>, vector<16xi32>,
        %get3A_234 = arith.index_cast %scan3A_102 : i32 to index
        %get3A_235 = arith.constant 352 : index
        %get3A_236 = tpu.vector_load %arg5[%get3A_234, %get3A_235] {strides = array<i32>} : memref<16x512xf32, #tpu.memory_space<vmem>>, vector<16xf32>,
        %get3A_237 = arith.index_cast %scan3A_102 : i32 to index
        %get3A_238 = arith.constant 352 : index
        %get3A_239 = tpu.vector_load %arg7[%get3A_237, %get3A_238] {strides = array<i32>} : memref<16x512xi32, #tpu.memory_space<vmem>>, vector<16xi32>,
        %get3A_240 = arith.index_cast %scan3A_102 : i32 to index
        %get3A_241 = arith.constant 368 : index
        %get3A_242 = tpu.vector_load %arg5[%get3A_240, %get3A_241] {strides = array<i32>} : memref<16x512xf32, #tpu.memory_space<vmem>>, vector<16xf32>,
        %get3A_243 = arith.index_cast %scan3A_102 : i32 to index
        %get3A_244 = arith.constant 368 : index
        %get3A_245 = tpu.vector_load %arg7[%get3A_243, %get3A_244] {strides = array<i32>} : memref<16x512xi32, #tpu.memory_space<vmem>>, vector<16xi32>,
        %get3A_246 = arith.index_cast %scan3A_102 : i32 to index
        %get3A_247 = arith.constant 384 : index
        %get3A_248 = tpu.vector_load %arg5[%get3A_246, %get3A_247] {strides = array<i32>} : memref<16x512xf32, #tpu.memory_space<vmem>>, vector<16xf32>,
        %get3A_249 = arith.index_cast %scan3A_102 : i32 to index
        %get3A_250 = arith.constant 384 : index
        %get3A_251 = tpu.vector_load %arg7[%get3A_249, %get3A_250] {strides = array<i32>} : memref<16x512xi32, #tpu.memory_space<vmem>>, vector<16xi32>,
        %get3A_252 = arith.index_cast %scan3A_102 : i32 to index
        %get3A_253 = arith.constant 400 : index
        %get3A_254 = tpu.vector_load %arg5[%get3A_252, %get3A_253] {strides = array<i32>} : memref<16x512xf32, #tpu.memory_space<vmem>>, vector<16xf32>,
        %get3A_255 = arith.index_cast %scan3A_102 : i32 to index
        %get3A_256 = arith.constant 400 : index
        %get3A_257 = tpu.vector_load %arg7[%get3A_255, %get3A_256] {strides = array<i32>} : memref<16x512xi32, #tpu.memory_space<vmem>>, vector<16xi32>,
        %get3A_258 = arith.index_cast %scan3A_102 : i32 to index
        %get3A_259 = arith.constant 416 : index
        %get3A_260 = tpu.vector_load %arg5[%get3A_258, %get3A_259] {strides = array<i32>} : memref<16x512xf32, #tpu.memory_space<vmem>>, vector<16xf32>,
        %get3A_261 = arith.index_cast %scan3A_102 : i32 to index
        %get3A_262 = arith.constant 416 : index
        %get3A_263 = tpu.vector_load %arg7[%get3A_261, %get3A_262] {strides = array<i32>} : memref<16x512xi32, #tpu.memory_space<vmem>>, vector<16xi32>,
        %get3A_264 = arith.index_cast %scan3A_102 : i32 to index
        %get3A_265 = arith.constant 432 : index
        %get3A_266 = tpu.vector_load %arg5[%get3A_264, %get3A_265] {strides = array<i32>} : memref<16x512xf32, #tpu.memory_space<vmem>>, vector<16xf32>,
        %get3A_267 = arith.index_cast %scan3A_102 : i32 to index
        %get3A_268 = arith.constant 432 : index
        %get3A_269 = tpu.vector_load %arg7[%get3A_267, %get3A_268] {strides = array<i32>} : memref<16x512xi32, #tpu.memory_space<vmem>>, vector<16xi32>,
        %get3A_270 = arith.index_cast %scan3A_102 : i32 to index
        %get3A_271 = arith.constant 448 : index
        %get3A_272 = tpu.vector_load %arg5[%get3A_270, %get3A_271] {strides = array<i32>} : memref<16x512xf32, #tpu.memory_space<vmem>>, vector<16xf32>,
        %get3A_273 = arith.index_cast %scan3A_102 : i32 to index
        %get3A_274 = arith.constant 448 : index
        %get3A_275 = tpu.vector_load %arg7[%get3A_273, %get3A_274] {strides = array<i32>} : memref<16x512xi32, #tpu.memory_space<vmem>>, vector<16xi32>,
        %get3A_276 = arith.index_cast %scan3A_102 : i32 to index
        %get3A_277 = arith.constant 464 : index
        %get3A_278 = tpu.vector_load %arg5[%get3A_276, %get3A_277] {strides = array<i32>} : memref<16x512xf32, #tpu.memory_space<vmem>>, vector<16xf32>,
        %get3A_279 = arith.index_cast %scan3A_102 : i32 to index
        %get3A_280 = arith.constant 464 : index
        %get3A_281 = tpu.vector_load %arg7[%get3A_279, %get3A_280] {strides = array<i32>} : memref<16x512xi32, #tpu.memory_space<vmem>>, vector<16xi32>,
        %get3A_282 = arith.index_cast %scan3A_102 : i32 to index
        %get3A_283 = arith.constant 480 : index
        %get3A_284 = tpu.vector_load %arg5[%get3A_282, %get3A_283] {strides = array<i32>} : memref<16x512xf32, #tpu.memory_space<vmem>>, vector<16xf32>,
        %get3A_285 = arith.index_cast %scan3A_102 : i32 to index
        %get3A_286 = arith.constant 480 : index
        %get3A_287 = tpu.vector_load %arg7[%get3A_285, %get3A_286] {strides = array<i32>} : memref<16x512xi32, #tpu.memory_space<vmem>>, vector<16xi32>,
        %get3A_288 = arith.index_cast %scan3A_102 : i32 to index
        %get3A_289 = arith.constant 496 : index
        %get3A_290 = tpu.vector_load %arg5[%get3A_288, %get3A_289] {strides = array<i32>} : memref<16x512xf32, #tpu.memory_space<vmem>>, vector<16xf32>,
        %get3A_291 = arith.index_cast %scan3A_102 : i32 to index
        %get3A_292 = arith.constant 496 : index
        %get3A_293 = tpu.vector_load %arg7[%get3A_291, %get3A_292] {strides = array<i32>} : memref<16x512xi32, #tpu.memory_space<vmem>>, vector<16xi32>,
        %bitcast_convert_type3A = tpu.bitcast %get3A_104 : vector<16xf32> -> vector<16xi32>
        %shift_left3A = arith.constant 31 : i32
        %shift_left3A_294 = vector.broadcast %shift_left3A : i32 to vector<16xi32>
        %shift_left3A_295 = arith.shli %get3A_107, %shift_left3A_294 : vector<16xi32>
        %xor3A = arith.xori %bitcast_convert_type3A, %shift_left3A_295 : vector<16xi32>
        %bitcast_convert_type3A_296 = tpu.bitcast %xor3A : vector<16xi32> -> vector<16xf32>
        %add3A_297 = arith.constant 1.000000e+00 : f32
        %add3A_298 = vector.broadcast %add3A_297 : f32 to vector<16xf32>
        %add3A_299 = arith.addf %add3A_298, %bitcast_convert_type3A_296 : vector<16xf32>
        %max3A = arith.constant 0.000000e+00 : f32
        %max3A_300 = vector.broadcast %max3A : f32 to vector<16xf32>
        %max3A_301 = arith.maximumf %add3A_299, %max3A_300 : vector<16xf32>
        %mul3A_302 = arith.constant 85.3333359 : f32
        %mul3A_303 = vector.broadcast %mul3A_302 : f32 to vector<16xf32>
        %mul3A_304 = arith.mulf %max3A_301, %mul3A_303 : vector<16xf32>
        %sub3A = arith.subf %add3A_11, %mul3A_304 : vector<16xf32>
        %max3A_305 = arith.maximumf %sub3A, %convert_element_type3A : vector<16xf32>
        %convert_element_type3A_306 = arith.fptosi %max3A_305 : vector<16xf32> to vector<16xi32>
        %and3A = arith.constant -2 : i32
        %and3A_307 = vector.broadcast %and3A : i32 to vector<16xi32>
        %and3A_308 = arith.andi %convert_element_type3A_306, %and3A_307 : vector<16xi32>
        %add3A_309 = arith.addi %and3A_308, %get3A_107 : vector<16xi32>
        %bitcast_convert_type3A_310 = tpu.bitcast %get3A_110 : vector<16xf32> -> vector<16xi32>
        %shift_left3A_311 = arith.constant 31 : i32
        %shift_left3A_312 = vector.broadcast %shift_left3A_311 : i32 to vector<16xi32>
        %shift_left3A_313 = arith.shli %get3A_113, %shift_left3A_312 : vector<16xi32>
        %xor3A_314 = arith.xori %bitcast_convert_type3A_310, %shift_left3A_313 : vector<16xi32>
        %bitcast_convert_type3A_315 = tpu.bitcast %xor3A_314 : vector<16xi32> -> vector<16xf32>
        %add3A_316 = arith.constant 1.000000e+00 : f32
        %add3A_317 = vector.broadcast %add3A_316 : f32 to vector<16xf32>
        %add3A_318 = arith.addf %add3A_317, %bitcast_convert_type3A_315 : vector<16xf32>
        %max3A_319 = arith.constant 0.000000e+00 : f32
        %max3A_320 = vector.broadcast %max3A_319 : f32 to vector<16xf32>
        %max3A_321 = arith.maximumf %add3A_318, %max3A_320 : vector<16xf32>
        %mul3A_322 = arith.constant 85.3333359 : f32
        %mul3A_323 = vector.broadcast %mul3A_322 : f32 to vector<16xf32>
        %mul3A_324 = arith.mulf %max3A_321, %mul3A_323 : vector<16xf32>
        %sub3A_325 = arith.subf %add3A_11, %mul3A_324 : vector<16xf32>
        %max3A_326 = arith.maximumf %sub3A_325, %convert_element_type3A : vector<16xf32>
        %convert_element_type3A_327 = arith.fptosi %max3A_326 : vector<16xf32> to vector<16xi32>
        %and3A_328 = arith.constant -2 : i32
        %and3A_329 = vector.broadcast %and3A_328 : i32 to vector<16xi32>
        %and3A_330 = arith.andi %convert_element_type3A_327, %and3A_329 : vector<16xi32>
        %add3A_331 = arith.addi %and3A_330, %get3A_113 : vector<16xi32>
        %bitcast_convert_type3A_332 = tpu.bitcast %get3A_116 : vector<16xf32> -> vector<16xi32>
        %shift_left3A_333 = arith.constant 31 : i32
        %shift_left3A_334 = vector.broadcast %shift_left3A_333 : i32 to vector<16xi32>
        %shift_left3A_335 = arith.shli %get3A_119, %shift_left3A_334 : vector<16xi32>
        %xor3A_336 = arith.xori %bitcast_convert_type3A_332, %shift_left3A_335 : vector<16xi32>
        %bitcast_convert_type3A_337 = tpu.bitcast %xor3A_336 : vector<16xi32> -> vector<16xf32>
        %add3A_338 = arith.constant 1.000000e+00 : f32
        %add3A_339 = vector.broadcast %add3A_338 : f32 to vector<16xf32>
        %add3A_340 = arith.addf %add3A_339, %bitcast_convert_type3A_337 : vector<16xf32>
        %max3A_341 = arith.constant 0.000000e+00 : f32
        %max3A_342 = vector.broadcast %max3A_341 : f32 to vector<16xf32>
        %max3A_343 = arith.maximumf %add3A_340, %max3A_342 : vector<16xf32>
        %mul3A_344 = arith.constant 85.3333359 : f32
        %mul3A_345 = vector.broadcast %mul3A_344 : f32 to vector<16xf32>
        %mul3A_346 = arith.mulf %max3A_343, %mul3A_345 : vector<16xf32>
        %sub3A_347 = arith.subf %add3A_11, %mul3A_346 : vector<16xf32>
        %max3A_348 = arith.maximumf %sub3A_347, %convert_element_type3A : vector<16xf32>
        %convert_element_type3A_349 = arith.fptosi %max3A_348 : vector<16xf32> to vector<16xi32>
        %and3A_350 = arith.constant -2 : i32
        %and3A_351 = vector.broadcast %and3A_350 : i32 to vector<16xi32>
        %and3A_352 = arith.andi %convert_element_type3A_349, %and3A_351 : vector<16xi32>
        %add3A_353 = arith.addi %and3A_352, %get3A_119 : vector<16xi32>
        %bitcast_convert_type3A_354 = tpu.bitcast %get3A_122 : vector<16xf32> -> vector<16xi32>
        %shift_left3A_355 = arith.constant 31 : i32
        %shift_left3A_356 = vector.broadcast %shift_left3A_355 : i32 to vector<16xi32>
        %shift_left3A_357 = arith.shli %get3A_125, %shift_left3A_356 : vector<16xi32>
        %xor3A_358 = arith.xori %bitcast_convert_type3A_354, %shift_left3A_357 : vector<16xi32>
        %bitcast_convert_type3A_359 = tpu.bitcast %xor3A_358 : vector<16xi32> -> vector<16xf32>
        %add3A_360 = arith.constant 1.000000e+00 : f32
        %add3A_361 = vector.broadcast %add3A_360 : f32 to vector<16xf32>
        %add3A_362 = arith.addf %add3A_361, %bitcast_convert_type3A_359 : vector<16xf32>
        %max3A_363 = arith.constant 0.000000e+00 : f32
        %max3A_364 = vector.broadcast %max3A_363 : f32 to vector<16xf32>
        %max3A_365 = arith.maximumf %add3A_362, %max3A_364 : vector<16xf32>
        %mul3A_366 = arith.constant 85.3333359 : f32
        %mul3A_367 = vector.broadcast %mul3A_366 : f32 to vector<16xf32>
        %mul3A_368 = arith.mulf %max3A_365, %mul3A_367 : vector<16xf32>
        %sub3A_369 = arith.subf %add3A_11, %mul3A_368 : vector<16xf32>
        %max3A_370 = arith.maximumf %sub3A_369, %convert_element_type3A : vector<16xf32>
        %convert_element_type3A_371 = arith.fptosi %max3A_370 : vector<16xf32> to vector<16xi32>
        %and3A_372 = arith.constant -2 : i32
        %and3A_373 = vector.broadcast %and3A_372 : i32 to vector<16xi32>
        %and3A_374 = arith.andi %convert_element_type3A_371, %and3A_373 : vector<16xi32>
        %add3A_375 = arith.addi %and3A_374, %get3A_125 : vector<16xi32>
        %bitcast_convert_type3A_376 = tpu.bitcast %get3A_128 : vector<16xf32> -> vector<16xi32>
        %shift_left3A_377 = arith.constant 31 : i32
        %shift_left3A_378 = vector.broadcast %shift_left3A_377 : i32 to vector<16xi32>
        %shift_left3A_379 = arith.shli %get3A_131, %shift_left3A_378 : vector<16xi32>
        %xor3A_380 = arith.xori %bitcast_convert_type3A_376, %shift_left3A_379 : vector<16xi32>
        %bitcast_convert_type3A_381 = tpu.bitcast %xor3A_380 : vector<16xi32> -> vector<16xf32>
        %add3A_382 = arith.constant 1.000000e+00 : f32
        %add3A_383 = vector.broadcast %add3A_382 : f32 to vector<16xf32>
        %add3A_384 = arith.addf %add3A_383, %bitcast_convert_type3A_381 : vector<16xf32>
        %max3A_385 = arith.constant 0.000000e+00 : f32
        %max3A_386 = vector.broadcast %max3A_385 : f32 to vector<16xf32>
        %max3A_387 = arith.maximumf %add3A_384, %max3A_386 : vector<16xf32>
        %mul3A_388 = arith.constant 85.3333359 : f32
        %mul3A_389 = vector.broadcast %mul3A_388 : f32 to vector<16xf32>
        %mul3A_390 = arith.mulf %max3A_387, %mul3A_389 : vector<16xf32>
        %sub3A_391 = arith.subf %add3A_11, %mul3A_390 : vector<16xf32>
        %max3A_392 = arith.maximumf %sub3A_391, %convert_element_type3A : vector<16xf32>
        %convert_element_type3A_393 = arith.fptosi %max3A_392 : vector<16xf32> to vector<16xi32>
        %and3A_394 = arith.constant -2 : i32
        %and3A_395 = vector.broadcast %and3A_394 : i32 to vector<16xi32>
        %and3A_396 = arith.andi %convert_element_type3A_393, %and3A_395 : vector<16xi32>
        %add3A_397 = arith.addi %and3A_396, %get3A_131 : vector<16xi32>
        %bitcast_convert_type3A_398 = tpu.bitcast %get3A_134 : vector<16xf32> -> vector<16xi32>
        %shift_left3A_399 = arith.constant 31 : i32
        %shift_left3A_400 = vector.broadcast %shift_left3A_399 : i32 to vector<16xi32>
        %shift_left3A_401 = arith.shli %get3A_137, %shift_left3A_400 : vector<16xi32>
        %xor3A_402 = arith.xori %bitcast_convert_type3A_398, %shift_left3A_401 : vector<16xi32>
        %bitcast_convert_type3A_403 = tpu.bitcast %xor3A_402 : vector<16xi32> -> vector<16xf32>
        %add3A_404 = arith.constant 1.000000e+00 : f32
        %add3A_405 = vector.broadcast %add3A_404 : f32 to vector<16xf32>
        %add3A_406 = arith.addf %add3A_405, %bitcast_convert_type3A_403 : vector<16xf32>
        %max3A_407 = arith.constant 0.000000e+00 : f32
        %max3A_408 = vector.broadcast %max3A_407 : f32 to vector<16xf32>
        %max3A_409 = arith.maximumf %add3A_406, %max3A_408 : vector<16xf32>
        %mul3A_410 = arith.constant 85.3333359 : f32
        %mul3A_411 = vector.broadcast %mul3A_410 : f32 to vector<16xf32>
        %mul3A_412 = arith.mulf %max3A_409, %mul3A_411 : vector<16xf32>
        %sub3A_413 = arith.subf %add3A_11, %mul3A_412 : vector<16xf32>
        %max3A_414 = arith.maximumf %sub3A_413, %convert_element_type3A : vector<16xf32>
        %convert_element_type3A_415 = arith.fptosi %max3A_414 : vector<16xf32> to vector<16xi32>
        %and3A_416 = arith.constant -2 : i32
        %and3A_417 = vector.broadcast %and3A_416 : i32 to vector<16xi32>
        %and3A_418 = arith.andi %convert_element_type3A_415, %and3A_417 : vector<16xi32>
        %add3A_419 = arith.addi %and3A_418, %get3A_137 : vector<16xi32>
        %bitcast_convert_type3A_420 = tpu.bitcast %get3A_140 : vector<16xf32> -> vector<16xi32>
        %shift_left3A_421 = arith.constant 31 : i32
        %shift_left3A_422 = vector.broadcast %shift_left3A_421 : i32 to vector<16xi32>
        %shift_left3A_423 = arith.shli %get3A_143, %shift_left3A_422 : vector<16xi32>
        %xor3A_424 = arith.xori %bitcast_convert_type3A_420, %shift_left3A_423 : vector<16xi32>
        %bitcast_convert_type3A_425 = tpu.bitcast %xor3A_424 : vector<16xi32> -> vector<16xf32>
        %add3A_426 = arith.constant 1.000000e+00 : f32
        %add3A_427 = vector.broadcast %add3A_426 : f32 to vector<16xf32>
        %add3A_428 = arith.addf %add3A_427, %bitcast_convert_type3A_425 : vector<16xf32>
        %max3A_429 = arith.constant 0.000000e+00 : f32
        %max3A_430 = vector.broadcast %max3A_429 : f32 to vector<16xf32>
        %max3A_431 = arith.maximumf %add3A_428, %max3A_430 : vector<16xf32>
        %mul3A_432 = arith.constant 85.3333359 : f32
        %mul3A_433 = vector.broadcast %mul3A_432 : f32 to vector<16xf32>
        %mul3A_434 = arith.mulf %max3A_431, %mul3A_433 : vector<16xf32>
        %sub3A_435 = arith.subf %add3A_11, %mul3A_434 : vector<16xf32>
        %max3A_436 = arith.maximumf %sub3A_435, %convert_element_type3A : vector<16xf32>
        %convert_element_type3A_437 = arith.fptosi %max3A_436 : vector<16xf32> to vector<16xi32>
        %and3A_438 = arith.constant -2 : i32
        %and3A_439 = vector.broadcast %and3A_438 : i32 to vector<16xi32>
        %and3A_440 = arith.andi %convert_element_type3A_437, %and3A_439 : vector<16xi32>
        %add3A_441 = arith.addi %and3A_440, %get3A_143 : vector<16xi32>
        %bitcast_convert_type3A_442 = tpu.bitcast %get3A_146 : vector<16xf32> -> vector<16xi32>
        %shift_left3A_443 = arith.constant 31 : i32
        %shift_left3A_444 = vector.broadcast %shift_left3A_443 : i32 to vector<16xi32>
        %shift_left3A_445 = arith.shli %get3A_149, %shift_left3A_444 : vector<16xi32>
        %xor3A_446 = arith.xori %bitcast_convert_type3A_442, %shift_left3A_445 : vector<16xi32>
        %bitcast_convert_type3A_447 = tpu.bitcast %xor3A_446 : vector<16xi32> -> vector<16xf32>
        %add3A_448 = arith.constant 1.000000e+00 : f32
        %add3A_449 = vector.broadcast %add3A_448 : f32 to vector<16xf32>
        %add3A_450 = arith.addf %add3A_449, %bitcast_convert_type3A_447 : vector<16xf32>
        %max3A_451 = arith.constant 0.000000e+00 : f32
        %max3A_452 = vector.broadcast %max3A_451 : f32 to vector<16xf32>
        %max3A_453 = arith.maximumf %add3A_450, %max3A_452 : vector<16xf32>
        %mul3A_454 = arith.constant 85.3333359 : f32
        %mul3A_455 = vector.broadcast %mul3A_454 : f32 to vector<16xf32>
        %mul3A_456 = arith.mulf %max3A_453, %mul3A_455 : vector<16xf32>
        %sub3A_457 = arith.subf %add3A_11, %mul3A_456 : vector<16xf32>
        %max3A_458 = arith.maximumf %sub3A_457, %convert_element_type3A : vector<16xf32>
        %convert_element_type3A_459 = arith.fptosi %max3A_458 : vector<16xf32> to vector<16xi32>
        %and3A_460 = arith.constant -2 : i32
        %and3A_461 = vector.broadcast %and3A_460 : i32 to vector<16xi32>
        %and3A_462 = arith.andi %convert_element_type3A_459, %and3A_461 : vector<16xi32>
        %add3A_463 = arith.addi %and3A_462, %get3A_149 : vector<16xi32>
        %bitcast_convert_type3A_464 = tpu.bitcast %get3A_152 : vector<16xf32> -> vector<16xi32>
        %shift_left3A_465 = arith.constant 31 : i32
        %shift_left3A_466 = vector.broadcast %shift_left3A_465 : i32 to vector<16xi32>
        %shift_left3A_467 = arith.shli %get3A_155, %shift_left3A_466 : vector<16xi32>
        %xor3A_468 = arith.xori %bitcast_convert_type3A_464, %shift_left3A_467 : vector<16xi32>
        %bitcast_convert_type3A_469 = tpu.bitcast %xor3A_468 : vector<16xi32> -> vector<16xf32>
        %add3A_470 = arith.constant 1.000000e+00 : f32
        %add3A_471 = vector.broadcast %add3A_470 : f32 to vector<16xf32>
        %add3A_472 = arith.addf %add3A_471, %bitcast_convert_type3A_469 : vector<16xf32>
        %max3A_473 = arith.constant 0.000000e+00 : f32
        %max3A_474 = vector.broadcast %max3A_473 : f32 to vector<16xf32>
        %max3A_475 = arith.maximumf %add3A_472, %max3A_474 : vector<16xf32>
        %mul3A_476 = arith.constant 85.3333359 : f32
        %mul3A_477 = vector.broadcast %mul3A_476 : f32 to vector<16xf32>
        %mul3A_478 = arith.mulf %max3A_475, %mul3A_477 : vector<16xf32>
        %sub3A_479 = arith.subf %add3A_11, %mul3A_478 : vector<16xf32>
        %max3A_480 = arith.maximumf %sub3A_479, %convert_element_type3A : vector<16xf32>
        %convert_element_type3A_481 = arith.fptosi %max3A_480 : vector<16xf32> to vector<16xi32>
        %and3A_482 = arith.constant -2 : i32
        %and3A_483 = vector.broadcast %and3A_482 : i32 to vector<16xi32>
        %and3A_484 = arith.andi %convert_element_type3A_481, %and3A_483 : vector<16xi32>
        %add3A_485 = arith.addi %and3A_484, %get3A_155 : vector<16xi32>
        %bitcast_convert_type3A_486 = tpu.bitcast %get3A_158 : vector<16xf32> -> vector<16xi32>
        %shift_left3A_487 = arith.constant 31 : i32
        %shift_left3A_488 = vector.broadcast %shift_left3A_487 : i32 to vector<16xi32>
        %shift_left3A_489 = arith.shli %get3A_161, %shift_left3A_488 : vector<16xi32>
        %xor3A_490 = arith.xori %bitcast_convert_type3A_486, %shift_left3A_489 : vector<16xi32>
        %bitcast_convert_type3A_491 = tpu.bitcast %xor3A_490 : vector<16xi32> -> vector<16xf32>
        %add3A_492 = arith.constant 1.000000e+00 : f32
        %add3A_493 = vector.broadcast %add3A_492 : f32 to vector<16xf32>
        %add3A_494 = arith.addf %add3A_493, %bitcast_convert_type3A_491 : vector<16xf32>
        %max3A_495 = arith.constant 0.000000e+00 : f32
        %max3A_496 = vector.broadcast %max3A_495 : f32 to vector<16xf32>
        %max3A_497 = arith.maximumf %add3A_494, %max3A_496 : vector<16xf32>
        %mul3A_498 = arith.constant 85.3333359 : f32
        %mul3A_499 = vector.broadcast %mul3A_498 : f32 to vector<16xf32>
        %mul3A_500 = arith.mulf %max3A_497, %mul3A_499 : vector<16xf32>
        %sub3A_501 = arith.subf %add3A_11, %mul3A_500 : vector<16xf32>
        %max3A_502 = arith.maximumf %sub3A_501, %convert_element_type3A : vector<16xf32>
        %convert_element_type3A_503 = arith.fptosi %max3A_502 : vector<16xf32> to vector<16xi32>
        %and3A_504 = arith.constant -2 : i32
        %and3A_505 = vector.broadcast %and3A_504 : i32 to vector<16xi32>
        %and3A_506 = arith.andi %convert_element_type3A_503, %and3A_505 : vector<16xi32>
        %add3A_507 = arith.addi %and3A_506, %get3A_161 : vector<16xi32>
        %bitcast_convert_type3A_508 = tpu.bitcast %get3A_164 : vector<16xf32> -> vector<16xi32>
        %shift_left3A_509 = arith.constant 31 : i32
        %shift_left3A_510 = vector.broadcast %shift_left3A_509 : i32 to vector<16xi32>
        %shift_left3A_511 = arith.shli %get3A_167, %shift_left3A_510 : vector<16xi32>
        %xor3A_512 = arith.xori %bitcast_convert_type3A_508, %shift_left3A_511 : vector<16xi32>
        %bitcast_convert_type3A_513 = tpu.bitcast %xor3A_512 : vector<16xi32> -> vector<16xf32>
        %add3A_514 = arith.constant 1.000000e+00 : f32
        %add3A_515 = vector.broadcast %add3A_514 : f32 to vector<16xf32>
        %add3A_516 = arith.addf %add3A_515, %bitcast_convert_type3A_513 : vector<16xf32>
        %max3A_517 = arith.constant 0.000000e+00 : f32
        %max3A_518 = vector.broadcast %max3A_517 : f32 to vector<16xf32>
        %max3A_519 = arith.maximumf %add3A_516, %max3A_518 : vector<16xf32>
        %mul3A_520 = arith.constant 85.3333359 : f32
        %mul3A_521 = vector.broadcast %mul3A_520 : f32 to vector<16xf32>
        %mul3A_522 = arith.mulf %max3A_519, %mul3A_521 : vector<16xf32>
        %sub3A_523 = arith.subf %add3A_11, %mul3A_522 : vector<16xf32>
        %max3A_524 = arith.maximumf %sub3A_523, %convert_element_type3A : vector<16xf32>
        %convert_element_type3A_525 = arith.fptosi %max3A_524 : vector<16xf32> to vector<16xi32>
        %and3A_526 = arith.constant -2 : i32
        %and3A_527 = vector.broadcast %and3A_526 : i32 to vector<16xi32>
        %and3A_528 = arith.andi %convert_element_type3A_525, %and3A_527 : vector<16xi32>
        %add3A_529 = arith.addi %and3A_528, %get3A_167 : vector<16xi32>
        %bitcast_convert_type3A_530 = tpu.bitcast %get3A_170 : vector<16xf32> -> vector<16xi32>
        %shift_left3A_531 = arith.constant 31 : i32
        %shift_left3A_532 = vector.broadcast %shift_left3A_531 : i32 to vector<16xi32>
        %shift_left3A_533 = arith.shli %get3A_173, %shift_left3A_532 : vector<16xi32>
        %xor3A_534 = arith.xori %bitcast_convert_type3A_530, %shift_left3A_533 : vector<16xi32>
        %bitcast_convert_type3A_535 = tpu.bitcast %xor3A_534 : vector<16xi32> -> vector<16xf32>
        %add3A_536 = arith.constant 1.000000e+00 : f32
        %add3A_537 = vector.broadcast %add3A_536 : f32 to vector<16xf32>
        %add3A_538 = arith.addf %add3A_537, %bitcast_convert_type3A_535 : vector<16xf32>
        %max3A_539 = arith.constant 0.000000e+00 : f32
        %max3A_540 = vector.broadcast %max3A_539 : f32 to vector<16xf32>
        %max3A_541 = arith.maximumf %add3A_538, %max3A_540 : vector<16xf32>
        %mul3A_542 = arith.constant 85.3333359 : f32
        %mul3A_543 = vector.broadcast %mul3A_542 : f32 to vector<16xf32>
        %mul3A_544 = arith.mulf %max3A_541, %mul3A_543 : vector<16xf32>
        %sub3A_545 = arith.subf %add3A_11, %mul3A_544 : vector<16xf32>
        %max3A_546 = arith.maximumf %sub3A_545, %convert_element_type3A : vector<16xf32>
        %convert_element_type3A_547 = arith.fptosi %max3A_546 : vector<16xf32> to vector<16xi32>
        %and3A_548 = arith.constant -2 : i32
        %and3A_549 = vector.broadcast %and3A_548 : i32 to vector<16xi32>
        %and3A_550 = arith.andi %convert_element_type3A_547, %and3A_549 : vector<16xi32>
        %add3A_551 = arith.addi %and3A_550, %get3A_173 : vector<16xi32>
        %bitcast_convert_type3A_552 = tpu.bitcast %get3A_176 : vector<16xf32> -> vector<16xi32>
        %shift_left3A_553 = arith.constant 31 : i32
        %shift_left3A_554 = vector.broadcast %shift_left3A_553 : i32 to vector<16xi32>
        %shift_left3A_555 = arith.shli %get3A_179, %shift_left3A_554 : vector<16xi32>
        %xor3A_556 = arith.xori %bitcast_convert_type3A_552, %shift_left3A_555 : vector<16xi32>
        %bitcast_convert_type3A_557 = tpu.bitcast %xor3A_556 : vector<16xi32> -> vector<16xf32>
        %add3A_558 = arith.constant 1.000000e+00 : f32
        %add3A_559 = vector.broadcast %add3A_558 : f32 to vector<16xf32>
        %add3A_560 = arith.addf %add3A_559, %bitcast_convert_type3A_557 : vector<16xf32>
        %max3A_561 = arith.constant 0.000000e+00 : f32
        %max3A_562 = vector.broadcast %max3A_561 : f32 to vector<16xf32>
        %max3A_563 = arith.maximumf %add3A_560, %max3A_562 : vector<16xf32>
        %mul3A_564 = arith.constant 85.3333359 : f32
        %mul3A_565 = vector.broadcast %mul3A_564 : f32 to vector<16xf32>
        %mul3A_566 = arith.mulf %max3A_563, %mul3A_565 : vector<16xf32>
        %sub3A_567 = arith.subf %add3A_11, %mul3A_566 : vector<16xf32>
        %max3A_568 = arith.maximumf %sub3A_567, %convert_element_type3A : vector<16xf32>
        %convert_element_type3A_569 = arith.fptosi %max3A_568 : vector<16xf32> to vector<16xi32>
        %and3A_570 = arith.constant -2 : i32
        %and3A_571 = vector.broadcast %and3A_570 : i32 to vector<16xi32>
        %and3A_572 = arith.andi %convert_element_type3A_569, %and3A_571 : vector<16xi32>
        %add3A_573 = arith.addi %and3A_572, %get3A_179 : vector<16xi32>
        %bitcast_convert_type3A_574 = tpu.bitcast %get3A_182 : vector<16xf32> -> vector<16xi32>
        %shift_left3A_575 = arith.constant 31 : i32
        %shift_left3A_576 = vector.broadcast %shift_left3A_575 : i32 to vector<16xi32>
        %shift_left3A_577 = arith.shli %get3A_185, %shift_left3A_576 : vector<16xi32>
        %xor3A_578 = arith.xori %bitcast_convert_type3A_574, %shift_left3A_577 : vector<16xi32>
        %bitcast_convert_type3A_579 = tpu.bitcast %xor3A_578 : vector<16xi32> -> vector<16xf32>
        %add3A_580 = arith.constant 1.000000e+00 : f32
        %add3A_581 = vector.broadcast %add3A_580 : f32 to vector<16xf32>
        %add3A_582 = arith.addf %add3A_581, %bitcast_convert_type3A_579 : vector<16xf32>
        %max3A_583 = arith.constant 0.000000e+00 : f32
        %max3A_584 = vector.broadcast %max3A_583 : f32 to vector<16xf32>
        %max3A_585 = arith.maximumf %add3A_582, %max3A_584 : vector<16xf32>
        %mul3A_586 = arith.constant 85.3333359 : f32
        %mul3A_587 = vector.broadcast %mul3A_586 : f32 to vector<16xf32>
        %mul3A_588 = arith.mulf %max3A_585, %mul3A_587 : vector<16xf32>
        %sub3A_589 = arith.subf %add3A_11, %mul3A_588 : vector<16xf32>
        %max3A_590 = arith.maximumf %sub3A_589, %convert_element_type3A : vector<16xf32>
        %convert_element_type3A_591 = arith.fptosi %max3A_590 : vector<16xf32> to vector<16xi32>
        %and3A_592 = arith.constant -2 : i32
        %and3A_593 = vector.broadcast %and3A_592 : i32 to vector<16xi32>
        %and3A_594 = arith.andi %convert_element_type3A_591, %and3A_593 : vector<16xi32>
        %add3A_595 = arith.addi %and3A_594, %get3A_185 : vector<16xi32>
        %bitcast_convert_type3A_596 = tpu.bitcast %get3A_188 : vector<16xf32> -> vector<16xi32>
        %shift_left3A_597 = arith.constant 31 : i32
        %shift_left3A_598 = vector.broadcast %shift_left3A_597 : i32 to vector<16xi32>
        %shift_left3A_599 = arith.shli %get3A_191, %shift_left3A_598 : vector<16xi32>
        %xor3A_600 = arith.xori %bitcast_convert_type3A_596, %shift_left3A_599 : vector<16xi32>
        %bitcast_convert_type3A_601 = tpu.bitcast %xor3A_600 : vector<16xi32> -> vector<16xf32>
        %add3A_602 = arith.constant 1.000000e+00 : f32
        %add3A_603 = vector.broadcast %add3A_602 : f32 to vector<16xf32>
        %add3A_604 = arith.addf %add3A_603, %bitcast_convert_type3A_601 : vector<16xf32>
        %max3A_605 = arith.constant 0.000000e+00 : f32
        %max3A_606 = vector.broadcast %max3A_605 : f32 to vector<16xf32>
        %max3A_607 = arith.maximumf %add3A_604, %max3A_606 : vector<16xf32>
        %mul3A_608 = arith.constant 85.3333359 : f32
        %mul3A_609 = vector.broadcast %mul3A_608 : f32 to vector<16xf32>
        %mul3A_610 = arith.mulf %max3A_607, %mul3A_609 : vector<16xf32>
        %sub3A_611 = arith.subf %add3A_11, %mul3A_610 : vector<16xf32>
        %max3A_612 = arith.maximumf %sub3A_611, %convert_element_type3A : vector<16xf32>
        %convert_element_type3A_613 = arith.fptosi %max3A_612 : vector<16xf32> to vector<16xi32>
        %and3A_614 = arith.constant -2 : i32
        %and3A_615 = vector.broadcast %and3A_614 : i32 to vector<16xi32>
        %and3A_616 = arith.andi %convert_element_type3A_613, %and3A_615 : vector<16xi32>
        %add3A_617 = arith.addi %and3A_616, %get3A_191 : vector<16xi32>
        %bitcast_convert_type3A_618 = tpu.bitcast %get3A_194 : vector<16xf32> -> vector<16xi32>
        %shift_left3A_619 = arith.constant 31 : i32
        %shift_left3A_620 = vector.broadcast %shift_left3A_619 : i32 to vector<16xi32>
        %shift_left3A_621 = arith.shli %get3A_197, %shift_left3A_620 : vector<16xi32>
        %xor3A_622 = arith.xori %bitcast_convert_type3A_618, %shift_left3A_621 : vector<16xi32>
        %bitcast_convert_type3A_623 = tpu.bitcast %xor3A_622 : vector<16xi32> -> vector<16xf32>
        %add3A_624 = arith.constant 1.000000e+00 : f32
        %add3A_625 = vector.broadcast %add3A_624 : f32 to vector<16xf32>
        %add3A_626 = arith.addf %add3A_625, %bitcast_convert_type3A_623 : vector<16xf32>
        %max3A_627 = arith.constant 0.000000e+00 : f32
        %max3A_628 = vector.broadcast %max3A_627 : f32 to vector<16xf32>
        %max3A_629 = arith.maximumf %add3A_626, %max3A_628 : vector<16xf32>
        %mul3A_630 = arith.constant 85.3333359 : f32
        %mul3A_631 = vector.broadcast %mul3A_630 : f32 to vector<16xf32>
        %mul3A_632 = arith.mulf %max3A_629, %mul3A_631 : vector<16xf32>
        %sub3A_633 = arith.subf %add3A_11, %mul3A_632 : vector<16xf32>
        %max3A_634 = arith.maximumf %sub3A_633, %convert_element_type3A : vector<16xf32>
        %convert_element_type3A_635 = arith.fptosi %max3A_634 : vector<16xf32> to vector<16xi32>
        %and3A_636 = arith.constant -2 : i32
        %and3A_637 = vector.broadcast %and3A_636 : i32 to vector<16xi32>
        %and3A_638 = arith.andi %convert_element_type3A_635, %and3A_637 : vector<16xi32>
        %add3A_639 = arith.addi %and3A_638, %get3A_197 : vector<16xi32>
        %bitcast_convert_type3A_640 = tpu.bitcast %get3A_200 : vector<16xf32> -> vector<16xi32>
        %shift_left3A_641 = arith.constant 31 : i32
        %shift_left3A_642 = vector.broadcast %shift_left3A_641 : i32 to vector<16xi32>
        %shift_left3A_643 = arith.shli %get3A_203, %shift_left3A_642 : vector<16xi32>
        %xor3A_644 = arith.xori %bitcast_convert_type3A_640, %shift_left3A_643 : vector<16xi32>
        %bitcast_convert_type3A_645 = tpu.bitcast %xor3A_644 : vector<16xi32> -> vector<16xf32>
        %add3A_646 = arith.constant 1.000000e+00 : f32
        %add3A_647 = vector.broadcast %add3A_646 : f32 to vector<16xf32>
        %add3A_648 = arith.addf %add3A_647, %bitcast_convert_type3A_645 : vector<16xf32>
        %max3A_649 = arith.constant 0.000000e+00 : f32
        %max3A_650 = vector.broadcast %max3A_649 : f32 to vector<16xf32>
        %max3A_651 = arith.maximumf %add3A_648, %max3A_650 : vector<16xf32>
        %mul3A_652 = arith.constant 85.3333359 : f32
        %mul3A_653 = vector.broadcast %mul3A_652 : f32 to vector<16xf32>
        %mul3A_654 = arith.mulf %max3A_651, %mul3A_653 : vector<16xf32>
        %sub3A_655 = arith.subf %add3A_11, %mul3A_654 : vector<16xf32>
        %max3A_656 = arith.maximumf %sub3A_655, %convert_element_type3A : vector<16xf32>
        %convert_element_type3A_657 = arith.fptosi %max3A_656 : vector<16xf32> to vector<16xi32>
        %and3A_658 = arith.constant -2 : i32
        %and3A_659 = vector.broadcast %and3A_658 : i32 to vector<16xi32>
        %and3A_660 = arith.andi %convert_element_type3A_657, %and3A_659 : vector<16xi32>
        %add3A_661 = arith.addi %and3A_660, %get3A_203 : vector<16xi32>
        %bitcast_convert_type3A_662 = tpu.bitcast %get3A_206 : vector<16xf32> -> vector<16xi32>
        %shift_left3A_663 = arith.constant 31 : i32
        %shift_left3A_664 = vector.broadcast %shift_left3A_663 : i32 to vector<16xi32>
        %shift_left3A_665 = arith.shli %get3A_209, %shift_left3A_664 : vector<16xi32>
        %xor3A_666 = arith.xori %bitcast_convert_type3A_662, %shift_left3A_665 : vector<16xi32>
        %bitcast_convert_type3A_667 = tpu.bitcast %xor3A_666 : vector<16xi32> -> vector<16xf32>
        %add3A_668 = arith.constant 1.000000e+00 : f32
        %add3A_669 = vector.broadcast %add3A_668 : f32 to vector<16xf32>
        %add3A_670 = arith.addf %add3A_669, %bitcast_convert_type3A_667 : vector<16xf32>
        %max3A_671 = arith.constant 0.000000e+00 : f32
        %max3A_672 = vector.broadcast %max3A_671 : f32 to vector<16xf32>
        %max3A_673 = arith.maximumf %add3A_670, %max3A_672 : vector<16xf32>
        %mul3A_674 = arith.constant 85.3333359 : f32
        %mul3A_675 = vector.broadcast %mul3A_674 : f32 to vector<16xf32>
        %mul3A_676 = arith.mulf %max3A_673, %mul3A_675 : vector<16xf32>
        %sub3A_677 = arith.subf %add3A_11, %mul3A_676 : vector<16xf32>
        %max3A_678 = arith.maximumf %sub3A_677, %convert_element_type3A : vector<16xf32>
        %convert_element_type3A_679 = arith.fptosi %max3A_678 : vector<16xf32> to vector<16xi32>
        %and3A_680 = arith.constant -2 : i32
        %and3A_681 = vector.broadcast %and3A_680 : i32 to vector<16xi32>
        %and3A_682 = arith.andi %convert_element_type3A_679, %and3A_681 : vector<16xi32>
        %add3A_683 = arith.addi %and3A_682, %get3A_209 : vector<16xi32>
        %bitcast_convert_type3A_684 = tpu.bitcast %get3A_212 : vector<16xf32> -> vector<16xi32>
        %shift_left3A_685 = arith.constant 31 : i32
        %shift_left3A_686 = vector.broadcast %shift_left3A_685 : i32 to vector<16xi32>
        %shift_left3A_687 = arith.shli %get3A_215, %shift_left3A_686 : vector<16xi32>
        %xor3A_688 = arith.xori %bitcast_convert_type3A_684, %shift_left3A_687 : vector<16xi32>
        %bitcast_convert_type3A_689 = tpu.bitcast %xor3A_688 : vector<16xi32> -> vector<16xf32>
        %add3A_690 = arith.constant 1.000000e+00 : f32
        %add3A_691 = vector.broadcast %add3A_690 : f32 to vector<16xf32>
        %add3A_692 = arith.addf %add3A_691, %bitcast_convert_type3A_689 : vector<16xf32>
        %max3A_693 = arith.constant 0.000000e+00 : f32
        %max3A_694 = vector.broadcast %max3A_693 : f32 to vector<16xf32>
        %max3A_695 = arith.maximumf %add3A_692, %max3A_694 : vector<16xf32>
        %mul3A_696 = arith.constant 85.3333359 : f32
        %mul3A_697 = vector.broadcast %mul3A_696 : f32 to vector<16xf32>
        %mul3A_698 = arith.mulf %max3A_695, %mul3A_697 : vector<16xf32>
        %sub3A_699 = arith.subf %add3A_11, %mul3A_698 : vector<16xf32>
        %max3A_700 = arith.maximumf %sub3A_699, %convert_element_type3A : vector<16xf32>
        %convert_element_type3A_701 = arith.fptosi %max3A_700 : vector<16xf32> to vector<16xi32>
        %and3A_702 = arith.constant -2 : i32
        %and3A_703 = vector.broadcast %and3A_702 : i32 to vector<16xi32>
        %and3A_704 = arith.andi %convert_element_type3A_701, %and3A_703 : vector<16xi32>
        %add3A_705 = arith.addi %and3A_704, %get3A_215 : vector<16xi32>
        %bitcast_convert_type3A_706 = tpu.bitcast %get3A_218 : vector<16xf32> -> vector<16xi32>
        %shift_left3A_707 = arith.constant 31 : i32
        %shift_left3A_708 = vector.broadcast %shift_left3A_707 : i32 to vector<16xi32>
        %shift_left3A_709 = arith.shli %get3A_221, %shift_left3A_708 : vector<16xi32>
        %xor3A_710 = arith.xori %bitcast_convert_type3A_706, %shift_left3A_709 : vector<16xi32>
        %bitcast_convert_type3A_711 = tpu.bitcast %xor3A_710 : vector<16xi32> -> vector<16xf32>
        %add3A_712 = arith.constant 1.000000e+00 : f32
        %add3A_713 = vector.broadcast %add3A_712 : f32 to vector<16xf32>
        %add3A_714 = arith.addf %add3A_713, %bitcast_convert_type3A_711 : vector<16xf32>
        %max3A_715 = arith.constant 0.000000e+00 : f32
        %max3A_716 = vector.broadcast %max3A_715 : f32 to vector<16xf32>
        %max3A_717 = arith.maximumf %add3A_714, %max3A_716 : vector<16xf32>
        %mul3A_718 = arith.constant 85.3333359 : f32
        %mul3A_719 = vector.broadcast %mul3A_718 : f32 to vector<16xf32>
        %mul3A_720 = arith.mulf %max3A_717, %mul3A_719 : vector<16xf32>
        %sub3A_721 = arith.subf %add3A_11, %mul3A_720 : vector<16xf32>
        %max3A_722 = arith.maximumf %sub3A_721, %convert_element_type3A : vector<16xf32>
        %convert_element_type3A_723 = arith.fptosi %max3A_722 : vector<16xf32> to vector<16xi32>
        %and3A_724 = arith.constant -2 : i32
        %and3A_725 = vector.broadcast %and3A_724 : i32 to vector<16xi32>
        %and3A_726 = arith.andi %convert_element_type3A_723, %and3A_725 : vector<16xi32>
        %add3A_727 = arith.addi %and3A_726, %get3A_221 : vector<16xi32>
        %bitcast_convert_type3A_728 = tpu.bitcast %get3A_224 : vector<16xf32> -> vector<16xi32>
        %shift_left3A_729 = arith.constant 31 : i32
        %shift_left3A_730 = vector.broadcast %shift_left3A_729 : i32 to vector<16xi32>
        %shift_left3A_731 = arith.shli %get3A_227, %shift_left3A_730 : vector<16xi32>
        %xor3A_732 = arith.xori %bitcast_convert_type3A_728, %shift_left3A_731 : vector<16xi32>
        %bitcast_convert_type3A_733 = tpu.bitcast %xor3A_732 : vector<16xi32> -> vector<16xf32>
        %add3A_734 = arith.constant 1.000000e+00 : f32
        %add3A_735 = vector.broadcast %add3A_734 : f32 to vector<16xf32>
        %add3A_736 = arith.addf %add3A_735, %bitcast_convert_type3A_733 : vector<16xf32>
        %max3A_737 = arith.constant 0.000000e+00 : f32
        %max3A_738 = vector.broadcast %max3A_737 : f32 to vector<16xf32>
        %max3A_739 = arith.maximumf %add3A_736, %max3A_738 : vector<16xf32>
        %mul3A_740 = arith.constant 85.3333359 : f32
        %mul3A_741 = vector.broadcast %mul3A_740 : f32 to vector<16xf32>
        %mul3A_742 = arith.mulf %max3A_739, %mul3A_741 : vector<16xf32>
        %sub3A_743 = arith.subf %add3A_11, %mul3A_742 : vector<16xf32>
        %max3A_744 = arith.maximumf %sub3A_743, %convert_element_type3A : vector<16xf32>
        %convert_element_type3A_745 = arith.fptosi %max3A_744 : vector<16xf32> to vector<16xi32>
        %and3A_746 = arith.constant -2 : i32
        %and3A_747 = vector.broadcast %and3A_746 : i32 to vector<16xi32>
        %and3A_748 = arith.andi %convert_element_type3A_745, %and3A_747 : vector<16xi32>
        %add3A_749 = arith.addi %and3A_748, %get3A_227 : vector<16xi32>
        %bitcast_convert_type3A_750 = tpu.bitcast %get3A_230 : vector<16xf32> -> vector<16xi32>
        %shift_left3A_751 = arith.constant 31 : i32
        %shift_left3A_752 = vector.broadcast %shift_left3A_751 : i32 to vector<16xi32>
        %shift_left3A_753 = arith.shli %get3A_233, %shift_left3A_752 : vector<16xi32>
        %xor3A_754 = arith.xori %bitcast_convert_type3A_750, %shift_left3A_753 : vector<16xi32>
        %bitcast_convert_type3A_755 = tpu.bitcast %xor3A_754 : vector<16xi32> -> vector<16xf32>
        %add3A_756 = arith.constant 1.000000e+00 : f32
        %add3A_757 = vector.broadcast %add3A_756 : f32 to vector<16xf32>
        %add3A_758 = arith.addf %add3A_757, %bitcast_convert_type3A_755 : vector<16xf32>
        %max3A_759 = arith.constant 0.000000e+00 : f32
        %max3A_760 = vector.broadcast %max3A_759 : f32 to vector<16xf32>
        %max3A_761 = arith.maximumf %add3A_758, %max3A_760 : vector<16xf32>
        %mul3A_762 = arith.constant 85.3333359 : f32
        %mul3A_763 = vector.broadcast %mul3A_762 : f32 to vector<16xf32>
        %mul3A_764 = arith.mulf %max3A_761, %mul3A_763 : vector<16xf32>
        %sub3A_765 = arith.subf %add3A_11, %mul3A_764 : vector<16xf32>
        %max3A_766 = arith.maximumf %sub3A_765, %convert_element_type3A : vector<16xf32>
        %convert_element_type3A_767 = arith.fptosi %max3A_766 : vector<16xf32> to vector<16xi32>
        %and3A_768 = arith.constant -2 : i32
        %and3A_769 = vector.broadcast %and3A_768 : i32 to vector<16xi32>
        %and3A_770 = arith.andi %convert_element_type3A_767, %and3A_769 : vector<16xi32>
        %add3A_771 = arith.addi %and3A_770, %get3A_233 : vector<16xi32>
        %bitcast_convert_type3A_772 = tpu.bitcast %get3A_236 : vector<16xf32> -> vector<16xi32>
        %shift_left3A_773 = arith.constant 31 : i32
        %shift_left3A_774 = vector.broadcast %shift_left3A_773 : i32 to vector<16xi32>
        %shift_left3A_775 = arith.shli %get3A_239, %shift_left3A_774 : vector<16xi32>
        %xor3A_776 = arith.xori %bitcast_convert_type3A_772, %shift_left3A_775 : vector<16xi32>
        %bitcast_convert_type3A_777 = tpu.bitcast %xor3A_776 : vector<16xi32> -> vector<16xf32>
        %add3A_778 = arith.constant 1.000000e+00 : f32
        %add3A_779 = vector.broadcast %add3A_778 : f32 to vector<16xf32>
        %add3A_780 = arith.addf %add3A_779, %bitcast_convert_type3A_777 : vector<16xf32>
        %max3A_781 = arith.constant 0.000000e+00 : f32
        %max3A_782 = vector.broadcast %max3A_781 : f32 to vector<16xf32>
        %max3A_783 = arith.maximumf %add3A_780, %max3A_782 : vector<16xf32>
        %mul3A_784 = arith.constant 85.3333359 : f32
        %mul3A_785 = vector.broadcast %mul3A_784 : f32 to vector<16xf32>
        %mul3A_786 = arith.mulf %max3A_783, %mul3A_785 : vector<16xf32>
        %sub3A_787 = arith.subf %add3A_11, %mul3A_786 : vector<16xf32>
        %max3A_788 = arith.maximumf %sub3A_787, %convert_element_type3A : vector<16xf32>
        %convert_element_type3A_789 = arith.fptosi %max3A_788 : vector<16xf32> to vector<16xi32>
        %and3A_790 = arith.constant -2 : i32
        %and3A_791 = vector.broadcast %and3A_790 : i32 to vector<16xi32>
        %and3A_792 = arith.andi %convert_element_type3A_789, %and3A_791 : vector<16xi32>
        %add3A_793 = arith.addi %and3A_792, %get3A_239 : vector<16xi32>
        %bitcast_convert_type3A_794 = tpu.bitcast %get3A_242 : vector<16xf32> -> vector<16xi32>
        %shift_left3A_795 = arith.constant 31 : i32
        %shift_left3A_796 = vector.broadcast %shift_left3A_795 : i32 to vector<16xi32>
        %shift_left3A_797 = arith.shli %get3A_245, %shift_left3A_796 : vector<16xi32>
        %xor3A_798 = arith.xori %bitcast_convert_type3A_794, %shift_left3A_797 : vector<16xi32>
        %bitcast_convert_type3A_799 = tpu.bitcast %xor3A_798 : vector<16xi32> -> vector<16xf32>
        %add3A_800 = arith.constant 1.000000e+00 : f32
        %add3A_801 = vector.broadcast %add3A_800 : f32 to vector<16xf32>
        %add3A_802 = arith.addf %add3A_801, %bitcast_convert_type3A_799 : vector<16xf32>
        %max3A_803 = arith.constant 0.000000e+00 : f32
        %max3A_804 = vector.broadcast %max3A_803 : f32 to vector<16xf32>
        %max3A_805 = arith.maximumf %add3A_802, %max3A_804 : vector<16xf32>
        %mul3A_806 = arith.constant 85.3333359 : f32
        %mul3A_807 = vector.broadcast %mul3A_806 : f32 to vector<16xf32>
        %mul3A_808 = arith.mulf %max3A_805, %mul3A_807 : vector<16xf32>
        %sub3A_809 = arith.subf %add3A_11, %mul3A_808 : vector<16xf32>
        %max3A_810 = arith.maximumf %sub3A_809, %convert_element_type3A : vector<16xf32>
        %convert_element_type3A_811 = arith.fptosi %max3A_810 : vector<16xf32> to vector<16xi32>
        %and3A_812 = arith.constant -2 : i32
        %and3A_813 = vector.broadcast %and3A_812 : i32 to vector<16xi32>
        %and3A_814 = arith.andi %convert_element_type3A_811, %and3A_813 : vector<16xi32>
        %add3A_815 = arith.addi %and3A_814, %get3A_245 : vector<16xi32>
        %bitcast_convert_type3A_816 = tpu.bitcast %get3A_248 : vector<16xf32> -> vector<16xi32>
        %shift_left3A_817 = arith.constant 31 : i32
        %shift_left3A_818 = vector.broadcast %shift_left3A_817 : i32 to vector<16xi32>
        %shift_left3A_819 = arith.shli %get3A_251, %shift_left3A_818 : vector<16xi32>
        %xor3A_820 = arith.xori %bitcast_convert_type3A_816, %shift_left3A_819 : vector<16xi32>
        %bitcast_convert_type3A_821 = tpu.bitcast %xor3A_820 : vector<16xi32> -> vector<16xf32>
        %add3A_822 = arith.constant 1.000000e+00 : f32
        %add3A_823 = vector.broadcast %add3A_822 : f32 to vector<16xf32>
        %add3A_824 = arith.addf %add3A_823, %bitcast_convert_type3A_821 : vector<16xf32>
        %max3A_825 = arith.constant 0.000000e+00 : f32
        %max3A_826 = vector.broadcast %max3A_825 : f32 to vector<16xf32>
        %max3A_827 = arith.maximumf %add3A_824, %max3A_826 : vector<16xf32>
        %mul3A_828 = arith.constant 85.3333359 : f32
        %mul3A_829 = vector.broadcast %mul3A_828 : f32 to vector<16xf32>
        %mul3A_830 = arith.mulf %max3A_827, %mul3A_829 : vector<16xf32>
        %sub3A_831 = arith.subf %add3A_11, %mul3A_830 : vector<16xf32>
        %max3A_832 = arith.maximumf %sub3A_831, %convert_element_type3A : vector<16xf32>
        %convert_element_type3A_833 = arith.fptosi %max3A_832 : vector<16xf32> to vector<16xi32>
        %and3A_834 = arith.constant -2 : i32
        %and3A_835 = vector.broadcast %and3A_834 : i32 to vector<16xi32>
        %and3A_836 = arith.andi %convert_element_type3A_833, %and3A_835 : vector<16xi32>
        %add3A_837 = arith.addi %and3A_836, %get3A_251 : vector<16xi32>
        %bitcast_convert_type3A_838 = tpu.bitcast %get3A_254 : vector<16xf32> -> vector<16xi32>
        %shift_left3A_839 = arith.constant 31 : i32
        %shift_left3A_840 = vector.broadcast %shift_left3A_839 : i32 to vector<16xi32>
        %shift_left3A_841 = arith.shli %get3A_257, %shift_left3A_840 : vector<16xi32>
        %xor3A_842 = arith.xori %bitcast_convert_type3A_838, %shift_left3A_841 : vector<16xi32>
        %bitcast_convert_type3A_843 = tpu.bitcast %xor3A_842 : vector<16xi32> -> vector<16xf32>
        %add3A_844 = arith.constant 1.000000e+00 : f32
        %add3A_845 = vector.broadcast %add3A_844 : f32 to vector<16xf32>
        %add3A_846 = arith.addf %add3A_845, %bitcast_convert_type3A_843 : vector<16xf32>
        %max3A_847 = arith.constant 0.000000e+00 : f32
        %max3A_848 = vector.broadcast %max3A_847 : f32 to vector<16xf32>
        %max3A_849 = arith.maximumf %add3A_846, %max3A_848 : vector<16xf32>
        %mul3A_850 = arith.constant 85.3333359 : f32
        %mul3A_851 = vector.broadcast %mul3A_850 : f32 to vector<16xf32>
        %mul3A_852 = arith.mulf %max3A_849, %mul3A_851 : vector<16xf32>
        %sub3A_853 = arith.subf %add3A_11, %mul3A_852 : vector<16xf32>
        %max3A_854 = arith.maximumf %sub3A_853, %convert_element_type3A : vector<16xf32>
        %convert_element_type3A_855 = arith.fptosi %max3A_854 : vector<16xf32> to vector<16xi32>
        %and3A_856 = arith.constant -2 : i32
        %and3A_857 = vector.broadcast %and3A_856 : i32 to vector<16xi32>
        %and3A_858 = arith.andi %convert_element_type3A_855, %and3A_857 : vector<16xi32>
        %add3A_859 = arith.addi %and3A_858, %get3A_257 : vector<16xi32>
        %bitcast_convert_type3A_860 = tpu.bitcast %get3A_260 : vector<16xf32> -> vector<16xi32>
        %shift_left3A_861 = arith.constant 31 : i32
        %shift_left3A_862 = vector.broadcast %shift_left3A_861 : i32 to vector<16xi32>
        %shift_left3A_863 = arith.shli %get3A_263, %shift_left3A_862 : vector<16xi32>
        %xor3A_864 = arith.xori %bitcast_convert_type3A_860, %shift_left3A_863 : vector<16xi32>
        %bitcast_convert_type3A_865 = tpu.bitcast %xor3A_864 : vector<16xi32> -> vector<16xf32>
        %add3A_866 = arith.constant 1.000000e+00 : f32
        %add3A_867 = vector.broadcast %add3A_866 : f32 to vector<16xf32>
        %add3A_868 = arith.addf %add3A_867, %bitcast_convert_type3A_865 : vector<16xf32>
        %max3A_869 = arith.constant 0.000000e+00 : f32
        %max3A_870 = vector.broadcast %max3A_869 : f32 to vector<16xf32>
        %max3A_871 = arith.maximumf %add3A_868, %max3A_870 : vector<16xf32>
        %mul3A_872 = arith.constant 85.3333359 : f32
        %mul3A_873 = vector.broadcast %mul3A_872 : f32 to vector<16xf32>
        %mul3A_874 = arith.mulf %max3A_871, %mul3A_873 : vector<16xf32>
        %sub3A_875 = arith.subf %add3A_11, %mul3A_874 : vector<16xf32>
        %max3A_876 = arith.maximumf %sub3A_875, %convert_element_type3A : vector<16xf32>
        %convert_element_type3A_877 = arith.fptosi %max3A_876 : vector<16xf32> to vector<16xi32>
        %and3A_878 = arith.constant -2 : i32
        %and3A_879 = vector.broadcast %and3A_878 : i32 to vector<16xi32>
        %and3A_880 = arith.andi %convert_element_type3A_877, %and3A_879 : vector<16xi32>
        %add3A_881 = arith.addi %and3A_880, %get3A_263 : vector<16xi32>
        %bitcast_convert_type3A_882 = tpu.bitcast %get3A_266 : vector<16xf32> -> vector<16xi32>
        %shift_left3A_883 = arith.constant 31 : i32
        %shift_left3A_884 = vector.broadcast %shift_left3A_883 : i32 to vector<16xi32>
        %shift_left3A_885 = arith.shli %get3A_269, %shift_left3A_884 : vector<16xi32>
        %xor3A_886 = arith.xori %bitcast_convert_type3A_882, %shift_left3A_885 : vector<16xi32>
        %bitcast_convert_type3A_887 = tpu.bitcast %xor3A_886 : vector<16xi32> -> vector<16xf32>
        %add3A_888 = arith.constant 1.000000e+00 : f32
        %add3A_889 = vector.broadcast %add3A_888 : f32 to vector<16xf32>
        %add3A_890 = arith.addf %add3A_889, %bitcast_convert_type3A_887 : vector<16xf32>
        %max3A_891 = arith.constant 0.000000e+00 : f32
        %max3A_892 = vector.broadcast %max3A_891 : f32 to vector<16xf32>
        %max3A_893 = arith.maximumf %add3A_890, %max3A_892 : vector<16xf32>
        %mul3A_894 = arith.constant 85.3333359 : f32
        %mul3A_895 = vector.broadcast %mul3A_894 : f32 to vector<16xf32>
        %mul3A_896 = arith.mulf %max3A_893, %mul3A_895 : vector<16xf32>
        %sub3A_897 = arith.subf %add3A_11, %mul3A_896 : vector<16xf32>
        %max3A_898 = arith.maximumf %sub3A_897, %convert_element_type3A : vector<16xf32>
        %convert_element_type3A_899 = arith.fptosi %max3A_898 : vector<16xf32> to vector<16xi32>
        %and3A_900 = arith.constant -2 : i32
        %and3A_901 = vector.broadcast %and3A_900 : i32 to vector<16xi32>
        %and3A_902 = arith.andi %convert_element_type3A_899, %and3A_901 : vector<16xi32>
        %add3A_903 = arith.addi %and3A_902, %get3A_269 : vector<16xi32>
        %bitcast_convert_type3A_904 = tpu.bitcast %get3A_272 : vector<16xf32> -> vector<16xi32>
        %shift_left3A_905 = arith.constant 31 : i32
        %shift_left3A_906 = vector.broadcast %shift_left3A_905 : i32 to vector<16xi32>
        %shift_left3A_907 = arith.shli %get3A_275, %shift_left3A_906 : vector<16xi32>
        %xor3A_908 = arith.xori %bitcast_convert_type3A_904, %shift_left3A_907 : vector<16xi32>
        %bitcast_convert_type3A_909 = tpu.bitcast %xor3A_908 : vector<16xi32> -> vector<16xf32>
        %add3A_910 = arith.constant 1.000000e+00 : f32
        %add3A_911 = vector.broadcast %add3A_910 : f32 to vector<16xf32>
        %add3A_912 = arith.addf %add3A_911, %bitcast_convert_type3A_909 : vector<16xf32>
        %max3A_913 = arith.constant 0.000000e+00 : f32
        %max3A_914 = vector.broadcast %max3A_913 : f32 to vector<16xf32>
        %max3A_915 = arith.maximumf %add3A_912, %max3A_914 : vector<16xf32>
        %mul3A_916 = arith.constant 85.3333359 : f32
        %mul3A_917 = vector.broadcast %mul3A_916 : f32 to vector<16xf32>
        %mul3A_918 = arith.mulf %max3A_915, %mul3A_917 : vector<16xf32>
        %sub3A_919 = arith.subf %add3A_11, %mul3A_918 : vector<16xf32>
        %max3A_920 = arith.maximumf %sub3A_919, %convert_element_type3A : vector<16xf32>
        %convert_element_type3A_921 = arith.fptosi %max3A_920 : vector<16xf32> to vector<16xi32>
        %and3A_922 = arith.constant -2 : i32
        %and3A_923 = vector.broadcast %and3A_922 : i32 to vector<16xi32>
        %and3A_924 = arith.andi %convert_element_type3A_921, %and3A_923 : vector<16xi32>
        %add3A_925 = arith.addi %and3A_924, %get3A_275 : vector<16xi32>
        %bitcast_convert_type3A_926 = tpu.bitcast %get3A_278 : vector<16xf32> -> vector<16xi32>
        %shift_left3A_927 = arith.constant 31 : i32
        %shift_left3A_928 = vector.broadcast %shift_left3A_927 : i32 to vector<16xi32>
        %shift_left3A_929 = arith.shli %get3A_281, %shift_left3A_928 : vector<16xi32>
        %xor3A_930 = arith.xori %bitcast_convert_type3A_926, %shift_left3A_929 : vector<16xi32>
        %bitcast_convert_type3A_931 = tpu.bitcast %xor3A_930 : vector<16xi32> -> vector<16xf32>
        %add3A_932 = arith.constant 1.000000e+00 : f32
        %add3A_933 = vector.broadcast %add3A_932 : f32 to vector<16xf32>
        %add3A_934 = arith.addf %add3A_933, %bitcast_convert_type3A_931 : vector<16xf32>
        %max3A_935 = arith.constant 0.000000e+00 : f32
        %max3A_936 = vector.broadcast %max3A_935 : f32 to vector<16xf32>
        %max3A_937 = arith.maximumf %add3A_934, %max3A_936 : vector<16xf32>
        %mul3A_938 = arith.constant 85.3333359 : f32
        %mul3A_939 = vector.broadcast %mul3A_938 : f32 to vector<16xf32>
        %mul3A_940 = arith.mulf %max3A_937, %mul3A_939 : vector<16xf32>
        %sub3A_941 = arith.subf %add3A_11, %mul3A_940 : vector<16xf32>
        %max3A_942 = arith.maximumf %sub3A_941, %convert_element_type3A : vector<16xf32>
        %convert_element_type3A_943 = arith.fptosi %max3A_942 : vector<16xf32> to vector<16xi32>
        %and3A_944 = arith.constant -2 : i32
        %and3A_945 = vector.broadcast %and3A_944 : i32 to vector<16xi32>
        %and3A_946 = arith.andi %convert_element_type3A_943, %and3A_945 : vector<16xi32>
        %add3A_947 = arith.addi %and3A_946, %get3A_281 : vector<16xi32>
        %bitcast_convert_type3A_948 = tpu.bitcast %get3A_284 : vector<16xf32> -> vector<16xi32>
        %shift_left3A_949 = arith.constant 31 : i32
        %shift_left3A_950 = vector.broadcast %shift_left3A_949 : i32 to vector<16xi32>
        %shift_left3A_951 = arith.shli %get3A_287, %shift_left3A_950 : vector<16xi32>
        %xor3A_952 = arith.xori %bitcast_convert_type3A_948, %shift_left3A_951 : vector<16xi32>
        %bitcast_convert_type3A_953 = tpu.bitcast %xor3A_952 : vector<16xi32> -> vector<16xf32>
        %add3A_954 = arith.constant 1.000000e+00 : f32
        %add3A_955 = vector.broadcast %add3A_954 : f32 to vector<16xf32>
        %add3A_956 = arith.addf %add3A_955, %bitcast_convert_type3A_953 : vector<16xf32>
        %max3A_957 = arith.constant 0.000000e+00 : f32
        %max3A_958 = vector.broadcast %max3A_957 : f32 to vector<16xf32>
        %max3A_959 = arith.maximumf %add3A_956, %max3A_958 : vector<16xf32>
        %mul3A_960 = arith.constant 85.3333359 : f32
        %mul3A_961 = vector.broadcast %mul3A_960 : f32 to vector<16xf32>
        %mul3A_962 = arith.mulf %max3A_959, %mul3A_961 : vector<16xf32>
        %sub3A_963 = arith.subf %add3A_11, %mul3A_962 : vector<16xf32>
        %max3A_964 = arith.maximumf %sub3A_963, %convert_element_type3A : vector<16xf32>
        %convert_element_type3A_965 = arith.fptosi %max3A_964 : vector<16xf32> to vector<16xi32>
        %and3A_966 = arith.constant -2 : i32
        %and3A_967 = vector.broadcast %and3A_966 : i32 to vector<16xi32>
        %and3A_968 = arith.andi %convert_element_type3A_965, %and3A_967 : vector<16xi32>
        %add3A_969 = arith.addi %and3A_968, %get3A_287 : vector<16xi32>
        %bitcast_convert_type3A_970 = tpu.bitcast %get3A_290 : vector<16xf32> -> vector<16xi32>
        %shift_left3A_971 = arith.constant 31 : i32
        %shift_left3A_972 = vector.broadcast %shift_left3A_971 : i32 to vector<16xi32>
        %shift_left3A_973 = arith.shli %get3A_293, %shift_left3A_972 : vector<16xi32>
        %xor3A_974 = arith.xori %bitcast_convert_type3A_970, %shift_left3A_973 : vector<16xi32>
        %bitcast_convert_type3A_975 = tpu.bitcast %xor3A_974 : vector<16xi32> -> vector<16xf32>
        %add3A_976 = arith.constant 1.000000e+00 : f32
        %add3A_977 = vector.broadcast %add3A_976 : f32 to vector<16xf32>
        %add3A_978 = arith.addf %add3A_977, %bitcast_convert_type3A_975 : vector<16xf32>
        %max3A_979 = arith.constant 0.000000e+00 : f32
        %max3A_980 = vector.broadcast %max3A_979 : f32 to vector<16xf32>
        %max3A_981 = arith.maximumf %add3A_978, %max3A_980 : vector<16xf32>
        %mul3A_982 = arith.constant 85.3333359 : f32
        %mul3A_983 = vector.broadcast %mul3A_982 : f32 to vector<16xf32>
        %mul3A_984 = arith.mulf %max3A_981, %mul3A_983 : vector<16xf32>
        %sub3A_985 = arith.subf %add3A_11, %mul3A_984 : vector<16xf32>
        %max3A_986 = arith.maximumf %sub3A_985, %convert_element_type3A : vector<16xf32>
        %convert_element_type3A_987 = arith.fptosi %max3A_986 : vector<16xf32> to vector<16xi32>
        %and3A_988 = arith.constant -2 : i32
        %and3A_989 = vector.broadcast %and3A_988 : i32 to vector<16xi32>
        %and3A_990 = arith.andi %convert_element_type3A_987, %and3A_989 : vector<16xi32>
        %add3A_991 = arith.addi %and3A_990, %get3A_293 : vector<16xi32>
        tpu.vector_store_idx %arg9[%add3A_309], %broadcast_in_dim3A_5 {add = true} : memref<16384xf32, #tpu.memory_space<vmem>>[vector<16xi32>], vector<16xf32>,
        tpu.vector_store_idx %arg10[%add3A_309], %max3A_301 {add = true} : memref<16384xf32, #tpu.memory_space<vmem>>[vector<16xi32>], vector<16xf32>,
        tpu.vector_store_idx %arg9[%add3A_331], %broadcast_in_dim3A_5 {add = true} : memref<16384xf32, #tpu.memory_space<vmem>>[vector<16xi32>], vector<16xf32>,
        tpu.vector_store_idx %arg10[%add3A_331], %max3A_321 {add = true} : memref<16384xf32, #tpu.memory_space<vmem>>[vector<16xi32>], vector<16xf32>,
        tpu.vector_store_idx %arg9[%add3A_353], %broadcast_in_dim3A_5 {add = true} : memref<16384xf32, #tpu.memory_space<vmem>>[vector<16xi32>], vector<16xf32>,
        tpu.vector_store_idx %arg10[%add3A_353], %max3A_343 {add = true} : memref<16384xf32, #tpu.memory_space<vmem>>[vector<16xi32>], vector<16xf32>,
        tpu.vector_store_idx %arg9[%add3A_375], %broadcast_in_dim3A_5 {add = true} : memref<16384xf32, #tpu.memory_space<vmem>>[vector<16xi32>], vector<16xf32>,
        tpu.vector_store_idx %arg10[%add3A_375], %max3A_365 {add = true} : memref<16384xf32, #tpu.memory_space<vmem>>[vector<16xi32>], vector<16xf32>,
        tpu.vector_store_idx %arg9[%add3A_397], %broadcast_in_dim3A_5 {add = true} : memref<16384xf32, #tpu.memory_space<vmem>>[vector<16xi32>], vector<16xf32>,
        tpu.vector_store_idx %arg10[%add3A_397], %max3A_387 {add = true} : memref<16384xf32, #tpu.memory_space<vmem>>[vector<16xi32>], vector<16xf32>,
        tpu.vector_store_idx %arg9[%add3A_419], %broadcast_in_dim3A_5 {add = true} : memref<16384xf32, #tpu.memory_space<vmem>>[vector<16xi32>], vector<16xf32>,
        tpu.vector_store_idx %arg10[%add3A_419], %max3A_409 {add = true} : memref<16384xf32, #tpu.memory_space<vmem>>[vector<16xi32>], vector<16xf32>,
        tpu.vector_store_idx %arg9[%add3A_441], %broadcast_in_dim3A_5 {add = true} : memref<16384xf32, #tpu.memory_space<vmem>>[vector<16xi32>], vector<16xf32>,
        tpu.vector_store_idx %arg10[%add3A_441], %max3A_431 {add = true} : memref<16384xf32, #tpu.memory_space<vmem>>[vector<16xi32>], vector<16xf32>,
        tpu.vector_store_idx %arg9[%add3A_463], %broadcast_in_dim3A_5 {add = true} : memref<16384xf32, #tpu.memory_space<vmem>>[vector<16xi32>], vector<16xf32>,
        tpu.vector_store_idx %arg10[%add3A_463], %max3A_453 {add = true} : memref<16384xf32, #tpu.memory_space<vmem>>[vector<16xi32>], vector<16xf32>,
        tpu.vector_store_idx %arg9[%add3A_485], %broadcast_in_dim3A_5 {add = true} : memref<16384xf32, #tpu.memory_space<vmem>>[vector<16xi32>], vector<16xf32>,
        tpu.vector_store_idx %arg10[%add3A_485], %max3A_475 {add = true} : memref<16384xf32, #tpu.memory_space<vmem>>[vector<16xi32>], vector<16xf32>,
        tpu.vector_store_idx %arg9[%add3A_507], %broadcast_in_dim3A_5 {add = true} : memref<16384xf32, #tpu.memory_space<vmem>>[vector<16xi32>], vector<16xf32>,
        tpu.vector_store_idx %arg10[%add3A_507], %max3A_497 {add = true} : memref<16384xf32, #tpu.memory_space<vmem>>[vector<16xi32>], vector<16xf32>,
        tpu.vector_store_idx %arg9[%add3A_529], %broadcast_in_dim3A_5 {add = true} : memref<16384xf32, #tpu.memory_space<vmem>>[vector<16xi32>], vector<16xf32>,
        tpu.vector_store_idx %arg10[%add3A_529], %max3A_519 {add = true} : memref<16384xf32, #tpu.memory_space<vmem>>[vector<16xi32>], vector<16xf32>,
        tpu.vector_store_idx %arg9[%add3A_551], %broadcast_in_dim3A_5 {add = true} : memref<16384xf32, #tpu.memory_space<vmem>>[vector<16xi32>], vector<16xf32>,
        tpu.vector_store_idx %arg10[%add3A_551], %max3A_541 {add = true} : memref<16384xf32, #tpu.memory_space<vmem>>[vector<16xi32>], vector<16xf32>,
        tpu.vector_store_idx %arg9[%add3A_573], %broadcast_in_dim3A_5 {add = true} : memref<16384xf32, #tpu.memory_space<vmem>>[vector<16xi32>], vector<16xf32>,
        tpu.vector_store_idx %arg10[%add3A_573], %max3A_563 {add = true} : memref<16384xf32, #tpu.memory_space<vmem>>[vector<16xi32>], vector<16xf32>,
        tpu.vector_store_idx %arg9[%add3A_595], %broadcast_in_dim3A_5 {add = true} : memref<16384xf32, #tpu.memory_space<vmem>>[vector<16xi32>], vector<16xf32>,
        tpu.vector_store_idx %arg10[%add3A_595], %max3A_585 {add = true} : memref<16384xf32, #tpu.memory_space<vmem>>[vector<16xi32>], vector<16xf32>,
        tpu.vector_store_idx %arg9[%add3A_617], %broadcast_in_dim3A_5 {add = true} : memref<16384xf32, #tpu.memory_space<vmem>>[vector<16xi32>], vector<16xf32>,
        tpu.vector_store_idx %arg10[%add3A_617], %max3A_607 {add = true} : memref<16384xf32, #tpu.memory_space<vmem>>[vector<16xi32>], vector<16xf32>,
        tpu.vector_store_idx %arg9[%add3A_639], %broadcast_in_dim3A_5 {add = true} : memref<16384xf32, #tpu.memory_space<vmem>>[vector<16xi32>], vector<16xf32>,
        tpu.vector_store_idx %arg10[%add3A_639], %max3A_629 {add = true} : memref<16384xf32, #tpu.memory_space<vmem>>[vector<16xi32>], vector<16xf32>,
        tpu.vector_store_idx %arg9[%add3A_661], %broadcast_in_dim3A_5 {add = true} : memref<16384xf32, #tpu.memory_space<vmem>>[vector<16xi32>], vector<16xf32>,
        tpu.vector_store_idx %arg10[%add3A_661], %max3A_651 {add = true} : memref<16384xf32, #tpu.memory_space<vmem>>[vector<16xi32>], vector<16xf32>,
        tpu.vector_store_idx %arg9[%add3A_683], %broadcast_in_dim3A_5 {add = true} : memref<16384xf32, #tpu.memory_space<vmem>>[vector<16xi32>], vector<16xf32>,
        tpu.vector_store_idx %arg10[%add3A_683], %max3A_673 {add = true} : memref<16384xf32, #tpu.memory_space<vmem>>[vector<16xi32>], vector<16xf32>,
        tpu.vector_store_idx %arg9[%add3A_705], %broadcast_in_dim3A_5 {add = true} : memref<16384xf32, #tpu.memory_space<vmem>>[vector<16xi32>], vector<16xf32>,
        tpu.vector_store_idx %arg10[%add3A_705], %max3A_695 {add = true} : memref<16384xf32, #tpu.memory_space<vmem>>[vector<16xi32>], vector<16xf32>,
        tpu.vector_store_idx %arg9[%add3A_727], %broadcast_in_dim3A_5 {add = true} : memref<16384xf32, #tpu.memory_space<vmem>>[vector<16xi32>], vector<16xf32>,
        tpu.vector_store_idx %arg10[%add3A_727], %max3A_717 {add = true} : memref<16384xf32, #tpu.memory_space<vmem>>[vector<16xi32>], vector<16xf32>,
        tpu.vector_store_idx %arg9[%add3A_749], %broadcast_in_dim3A_5 {add = true} : memref<16384xf32, #tpu.memory_space<vmem>>[vector<16xi32>], vector<16xf32>,
        tpu.vector_store_idx %arg10[%add3A_749], %max3A_739 {add = true} : memref<16384xf32, #tpu.memory_space<vmem>>[vector<16xi32>], vector<16xf32>,
        tpu.vector_store_idx %arg9[%add3A_771], %broadcast_in_dim3A_5 {add = true} : memref<16384xf32, #tpu.memory_space<vmem>>[vector<16xi32>], vector<16xf32>,
        tpu.vector_store_idx %arg10[%add3A_771], %max3A_761 {add = true} : memref<16384xf32, #tpu.memory_space<vmem>>[vector<16xi32>], vector<16xf32>,
        tpu.vector_store_idx %arg9[%add3A_793], %broadcast_in_dim3A_5 {add = true} : memref<16384xf32, #tpu.memory_space<vmem>>[vector<16xi32>], vector<16xf32>,
        tpu.vector_store_idx %arg10[%add3A_793], %max3A_783 {add = true} : memref<16384xf32, #tpu.memory_space<vmem>>[vector<16xi32>], vector<16xf32>,
        tpu.vector_store_idx %arg9[%add3A_815], %broadcast_in_dim3A_5 {add = true} : memref<16384xf32, #tpu.memory_space<vmem>>[vector<16xi32>], vector<16xf32>,
        tpu.vector_store_idx %arg10[%add3A_815], %max3A_805 {add = true} : memref<16384xf32, #tpu.memory_space<vmem>>[vector<16xi32>], vector<16xf32>,
        tpu.vector_store_idx %arg9[%add3A_837], %broadcast_in_dim3A_5 {add = true} : memref<16384xf32, #tpu.memory_space<vmem>>[vector<16xi32>], vector<16xf32>,
        tpu.vector_store_idx %arg10[%add3A_837], %max3A_827 {add = true} : memref<16384xf32, #tpu.memory_space<vmem>>[vector<16xi32>], vector<16xf32>,
        tpu.vector_store_idx %arg9[%add3A_859], %broadcast_in_dim3A_5 {add = true} : memref<16384xf32, #tpu.memory_space<vmem>>[vector<16xi32>], vector<16xf32>,
        tpu.vector_store_idx %arg10[%add3A_859], %max3A_849 {add = true} : memref<16384xf32, #tpu.memory_space<vmem>>[vector<16xi32>], vector<16xf32>,
        tpu.vector_store_idx %arg9[%add3A_881], %broadcast_in_dim3A_5 {add = true} : memref<16384xf32, #tpu.memory_space<vmem>>[vector<16xi32>], vector<16xf32>,
        tpu.vector_store_idx %arg10[%add3A_881], %max3A_871 {add = true} : memref<16384xf32, #tpu.memory_space<vmem>>[vector<16xi32>], vector<16xf32>,
        tpu.vector_store_idx %arg9[%add3A_903], %broadcast_in_dim3A_5 {add = true} : memref<16384xf32, #tpu.memory_space<vmem>>[vector<16xi32>], vector<16xf32>,
        tpu.vector_store_idx %arg10[%add3A_903], %max3A_893 {add = true} : memref<16384xf32, #tpu.memory_space<vmem>>[vector<16xi32>], vector<16xf32>,
        tpu.vector_store_idx %arg9[%add3A_925], %broadcast_in_dim3A_5 {add = true} : memref<16384xf32, #tpu.memory_space<vmem>>[vector<16xi32>], vector<16xf32>,
        tpu.vector_store_idx %arg10[%add3A_925], %max3A_915 {add = true} : memref<16384xf32, #tpu.memory_space<vmem>>[vector<16xi32>], vector<16xf32>,
        tpu.vector_store_idx %arg9[%add3A_947], %broadcast_in_dim3A_5 {add = true} : memref<16384xf32, #tpu.memory_space<vmem>>[vector<16xi32>], vector<16xf32>,
        tpu.vector_store_idx %arg10[%add3A_947], %max3A_937 {add = true} : memref<16384xf32, #tpu.memory_space<vmem>>[vector<16xi32>], vector<16xf32>,
        tpu.vector_store_idx %arg9[%add3A_969], %broadcast_in_dim3A_5 {add = true} : memref<16384xf32, #tpu.memory_space<vmem>>[vector<16xi32>], vector<16xf32>,
        tpu.vector_store_idx %arg10[%add3A_969], %max3A_959 {add = true} : memref<16384xf32, #tpu.memory_space<vmem>>[vector<16xi32>], vector<16xf32>,
        tpu.vector_store_idx %arg9[%add3A_991], %broadcast_in_dim3A_5 {add = true} : memref<16384xf32, #tpu.memory_space<vmem>>[vector<16xi32>], vector<16xf32>,
        tpu.vector_store_idx %arg10[%add3A_991], %max3A_981 {add = true} : memref<16384xf32, #tpu.memory_space<vmem>>[vector<16xi32>], vector<16xf32>,
      }
      %scan3A_79 = arith.constant 16 : i32
      %lt3A = arith.constant 7 : i32
      %lt3A_80 = arith.cmpi slt, %scan3A_48, %lt3A : i32
      %convert_element_type3A_81 = arith.extui %lt3A_80 : i1 to i32
      %cond3A = arith.constant 0 : i32
      %cond3A_82 = arith.cmpi ne, %convert_element_type3A_81, %cond3A : i32
      scf.if %cond3A_82 {
        %add3A_102 = arith.constant 2 : i32
        %add3A_103 = arith.addi %mul3A_50, %add3A_102 : i32
        %mul3A_104 = arith.constant 16 : i32
        %mul3A_105 = arith.muli %add3A_103, %mul3A_104 : i32
        %add3A_106 = arith.addi %mul3A_2, %mul3A_105 : i32
        %dma_start3A_107 = arith.constant 0 : i32
        %dma_start3A_108 = tpu.memref_slice %arg2[%add3A_106, %dma_start3A_107] : memref<8192x512xf32, #tpu.memory_space<hbm>> -> memref<16x512xf32, #tpu.memory_space<hbm>>
        %dma_start3A_109 = arith.constant 0 : i32
        %dma_start3A_110 = tpu.memref_slice %arg2[%add3A_106, %dma_start3A_109] : memref<8192x512xf32, #tpu.memory_space<hbm>> -> memref<16x512xf32, #tpu.memory_space<hbm>>
        tpu.enqueue_dma source(%dma_start3A_110 : memref<16x512xf32, #tpu.memory_space<hbm>>) target(%arg5 : memref<16x512xf32, #tpu.memory_space<vmem>>) target_semaphore(%arg14 : memref<!tpu.dma_semaphore, #tpu.memory_space<semaphore_mem>>)
        %dma_start3A_111 = arith.constant 0 : i32
        %dma_start3A_112 = tpu.memref_slice %arg3[%add3A_106, %dma_start3A_111] : memref<8192x512xi32, #tpu.memory_space<hbm>> -> memref<16x512xi32, #tpu.memory_space<hbm>>
        %dma_start3A_113 = arith.constant 0 : i32
        %dma_start3A_114 = tpu.memref_slice %arg3[%add3A_106, %dma_start3A_113] : memref<8192x512xi32, #tpu.memory_space<hbm>> -> memref<16x512xi32, #tpu.memory_space<hbm>>
        tpu.enqueue_dma source(%dma_start3A_114 : memref<16x512xi32, #tpu.memory_space<hbm>>) target(%arg7 : memref<16x512xi32, #tpu.memory_space<vmem>>) target_semaphore(%arg14 : memref<!tpu.dma_semaphore, #tpu.memory_space<semaphore_mem>>)
      } else {
      }
      %add3A_83 = arith.constant 1 : i32
      %add3A_84 = arith.addi %mul3A_50, %add3A_83 : i32
      %mul3A_85 = arith.constant 16 : i32
      %mul3A_86 = arith.muli %add3A_84, %mul3A_85 : i32
      %add3A_87 = arith.addi %mul3A_2, %mul3A_86 : i32
      %dma_wait3A_88 = arith.constant 0 : i32
      %dma_wait3A_89 = tpu.memref_slice %arg2[%add3A_87, %dma_wait3A_88] : memref<8192x512xf32, #tpu.memory_space<hbm>> -> memref<16x512xf32, #tpu.memory_space<hbm>>
      %dma_wait3A_90 = arith.constant 0 : i32
      %dma_wait3A_91 = tpu.memref_slice %arg2[%add3A_87, %dma_wait3A_90] : memref<8192x512xf32, #tpu.memory_space<hbm>> -> memref<16x512xf32, #tpu.memory_space<hbm>>
      tpu.wait_dma2 semaphore(%arg15 : memref<!tpu.dma_semaphore, #tpu.memory_space<semaphore_mem>>) src(%dma_wait3A_91 : memref<16x512xf32, #tpu.memory_space<hbm>>) dst(%arg6 : memref<16x512xf32, #tpu.memory_space<vmem>>)
      %dma_wait3A_92 = arith.constant 0 : i32
      %dma_wait3A_93 = tpu.memref_slice %arg3[%add3A_87, %dma_wait3A_92] : memref<8192x512xi32, #tpu.memory_space<hbm>> -> memref<16x512xi32, #tpu.memory_space<hbm>>
      %dma_wait3A_94 = arith.constant 0 : i32
      %dma_wait3A_95 = tpu.memref_slice %arg3[%add3A_87, %dma_wait3A_94] : memref<8192x512xi32, #tpu.memory_space<hbm>> -> memref<16x512xi32, #tpu.memory_space<hbm>>
      tpu.wait_dma2 semaphore(%arg15 : memref<!tpu.dma_semaphore, #tpu.memory_space<semaphore_mem>>) src(%dma_wait3A_95 : memref<16x512xi32, #tpu.memory_space<hbm>>) dst(%arg8 : memref<16x512xi32, #tpu.memory_space<vmem>>)
      %scan3A_96 = arith.constant 0 : i32
      %scan3A_97 = arith.constant 0 : i32
      %scan3A_98 = arith.constant 16 : i32
      %scan3A_99 = arith.addi %scan3A_97, %scan3A_98 : i32
      %scan3A_100 = arith.constant 1 : i32
      scf.for %scan3A_102 = %scan3A_97 to %scan3A_99 step %scan3A_100  : i32 {
        %get3A = arith.index_cast %scan3A_102 : i32 to index
        %get3A_103 = arith.constant 0 : index
        %get3A_104 = tpu.vector_load %arg6[%get3A, %get3A_103] {strides = array<i32>} : memref<16x512xf32, #tpu.memory_space<vmem>>, vector<16xf32>,
        %get3A_105 = arith.index_cast %scan3A_102 : i32 to index
        %get3A_106 = arith.constant 0 : index
        %get3A_107 = tpu.vector_load %arg8[%get3A_105, %get3A_106] {strides = array<i32>} : memref<16x512xi32, #tpu.memory_space<vmem>>, vector<16xi32>,
        %get3A_108 = arith.index_cast %scan3A_102 : i32 to index
        %get3A_109 = arith.constant 16 : index
        %get3A_110 = tpu.vector_load %arg6[%get3A_108, %get3A_109] {strides = array<i32>} : memref<16x512xf32, #tpu.memory_space<vmem>>, vector<16xf32>,
        %get3A_111 = arith.index_cast %scan3A_102 : i32 to index
        %get3A_112 = arith.constant 16 : index
        %get3A_113 = tpu.vector_load %arg8[%get3A_111, %get3A_112] {strides = array<i32>} : memref<16x512xi32, #tpu.memory_space<vmem>>, vector<16xi32>,
        %get3A_114 = arith.index_cast %scan3A_102 : i32 to index
        %get3A_115 = arith.constant 32 : index
        %get3A_116 = tpu.vector_load %arg6[%get3A_114, %get3A_115] {strides = array<i32>} : memref<16x512xf32, #tpu.memory_space<vmem>>, vector<16xf32>,
        %get3A_117 = arith.index_cast %scan3A_102 : i32 to index
        %get3A_118 = arith.constant 32 : index
        %get3A_119 = tpu.vector_load %arg8[%get3A_117, %get3A_118] {strides = array<i32>} : memref<16x512xi32, #tpu.memory_space<vmem>>, vector<16xi32>,
        %get3A_120 = arith.index_cast %scan3A_102 : i32 to index
        %get3A_121 = arith.constant 48 : index
        %get3A_122 = tpu.vector_load %arg6[%get3A_120, %get3A_121] {strides = array<i32>} : memref<16x512xf32, #tpu.memory_space<vmem>>, vector<16xf32>,
        %get3A_123 = arith.index_cast %scan3A_102 : i32 to index
        %get3A_124 = arith.constant 48 : index
        %get3A_125 = tpu.vector_load %arg8[%get3A_123, %get3A_124] {strides = array<i32>} : memref<16x512xi32, #tpu.memory_space<vmem>>, vector<16xi32>,
        %get3A_126 = arith.index_cast %scan3A_102 : i32 to index
        %get3A_127 = arith.constant 64 : index
        %get3A_128 = tpu.vector_load %arg6[%get3A_126, %get3A_127] {strides = array<i32>} : memref<16x512xf32, #tpu.memory_space<vmem>>, vector<16xf32>,
        %get3A_129 = arith.index_cast %scan3A_102 : i32 to index
        %get3A_130 = arith.constant 64 : index
        %get3A_131 = tpu.vector_load %arg8[%get3A_129, %get3A_130] {strides = array<i32>} : memref<16x512xi32, #tpu.memory_space<vmem>>, vector<16xi32>,
        %get3A_132 = arith.index_cast %scan3A_102 : i32 to index
        %get3A_133 = arith.constant 80 : index
        %get3A_134 = tpu.vector_load %arg6[%get3A_132, %get3A_133] {strides = array<i32>} : memref<16x512xf32, #tpu.memory_space<vmem>>, vector<16xf32>,
        %get3A_135 = arith.index_cast %scan3A_102 : i32 to index
        %get3A_136 = arith.constant 80 : index
        %get3A_137 = tpu.vector_load %arg8[%get3A_135, %get3A_136] {strides = array<i32>} : memref<16x512xi32, #tpu.memory_space<vmem>>, vector<16xi32>,
        %get3A_138 = arith.index_cast %scan3A_102 : i32 to index
        %get3A_139 = arith.constant 96 : index
        %get3A_140 = tpu.vector_load %arg6[%get3A_138, %get3A_139] {strides = array<i32>} : memref<16x512xf32, #tpu.memory_space<vmem>>, vector<16xf32>,
        %get3A_141 = arith.index_cast %scan3A_102 : i32 to index
        %get3A_142 = arith.constant 96 : index
        %get3A_143 = tpu.vector_load %arg8[%get3A_141, %get3A_142] {strides = array<i32>} : memref<16x512xi32, #tpu.memory_space<vmem>>, vector<16xi32>,
        %get3A_144 = arith.index_cast %scan3A_102 : i32 to index
        %get3A_145 = arith.constant 112 : index
        %get3A_146 = tpu.vector_load %arg6[%get3A_144, %get3A_145] {strides = array<i32>} : memref<16x512xf32, #tpu.memory_space<vmem>>, vector<16xf32>,
        %get3A_147 = arith.index_cast %scan3A_102 : i32 to index
        %get3A_148 = arith.constant 112 : index
        %get3A_149 = tpu.vector_load %arg8[%get3A_147, %get3A_148] {strides = array<i32>} : memref<16x512xi32, #tpu.memory_space<vmem>>, vector<16xi32>,
        %get3A_150 = arith.index_cast %scan3A_102 : i32 to index
        %get3A_151 = arith.constant 128 : index
        %get3A_152 = tpu.vector_load %arg6[%get3A_150, %get3A_151] {strides = array<i32>} : memref<16x512xf32, #tpu.memory_space<vmem>>, vector<16xf32>,
        %get3A_153 = arith.index_cast %scan3A_102 : i32 to index
        %get3A_154 = arith.constant 128 : index
        %get3A_155 = tpu.vector_load %arg8[%get3A_153, %get3A_154] {strides = array<i32>} : memref<16x512xi32, #tpu.memory_space<vmem>>, vector<16xi32>,
        %get3A_156 = arith.index_cast %scan3A_102 : i32 to index
        %get3A_157 = arith.constant 144 : index
        %get3A_158 = tpu.vector_load %arg6[%get3A_156, %get3A_157] {strides = array<i32>} : memref<16x512xf32, #tpu.memory_space<vmem>>, vector<16xf32>,
        %get3A_159 = arith.index_cast %scan3A_102 : i32 to index
        %get3A_160 = arith.constant 144 : index
        %get3A_161 = tpu.vector_load %arg8[%get3A_159, %get3A_160] {strides = array<i32>} : memref<16x512xi32, #tpu.memory_space<vmem>>, vector<16xi32>,
        %get3A_162 = arith.index_cast %scan3A_102 : i32 to index
        %get3A_163 = arith.constant 160 : index
        %get3A_164 = tpu.vector_load %arg6[%get3A_162, %get3A_163] {strides = array<i32>} : memref<16x512xf32, #tpu.memory_space<vmem>>, vector<16xf32>,
        %get3A_165 = arith.index_cast %scan3A_102 : i32 to index
        %get3A_166 = arith.constant 160 : index
        %get3A_167 = tpu.vector_load %arg8[%get3A_165, %get3A_166] {strides = array<i32>} : memref<16x512xi32, #tpu.memory_space<vmem>>, vector<16xi32>,
        %get3A_168 = arith.index_cast %scan3A_102 : i32 to index
        %get3A_169 = arith.constant 176 : index
        %get3A_170 = tpu.vector_load %arg6[%get3A_168, %get3A_169] {strides = array<i32>} : memref<16x512xf32, #tpu.memory_space<vmem>>, vector<16xf32>,
        %get3A_171 = arith.index_cast %scan3A_102 : i32 to index
        %get3A_172 = arith.constant 176 : index
        %get3A_173 = tpu.vector_load %arg8[%get3A_171, %get3A_172] {strides = array<i32>} : memref<16x512xi32, #tpu.memory_space<vmem>>, vector<16xi32>,
        %get3A_174 = arith.index_cast %scan3A_102 : i32 to index
        %get3A_175 = arith.constant 192 : index
        %get3A_176 = tpu.vector_load %arg6[%get3A_174, %get3A_175] {strides = array<i32>} : memref<16x512xf32, #tpu.memory_space<vmem>>, vector<16xf32>,
        %get3A_177 = arith.index_cast %scan3A_102 : i32 to index
        %get3A_178 = arith.constant 192 : index
        %get3A_179 = tpu.vector_load %arg8[%get3A_177, %get3A_178] {strides = array<i32>} : memref<16x512xi32, #tpu.memory_space<vmem>>, vector<16xi32>,
        %get3A_180 = arith.index_cast %scan3A_102 : i32 to index
        %get3A_181 = arith.constant 208 : index
        %get3A_182 = tpu.vector_load %arg6[%get3A_180, %get3A_181] {strides = array<i32>} : memref<16x512xf32, #tpu.memory_space<vmem>>, vector<16xf32>,
        %get3A_183 = arith.index_cast %scan3A_102 : i32 to index
        %get3A_184 = arith.constant 208 : index
        %get3A_185 = tpu.vector_load %arg8[%get3A_183, %get3A_184] {strides = array<i32>} : memref<16x512xi32, #tpu.memory_space<vmem>>, vector<16xi32>,
        %get3A_186 = arith.index_cast %scan3A_102 : i32 to index
        %get3A_187 = arith.constant 224 : index
        %get3A_188 = tpu.vector_load %arg6[%get3A_186, %get3A_187] {strides = array<i32>} : memref<16x512xf32, #tpu.memory_space<vmem>>, vector<16xf32>,
        %get3A_189 = arith.index_cast %scan3A_102 : i32 to index
        %get3A_190 = arith.constant 224 : index
        %get3A_191 = tpu.vector_load %arg8[%get3A_189, %get3A_190] {strides = array<i32>} : memref<16x512xi32, #tpu.memory_space<vmem>>, vector<16xi32>,
        %get3A_192 = arith.index_cast %scan3A_102 : i32 to index
        %get3A_193 = arith.constant 240 : index
        %get3A_194 = tpu.vector_load %arg6[%get3A_192, %get3A_193] {strides = array<i32>} : memref<16x512xf32, #tpu.memory_space<vmem>>, vector<16xf32>,
        %get3A_195 = arith.index_cast %scan3A_102 : i32 to index
        %get3A_196 = arith.constant 240 : index
        %get3A_197 = tpu.vector_load %arg8[%get3A_195, %get3A_196] {strides = array<i32>} : memref<16x512xi32, #tpu.memory_space<vmem>>, vector<16xi32>,
        %get3A_198 = arith.index_cast %scan3A_102 : i32 to index
        %get3A_199 = arith.constant 256 : index
        %get3A_200 = tpu.vector_load %arg6[%get3A_198, %get3A_199] {strides = array<i32>} : memref<16x512xf32, #tpu.memory_space<vmem>>, vector<16xf32>,
        %get3A_201 = arith.index_cast %scan3A_102 : i32 to index
        %get3A_202 = arith.constant 256 : index
        %get3A_203 = tpu.vector_load %arg8[%get3A_201, %get3A_202] {strides = array<i32>} : memref<16x512xi32, #tpu.memory_space<vmem>>, vector<16xi32>,
        %get3A_204 = arith.index_cast %scan3A_102 : i32 to index
        %get3A_205 = arith.constant 272 : index
        %get3A_206 = tpu.vector_load %arg6[%get3A_204, %get3A_205] {strides = array<i32>} : memref<16x512xf32, #tpu.memory_space<vmem>>, vector<16xf32>,
        %get3A_207 = arith.index_cast %scan3A_102 : i32 to index
        %get3A_208 = arith.constant 272 : index
        %get3A_209 = tpu.vector_load %arg8[%get3A_207, %get3A_208] {strides = array<i32>} : memref<16x512xi32, #tpu.memory_space<vmem>>, vector<16xi32>,
        %get3A_210 = arith.index_cast %scan3A_102 : i32 to index
        %get3A_211 = arith.constant 288 : index
        %get3A_212 = tpu.vector_load %arg6[%get3A_210, %get3A_211] {strides = array<i32>} : memref<16x512xf32, #tpu.memory_space<vmem>>, vector<16xf32>,
        %get3A_213 = arith.index_cast %scan3A_102 : i32 to index
        %get3A_214 = arith.constant 288 : index
        %get3A_215 = tpu.vector_load %arg8[%get3A_213, %get3A_214] {strides = array<i32>} : memref<16x512xi32, #tpu.memory_space<vmem>>, vector<16xi32>,
        %get3A_216 = arith.index_cast %scan3A_102 : i32 to index
        %get3A_217 = arith.constant 304 : index
        %get3A_218 = tpu.vector_load %arg6[%get3A_216, %get3A_217] {strides = array<i32>} : memref<16x512xf32, #tpu.memory_space<vmem>>, vector<16xf32>,
        %get3A_219 = arith.index_cast %scan3A_102 : i32 to index
        %get3A_220 = arith.constant 304 : index
        %get3A_221 = tpu.vector_load %arg8[%get3A_219, %get3A_220] {strides = array<i32>} : memref<16x512xi32, #tpu.memory_space<vmem>>, vector<16xi32>,
        %get3A_222 = arith.index_cast %scan3A_102 : i32 to index
        %get3A_223 = arith.constant 320 : index
        %get3A_224 = tpu.vector_load %arg6[%get3A_222, %get3A_223] {strides = array<i32>} : memref<16x512xf32, #tpu.memory_space<vmem>>, vector<16xf32>,
        %get3A_225 = arith.index_cast %scan3A_102 : i32 to index
        %get3A_226 = arith.constant 320 : index
        %get3A_227 = tpu.vector_load %arg8[%get3A_225, %get3A_226] {strides = array<i32>} : memref<16x512xi32, #tpu.memory_space<vmem>>, vector<16xi32>,
        %get3A_228 = arith.index_cast %scan3A_102 : i32 to index
        %get3A_229 = arith.constant 336 : index
        %get3A_230 = tpu.vector_load %arg6[%get3A_228, %get3A_229] {strides = array<i32>} : memref<16x512xf32, #tpu.memory_space<vmem>>, vector<16xf32>,
        %get3A_231 = arith.index_cast %scan3A_102 : i32 to index
        %get3A_232 = arith.constant 336 : index
        %get3A_233 = tpu.vector_load %arg8[%get3A_231, %get3A_232] {strides = array<i32>} : memref<16x512xi32, #tpu.memory_space<vmem>>, vector<16xi32>,
        %get3A_234 = arith.index_cast %scan3A_102 : i32 to index
        %get3A_235 = arith.constant 352 : index
        %get3A_236 = tpu.vector_load %arg6[%get3A_234, %get3A_235] {strides = array<i32>} : memref<16x512xf32, #tpu.memory_space<vmem>>, vector<16xf32>,
        %get3A_237 = arith.index_cast %scan3A_102 : i32 to index
        %get3A_238 = arith.constant 352 : index
        %get3A_239 = tpu.vector_load %arg8[%get3A_237, %get3A_238] {strides = array<i32>} : memref<16x512xi32, #tpu.memory_space<vmem>>, vector<16xi32>,
        %get3A_240 = arith.index_cast %scan3A_102 : i32 to index
        %get3A_241 = arith.constant 368 : index
        %get3A_242 = tpu.vector_load %arg6[%get3A_240, %get3A_241] {strides = array<i32>} : memref<16x512xf32, #tpu.memory_space<vmem>>, vector<16xf32>,
        %get3A_243 = arith.index_cast %scan3A_102 : i32 to index
        %get3A_244 = arith.constant 368 : index
        %get3A_245 = tpu.vector_load %arg8[%get3A_243, %get3A_244] {strides = array<i32>} : memref<16x512xi32, #tpu.memory_space<vmem>>, vector<16xi32>,
        %get3A_246 = arith.index_cast %scan3A_102 : i32 to index
        %get3A_247 = arith.constant 384 : index
        %get3A_248 = tpu.vector_load %arg6[%get3A_246, %get3A_247] {strides = array<i32>} : memref<16x512xf32, #tpu.memory_space<vmem>>, vector<16xf32>,
        %get3A_249 = arith.index_cast %scan3A_102 : i32 to index
        %get3A_250 = arith.constant 384 : index
        %get3A_251 = tpu.vector_load %arg8[%get3A_249, %get3A_250] {strides = array<i32>} : memref<16x512xi32, #tpu.memory_space<vmem>>, vector<16xi32>,
        %get3A_252 = arith.index_cast %scan3A_102 : i32 to index
        %get3A_253 = arith.constant 400 : index
        %get3A_254 = tpu.vector_load %arg6[%get3A_252, %get3A_253] {strides = array<i32>} : memref<16x512xf32, #tpu.memory_space<vmem>>, vector<16xf32>,
        %get3A_255 = arith.index_cast %scan3A_102 : i32 to index
        %get3A_256 = arith.constant 400 : index
        %get3A_257 = tpu.vector_load %arg8[%get3A_255, %get3A_256] {strides = array<i32>} : memref<16x512xi32, #tpu.memory_space<vmem>>, vector<16xi32>,
        %get3A_258 = arith.index_cast %scan3A_102 : i32 to index
        %get3A_259 = arith.constant 416 : index
        %get3A_260 = tpu.vector_load %arg6[%get3A_258, %get3A_259] {strides = array<i32>} : memref<16x512xf32, #tpu.memory_space<vmem>>, vector<16xf32>,
        %get3A_261 = arith.index_cast %scan3A_102 : i32 to index
        %get3A_262 = arith.constant 416 : index
        %get3A_263 = tpu.vector_load %arg8[%get3A_261, %get3A_262] {strides = array<i32>} : memref<16x512xi32, #tpu.memory_space<vmem>>, vector<16xi32>,
        %get3A_264 = arith.index_cast %scan3A_102 : i32 to index
        %get3A_265 = arith.constant 432 : index
        %get3A_266 = tpu.vector_load %arg6[%get3A_264, %get3A_265] {strides = array<i32>} : memref<16x512xf32, #tpu.memory_space<vmem>>, vector<16xf32>,
        %get3A_267 = arith.index_cast %scan3A_102 : i32 to index
        %get3A_268 = arith.constant 432 : index
        %get3A_269 = tpu.vector_load %arg8[%get3A_267, %get3A_268] {strides = array<i32>} : memref<16x512xi32, #tpu.memory_space<vmem>>, vector<16xi32>,
        %get3A_270 = arith.index_cast %scan3A_102 : i32 to index
        %get3A_271 = arith.constant 448 : index
        %get3A_272 = tpu.vector_load %arg6[%get3A_270, %get3A_271] {strides = array<i32>} : memref<16x512xf32, #tpu.memory_space<vmem>>, vector<16xf32>,
        %get3A_273 = arith.index_cast %scan3A_102 : i32 to index
        %get3A_274 = arith.constant 448 : index
        %get3A_275 = tpu.vector_load %arg8[%get3A_273, %get3A_274] {strides = array<i32>} : memref<16x512xi32, #tpu.memory_space<vmem>>, vector<16xi32>,
        %get3A_276 = arith.index_cast %scan3A_102 : i32 to index
        %get3A_277 = arith.constant 464 : index
        %get3A_278 = tpu.vector_load %arg6[%get3A_276, %get3A_277] {strides = array<i32>} : memref<16x512xf32, #tpu.memory_space<vmem>>, vector<16xf32>,
        %get3A_279 = arith.index_cast %scan3A_102 : i32 to index
        %get3A_280 = arith.constant 464 : index
        %get3A_281 = tpu.vector_load %arg8[%get3A_279, %get3A_280] {strides = array<i32>} : memref<16x512xi32, #tpu.memory_space<vmem>>, vector<16xi32>,
        %get3A_282 = arith.index_cast %scan3A_102 : i32 to index
        %get3A_283 = arith.constant 480 : index
        %get3A_284 = tpu.vector_load %arg6[%get3A_282, %get3A_283] {strides = array<i32>} : memref<16x512xf32, #tpu.memory_space<vmem>>, vector<16xf32>,
        %get3A_285 = arith.index_cast %scan3A_102 : i32 to index
        %get3A_286 = arith.constant 480 : index
        %get3A_287 = tpu.vector_load %arg8[%get3A_285, %get3A_286] {strides = array<i32>} : memref<16x512xi32, #tpu.memory_space<vmem>>, vector<16xi32>,
        %get3A_288 = arith.index_cast %scan3A_102 : i32 to index
        %get3A_289 = arith.constant 496 : index
        %get3A_290 = tpu.vector_load %arg6[%get3A_288, %get3A_289] {strides = array<i32>} : memref<16x512xf32, #tpu.memory_space<vmem>>, vector<16xf32>,
        %get3A_291 = arith.index_cast %scan3A_102 : i32 to index
        %get3A_292 = arith.constant 496 : index
        %get3A_293 = tpu.vector_load %arg8[%get3A_291, %get3A_292] {strides = array<i32>} : memref<16x512xi32, #tpu.memory_space<vmem>>, vector<16xi32>,
        %bitcast_convert_type3A = tpu.bitcast %get3A_104 : vector<16xf32> -> vector<16xi32>
        %shift_left3A = arith.constant 31 : i32
        %shift_left3A_294 = vector.broadcast %shift_left3A : i32 to vector<16xi32>
        %shift_left3A_295 = arith.shli %get3A_107, %shift_left3A_294 : vector<16xi32>
        %xor3A = arith.xori %bitcast_convert_type3A, %shift_left3A_295 : vector<16xi32>
        %bitcast_convert_type3A_296 = tpu.bitcast %xor3A : vector<16xi32> -> vector<16xf32>
        %add3A_297 = arith.constant 1.000000e+00 : f32
        %add3A_298 = vector.broadcast %add3A_297 : f32 to vector<16xf32>
        %add3A_299 = arith.addf %add3A_298, %bitcast_convert_type3A_296 : vector<16xf32>
        %max3A = arith.constant 0.000000e+00 : f32
        %max3A_300 = vector.broadcast %max3A : f32 to vector<16xf32>
        %max3A_301 = arith.maximumf %add3A_299, %max3A_300 : vector<16xf32>
        %mul3A_302 = arith.constant 85.3333359 : f32
        %mul3A_303 = vector.broadcast %mul3A_302 : f32 to vector<16xf32>
        %mul3A_304 = arith.mulf %max3A_301, %mul3A_303 : vector<16xf32>
        %sub3A = arith.subf %add3A_11, %mul3A_304 : vector<16xf32>
        %max3A_305 = arith.maximumf %sub3A, %convert_element_type3A : vector<16xf32>
        %convert_element_type3A_306 = arith.fptosi %max3A_305 : vector<16xf32> to vector<16xi32>
        %and3A = arith.constant -2 : i32
        %and3A_307 = vector.broadcast %and3A : i32 to vector<16xi32>
        %and3A_308 = arith.andi %convert_element_type3A_306, %and3A_307 : vector<16xi32>
        %add3A_309 = arith.addi %and3A_308, %get3A_107 : vector<16xi32>
        %bitcast_convert_type3A_310 = tpu.bitcast %get3A_110 : vector<16xf32> -> vector<16xi32>
        %shift_left3A_311 = arith.constant 31 : i32
        %shift_left3A_312 = vector.broadcast %shift_left3A_311 : i32 to vector<16xi32>
        %shift_left3A_313 = arith.shli %get3A_113, %shift_left3A_312 : vector<16xi32>
        %xor3A_314 = arith.xori %bitcast_convert_type3A_310, %shift_left3A_313 : vector<16xi32>
        %bitcast_convert_type3A_315 = tpu.bitcast %xor3A_314 : vector<16xi32> -> vector<16xf32>
        %add3A_316 = arith.constant 1.000000e+00 : f32
        %add3A_317 = vector.broadcast %add3A_316 : f32 to vector<16xf32>
        %add3A_318 = arith.addf %add3A_317, %bitcast_convert_type3A_315 : vector<16xf32>
        %max3A_319 = arith.constant 0.000000e+00 : f32
        %max3A_320 = vector.broadcast %max3A_319 : f32 to vector<16xf32>
        %max3A_321 = arith.maximumf %add3A_318, %max3A_320 : vector<16xf32>
        %mul3A_322 = arith.constant 85.3333359 : f32
        %mul3A_323 = vector.broadcast %mul3A_322 : f32 to vector<16xf32>
        %mul3A_324 = arith.mulf %max3A_321, %mul3A_323 : vector<16xf32>
        %sub3A_325 = arith.subf %add3A_11, %mul3A_324 : vector<16xf32>
        %max3A_326 = arith.maximumf %sub3A_325, %convert_element_type3A : vector<16xf32>
        %convert_element_type3A_327 = arith.fptosi %max3A_326 : vector<16xf32> to vector<16xi32>
        %and3A_328 = arith.constant -2 : i32
        %and3A_329 = vector.broadcast %and3A_328 : i32 to vector<16xi32>
        %and3A_330 = arith.andi %convert_element_type3A_327, %and3A_329 : vector<16xi32>
        %add3A_331 = arith.addi %and3A_330, %get3A_113 : vector<16xi32>
        %bitcast_convert_type3A_332 = tpu.bitcast %get3A_116 : vector<16xf32> -> vector<16xi32>
        %shift_left3A_333 = arith.constant 31 : i32
        %shift_left3A_334 = vector.broadcast %shift_left3A_333 : i32 to vector<16xi32>
        %shift_left3A_335 = arith.shli %get3A_119, %shift_left3A_334 : vector<16xi32>
        %xor3A_336 = arith.xori %bitcast_convert_type3A_332, %shift_left3A_335 : vector<16xi32>
        %bitcast_convert_type3A_337 = tpu.bitcast %xor3A_336 : vector<16xi32> -> vector<16xf32>
        %add3A_338 = arith.constant 1.000000e+00 : f32
        %add3A_339 = vector.broadcast %add3A_338 : f32 to vector<16xf32>
        %add3A_340 = arith.addf %add3A_339, %bitcast_convert_type3A_337 : vector<16xf32>
        %max3A_341 = arith.constant 0.000000e+00 : f32
        %max3A_342 = vector.broadcast %max3A_341 : f32 to vector<16xf32>
        %max3A_343 = arith.maximumf %add3A_340, %max3A_342 : vector<16xf32>
        %mul3A_344 = arith.constant 85.3333359 : f32
        %mul3A_345 = vector.broadcast %mul3A_344 : f32 to vector<16xf32>
        %mul3A_346 = arith.mulf %max3A_343, %mul3A_345 : vector<16xf32>
        %sub3A_347 = arith.subf %add3A_11, %mul3A_346 : vector<16xf32>
        %max3A_348 = arith.maximumf %sub3A_347, %convert_element_type3A : vector<16xf32>
        %convert_element_type3A_349 = arith.fptosi %max3A_348 : vector<16xf32> to vector<16xi32>
        %and3A_350 = arith.constant -2 : i32
        %and3A_351 = vector.broadcast %and3A_350 : i32 to vector<16xi32>
        %and3A_352 = arith.andi %convert_element_type3A_349, %and3A_351 : vector<16xi32>
        %add3A_353 = arith.addi %and3A_352, %get3A_119 : vector<16xi32>
        %bitcast_convert_type3A_354 = tpu.bitcast %get3A_122 : vector<16xf32> -> vector<16xi32>
        %shift_left3A_355 = arith.constant 31 : i32
        %shift_left3A_356 = vector.broadcast %shift_left3A_355 : i32 to vector<16xi32>
        %shift_left3A_357 = arith.shli %get3A_125, %shift_left3A_356 : vector<16xi32>
        %xor3A_358 = arith.xori %bitcast_convert_type3A_354, %shift_left3A_357 : vector<16xi32>
        %bitcast_convert_type3A_359 = tpu.bitcast %xor3A_358 : vector<16xi32> -> vector<16xf32>
        %add3A_360 = arith.constant 1.000000e+00 : f32
        %add3A_361 = vector.broadcast %add3A_360 : f32 to vector<16xf32>
        %add3A_362 = arith.addf %add3A_361, %bitcast_convert_type3A_359 : vector<16xf32>
        %max3A_363 = arith.constant 0.000000e+00 : f32
        %max3A_364 = vector.broadcast %max3A_363 : f32 to vector<16xf32>
        %max3A_365 = arith.maximumf %add3A_362, %max3A_364 : vector<16xf32>
        %mul3A_366 = arith.constant 85.3333359 : f32
        %mul3A_367 = vector.broadcast %mul3A_366 : f32 to vector<16xf32>
        %mul3A_368 = arith.mulf %max3A_365, %mul3A_367 : vector<16xf32>
        %sub3A_369 = arith.subf %add3A_11, %mul3A_368 : vector<16xf32>
        %max3A_370 = arith.maximumf %sub3A_369, %convert_element_type3A : vector<16xf32>
        %convert_element_type3A_371 = arith.fptosi %max3A_370 : vector<16xf32> to vector<16xi32>
        %and3A_372 = arith.constant -2 : i32
        %and3A_373 = vector.broadcast %and3A_372 : i32 to vector<16xi32>
        %and3A_374 = arith.andi %convert_element_type3A_371, %and3A_373 : vector<16xi32>
        %add3A_375 = arith.addi %and3A_374, %get3A_125 : vector<16xi32>
        %bitcast_convert_type3A_376 = tpu.bitcast %get3A_128 : vector<16xf32> -> vector<16xi32>
        %shift_left3A_377 = arith.constant 31 : i32
        %shift_left3A_378 = vector.broadcast %shift_left3A_377 : i32 to vector<16xi32>
        %shift_left3A_379 = arith.shli %get3A_131, %shift_left3A_378 : vector<16xi32>
        %xor3A_380 = arith.xori %bitcast_convert_type3A_376, %shift_left3A_379 : vector<16xi32>
        %bitcast_convert_type3A_381 = tpu.bitcast %xor3A_380 : vector<16xi32> -> vector<16xf32>
        %add3A_382 = arith.constant 1.000000e+00 : f32
        %add3A_383 = vector.broadcast %add3A_382 : f32 to vector<16xf32>
        %add3A_384 = arith.addf %add3A_383, %bitcast_convert_type3A_381 : vector<16xf32>
        %max3A_385 = arith.constant 0.000000e+00 : f32
        %max3A_386 = vector.broadcast %max3A_385 : f32 to vector<16xf32>
        %max3A_387 = arith.maximumf %add3A_384, %max3A_386 : vector<16xf32>
        %mul3A_388 = arith.constant 85.3333359 : f32
        %mul3A_389 = vector.broadcast %mul3A_388 : f32 to vector<16xf32>
        %mul3A_390 = arith.mulf %max3A_387, %mul3A_389 : vector<16xf32>
        %sub3A_391 = arith.subf %add3A_11, %mul3A_390 : vector<16xf32>
        %max3A_392 = arith.maximumf %sub3A_391, %convert_element_type3A : vector<16xf32>
        %convert_element_type3A_393 = arith.fptosi %max3A_392 : vector<16xf32> to vector<16xi32>
        %and3A_394 = arith.constant -2 : i32
        %and3A_395 = vector.broadcast %and3A_394 : i32 to vector<16xi32>
        %and3A_396 = arith.andi %convert_element_type3A_393, %and3A_395 : vector<16xi32>
        %add3A_397 = arith.addi %and3A_396, %get3A_131 : vector<16xi32>
        %bitcast_convert_type3A_398 = tpu.bitcast %get3A_134 : vector<16xf32> -> vector<16xi32>
        %shift_left3A_399 = arith.constant 31 : i32
        %shift_left3A_400 = vector.broadcast %shift_left3A_399 : i32 to vector<16xi32>
        %shift_left3A_401 = arith.shli %get3A_137, %shift_left3A_400 : vector<16xi32>
        %xor3A_402 = arith.xori %bitcast_convert_type3A_398, %shift_left3A_401 : vector<16xi32>
        %bitcast_convert_type3A_403 = tpu.bitcast %xor3A_402 : vector<16xi32> -> vector<16xf32>
        %add3A_404 = arith.constant 1.000000e+00 : f32
        %add3A_405 = vector.broadcast %add3A_404 : f32 to vector<16xf32>
        %add3A_406 = arith.addf %add3A_405, %bitcast_convert_type3A_403 : vector<16xf32>
        %max3A_407 = arith.constant 0.000000e+00 : f32
        %max3A_408 = vector.broadcast %max3A_407 : f32 to vector<16xf32>
        %max3A_409 = arith.maximumf %add3A_406, %max3A_408 : vector<16xf32>
        %mul3A_410 = arith.constant 85.3333359 : f32
        %mul3A_411 = vector.broadcast %mul3A_410 : f32 to vector<16xf32>
        %mul3A_412 = arith.mulf %max3A_409, %mul3A_411 : vector<16xf32>
        %sub3A_413 = arith.subf %add3A_11, %mul3A_412 : vector<16xf32>
        %max3A_414 = arith.maximumf %sub3A_413, %convert_element_type3A : vector<16xf32>
        %convert_element_type3A_415 = arith.fptosi %max3A_414 : vector<16xf32> to vector<16xi32>
        %and3A_416 = arith.constant -2 : i32
        %and3A_417 = vector.broadcast %and3A_416 : i32 to vector<16xi32>
        %and3A_418 = arith.andi %convert_element_type3A_415, %and3A_417 : vector<16xi32>
        %add3A_419 = arith.addi %and3A_418, %get3A_137 : vector<16xi32>
        %bitcast_convert_type3A_420 = tpu.bitcast %get3A_140 : vector<16xf32> -> vector<16xi32>
        %shift_left3A_421 = arith.constant 31 : i32
        %shift_left3A_422 = vector.broadcast %shift_left3A_421 : i32 to vector<16xi32>
        %shift_left3A_423 = arith.shli %get3A_143, %shift_left3A_422 : vector<16xi32>
        %xor3A_424 = arith.xori %bitcast_convert_type3A_420, %shift_left3A_423 : vector<16xi32>
        %bitcast_convert_type3A_425 = tpu.bitcast %xor3A_424 : vector<16xi32> -> vector<16xf32>
        %add3A_426 = arith.constant 1.000000e+00 : f32
        %add3A_427 = vector.broadcast %add3A_426 : f32 to vector<16xf32>
        %add3A_428 = arith.addf %add3A_427, %bitcast_convert_type3A_425 : vector<16xf32>
        %max3A_429 = arith.constant 0.000000e+00 : f32
        %max3A_430 = vector.broadcast %max3A_429 : f32 to vector<16xf32>
        %max3A_431 = arith.maximumf %add3A_428, %max3A_430 : vector<16xf32>
        %mul3A_432 = arith.constant 85.3333359 : f32
        %mul3A_433 = vector.broadcast %mul3A_432 : f32 to vector<16xf32>
        %mul3A_434 = arith.mulf %max3A_431, %mul3A_433 : vector<16xf32>
        %sub3A_435 = arith.subf %add3A_11, %mul3A_434 : vector<16xf32>
        %max3A_436 = arith.maximumf %sub3A_435, %convert_element_type3A : vector<16xf32>
        %convert_element_type3A_437 = arith.fptosi %max3A_436 : vector<16xf32> to vector<16xi32>
        %and3A_438 = arith.constant -2 : i32
        %and3A_439 = vector.broadcast %and3A_438 : i32 to vector<16xi32>
        %and3A_440 = arith.andi %convert_element_type3A_437, %and3A_439 : vector<16xi32>
        %add3A_441 = arith.addi %and3A_440, %get3A_143 : vector<16xi32>
        %bitcast_convert_type3A_442 = tpu.bitcast %get3A_146 : vector<16xf32> -> vector<16xi32>
        %shift_left3A_443 = arith.constant 31 : i32
        %shift_left3A_444 = vector.broadcast %shift_left3A_443 : i32 to vector<16xi32>
        %shift_left3A_445 = arith.shli %get3A_149, %shift_left3A_444 : vector<16xi32>
        %xor3A_446 = arith.xori %bitcast_convert_type3A_442, %shift_left3A_445 : vector<16xi32>
        %bitcast_convert_type3A_447 = tpu.bitcast %xor3A_446 : vector<16xi32> -> vector<16xf32>
        %add3A_448 = arith.constant 1.000000e+00 : f32
        %add3A_449 = vector.broadcast %add3A_448 : f32 to vector<16xf32>
        %add3A_450 = arith.addf %add3A_449, %bitcast_convert_type3A_447 : vector<16xf32>
        %max3A_451 = arith.constant 0.000000e+00 : f32
        %max3A_452 = vector.broadcast %max3A_451 : f32 to vector<16xf32>
        %max3A_453 = arith.maximumf %add3A_450, %max3A_452 : vector<16xf32>
        %mul3A_454 = arith.constant 85.3333359 : f32
        %mul3A_455 = vector.broadcast %mul3A_454 : f32 to vector<16xf32>
        %mul3A_456 = arith.mulf %max3A_453, %mul3A_455 : vector<16xf32>
        %sub3A_457 = arith.subf %add3A_11, %mul3A_456 : vector<16xf32>
        %max3A_458 = arith.maximumf %sub3A_457, %convert_element_type3A : vector<16xf32>
        %convert_element_type3A_459 = arith.fptosi %max3A_458 : vector<16xf32> to vector<16xi32>
        %and3A_460 = arith.constant -2 : i32
        %and3A_461 = vector.broadcast %and3A_460 : i32 to vector<16xi32>
        %and3A_462 = arith.andi %convert_element_type3A_459, %and3A_461 : vector<16xi32>
        %add3A_463 = arith.addi %and3A_462, %get3A_149 : vector<16xi32>
        %bitcast_convert_type3A_464 = tpu.bitcast %get3A_152 : vector<16xf32> -> vector<16xi32>
        %shift_left3A_465 = arith.constant 31 : i32
        %shift_left3A_466 = vector.broadcast %shift_left3A_465 : i32 to vector<16xi32>
        %shift_left3A_467 = arith.shli %get3A_155, %shift_left3A_466 : vector<16xi32>
        %xor3A_468 = arith.xori %bitcast_convert_type3A_464, %shift_left3A_467 : vector<16xi32>
        %bitcast_convert_type3A_469 = tpu.bitcast %xor3A_468 : vector<16xi32> -> vector<16xf32>
        %add3A_470 = arith.constant 1.000000e+00 : f32
        %add3A_471 = vector.broadcast %add3A_470 : f32 to vector<16xf32>
        %add3A_472 = arith.addf %add3A_471, %bitcast_convert_type3A_469 : vector<16xf32>
        %max3A_473 = arith.constant 0.000000e+00 : f32
        %max3A_474 = vector.broadcast %max3A_473 : f32 to vector<16xf32>
        %max3A_475 = arith.maximumf %add3A_472, %max3A_474 : vector<16xf32>
        %mul3A_476 = arith.constant 85.3333359 : f32
        %mul3A_477 = vector.broadcast %mul3A_476 : f32 to vector<16xf32>
        %mul3A_478 = arith.mulf %max3A_475, %mul3A_477 : vector<16xf32>
        %sub3A_479 = arith.subf %add3A_11, %mul3A_478 : vector<16xf32>
        %max3A_480 = arith.maximumf %sub3A_479, %convert_element_type3A : vector<16xf32>
        %convert_element_type3A_481 = arith.fptosi %max3A_480 : vector<16xf32> to vector<16xi32>
        %and3A_482 = arith.constant -2 : i32
        %and3A_483 = vector.broadcast %and3A_482 : i32 to vector<16xi32>
        %and3A_484 = arith.andi %convert_element_type3A_481, %and3A_483 : vector<16xi32>
        %add3A_485 = arith.addi %and3A_484, %get3A_155 : vector<16xi32>
        %bitcast_convert_type3A_486 = tpu.bitcast %get3A_158 : vector<16xf32> -> vector<16xi32>
        %shift_left3A_487 = arith.constant 31 : i32
        %shift_left3A_488 = vector.broadcast %shift_left3A_487 : i32 to vector<16xi32>
        %shift_left3A_489 = arith.shli %get3A_161, %shift_left3A_488 : vector<16xi32>
        %xor3A_490 = arith.xori %bitcast_convert_type3A_486, %shift_left3A_489 : vector<16xi32>
        %bitcast_convert_type3A_491 = tpu.bitcast %xor3A_490 : vector<16xi32> -> vector<16xf32>
        %add3A_492 = arith.constant 1.000000e+00 : f32
        %add3A_493 = vector.broadcast %add3A_492 : f32 to vector<16xf32>
        %add3A_494 = arith.addf %add3A_493, %bitcast_convert_type3A_491 : vector<16xf32>
        %max3A_495 = arith.constant 0.000000e+00 : f32
        %max3A_496 = vector.broadcast %max3A_495 : f32 to vector<16xf32>
        %max3A_497 = arith.maximumf %add3A_494, %max3A_496 : vector<16xf32>
        %mul3A_498 = arith.constant 85.3333359 : f32
        %mul3A_499 = vector.broadcast %mul3A_498 : f32 to vector<16xf32>
        %mul3A_500 = arith.mulf %max3A_497, %mul3A_499 : vector<16xf32>
        %sub3A_501 = arith.subf %add3A_11, %mul3A_500 : vector<16xf32>
        %max3A_502 = arith.maximumf %sub3A_501, %convert_element_type3A : vector<16xf32>
        %convert_element_type3A_503 = arith.fptosi %max3A_502 : vector<16xf32> to vector<16xi32>
        %and3A_504 = arith.constant -2 : i32
        %and3A_505 = vector.broadcast %and3A_504 : i32 to vector<16xi32>
        %and3A_506 = arith.andi %convert_element_type3A_503, %and3A_505 : vector<16xi32>
        %add3A_507 = arith.addi %and3A_506, %get3A_161 : vector<16xi32>
        %bitcast_convert_type3A_508 = tpu.bitcast %get3A_164 : vector<16xf32> -> vector<16xi32>
        %shift_left3A_509 = arith.constant 31 : i32
        %shift_left3A_510 = vector.broadcast %shift_left3A_509 : i32 to vector<16xi32>
        %shift_left3A_511 = arith.shli %get3A_167, %shift_left3A_510 : vector<16xi32>
        %xor3A_512 = arith.xori %bitcast_convert_type3A_508, %shift_left3A_511 : vector<16xi32>
        %bitcast_convert_type3A_513 = tpu.bitcast %xor3A_512 : vector<16xi32> -> vector<16xf32>
        %add3A_514 = arith.constant 1.000000e+00 : f32
        %add3A_515 = vector.broadcast %add3A_514 : f32 to vector<16xf32>
        %add3A_516 = arith.addf %add3A_515, %bitcast_convert_type3A_513 : vector<16xf32>
        %max3A_517 = arith.constant 0.000000e+00 : f32
        %max3A_518 = vector.broadcast %max3A_517 : f32 to vector<16xf32>
        %max3A_519 = arith.maximumf %add3A_516, %max3A_518 : vector<16xf32>
        %mul3A_520 = arith.constant 85.3333359 : f32
        %mul3A_521 = vector.broadcast %mul3A_520 : f32 to vector<16xf32>
        %mul3A_522 = arith.mulf %max3A_519, %mul3A_521 : vector<16xf32>
        %sub3A_523 = arith.subf %add3A_11, %mul3A_522 : vector<16xf32>
        %max3A_524 = arith.maximumf %sub3A_523, %convert_element_type3A : vector<16xf32>
        %convert_element_type3A_525 = arith.fptosi %max3A_524 : vector<16xf32> to vector<16xi32>
        %and3A_526 = arith.constant -2 : i32
        %and3A_527 = vector.broadcast %and3A_526 : i32 to vector<16xi32>
        %and3A_528 = arith.andi %convert_element_type3A_525, %and3A_527 : vector<16xi32>
        %add3A_529 = arith.addi %and3A_528, %get3A_167 : vector<16xi32>
        %bitcast_convert_type3A_530 = tpu.bitcast %get3A_170 : vector<16xf32> -> vector<16xi32>
        %shift_left3A_531 = arith.constant 31 : i32
        %shift_left3A_532 = vector.broadcast %shift_left3A_531 : i32 to vector<16xi32>
        %shift_left3A_533 = arith.shli %get3A_173, %shift_left3A_532 : vector<16xi32>
        %xor3A_534 = arith.xori %bitcast_convert_type3A_530, %shift_left3A_533 : vector<16xi32>
        %bitcast_convert_type3A_535 = tpu.bitcast %xor3A_534 : vector<16xi32> -> vector<16xf32>
        %add3A_536 = arith.constant 1.000000e+00 : f32
        %add3A_537 = vector.broadcast %add3A_536 : f32 to vector<16xf32>
        %add3A_538 = arith.addf %add3A_537, %bitcast_convert_type3A_535 : vector<16xf32>
        %max3A_539 = arith.constant 0.000000e+00 : f32
        %max3A_540 = vector.broadcast %max3A_539 : f32 to vector<16xf32>
        %max3A_541 = arith.maximumf %add3A_538, %max3A_540 : vector<16xf32>
        %mul3A_542 = arith.constant 85.3333359 : f32
        %mul3A_543 = vector.broadcast %mul3A_542 : f32 to vector<16xf32>
        %mul3A_544 = arith.mulf %max3A_541, %mul3A_543 : vector<16xf32>
        %sub3A_545 = arith.subf %add3A_11, %mul3A_544 : vector<16xf32>
        %max3A_546 = arith.maximumf %sub3A_545, %convert_element_type3A : vector<16xf32>
        %convert_element_type3A_547 = arith.fptosi %max3A_546 : vector<16xf32> to vector<16xi32>
        %and3A_548 = arith.constant -2 : i32
        %and3A_549 = vector.broadcast %and3A_548 : i32 to vector<16xi32>
        %and3A_550 = arith.andi %convert_element_type3A_547, %and3A_549 : vector<16xi32>
        %add3A_551 = arith.addi %and3A_550, %get3A_173 : vector<16xi32>
        %bitcast_convert_type3A_552 = tpu.bitcast %get3A_176 : vector<16xf32> -> vector<16xi32>
        %shift_left3A_553 = arith.constant 31 : i32
        %shift_left3A_554 = vector.broadcast %shift_left3A_553 : i32 to vector<16xi32>
        %shift_left3A_555 = arith.shli %get3A_179, %shift_left3A_554 : vector<16xi32>
        %xor3A_556 = arith.xori %bitcast_convert_type3A_552, %shift_left3A_555 : vector<16xi32>
        %bitcast_convert_type3A_557 = tpu.bitcast %xor3A_556 : vector<16xi32> -> vector<16xf32>
        %add3A_558 = arith.constant 1.000000e+00 : f32
        %add3A_559 = vector.broadcast %add3A_558 : f32 to vector<16xf32>
        %add3A_560 = arith.addf %add3A_559, %bitcast_convert_type3A_557 : vector<16xf32>
        %max3A_561 = arith.constant 0.000000e+00 : f32
        %max3A_562 = vector.broadcast %max3A_561 : f32 to vector<16xf32>
        %max3A_563 = arith.maximumf %add3A_560, %max3A_562 : vector<16xf32>
        %mul3A_564 = arith.constant 85.3333359 : f32
        %mul3A_565 = vector.broadcast %mul3A_564 : f32 to vector<16xf32>
        %mul3A_566 = arith.mulf %max3A_563, %mul3A_565 : vector<16xf32>
        %sub3A_567 = arith.subf %add3A_11, %mul3A_566 : vector<16xf32>
        %max3A_568 = arith.maximumf %sub3A_567, %convert_element_type3A : vector<16xf32>
        %convert_element_type3A_569 = arith.fptosi %max3A_568 : vector<16xf32> to vector<16xi32>
        %and3A_570 = arith.constant -2 : i32
        %and3A_571 = vector.broadcast %and3A_570 : i32 to vector<16xi32>
        %and3A_572 = arith.andi %convert_element_type3A_569, %and3A_571 : vector<16xi32>
        %add3A_573 = arith.addi %and3A_572, %get3A_179 : vector<16xi32>
        %bitcast_convert_type3A_574 = tpu.bitcast %get3A_182 : vector<16xf32> -> vector<16xi32>
        %shift_left3A_575 = arith.constant 31 : i32
        %shift_left3A_576 = vector.broadcast %shift_left3A_575 : i32 to vector<16xi32>
        %shift_left3A_577 = arith.shli %get3A_185, %shift_left3A_576 : vector<16xi32>
        %xor3A_578 = arith.xori %bitcast_convert_type3A_574, %shift_left3A_577 : vector<16xi32>
        %bitcast_convert_type3A_579 = tpu.bitcast %xor3A_578 : vector<16xi32> -> vector<16xf32>
        %add3A_580 = arith.constant 1.000000e+00 : f32
        %add3A_581 = vector.broadcast %add3A_580 : f32 to vector<16xf32>
        %add3A_582 = arith.addf %add3A_581, %bitcast_convert_type3A_579 : vector<16xf32>
        %max3A_583 = arith.constant 0.000000e+00 : f32
        %max3A_584 = vector.broadcast %max3A_583 : f32 to vector<16xf32>
        %max3A_585 = arith.maximumf %add3A_582, %max3A_584 : vector<16xf32>
        %mul3A_586 = arith.constant 85.3333359 : f32
        %mul3A_587 = vector.broadcast %mul3A_586 : f32 to vector<16xf32>
        %mul3A_588 = arith.mulf %max3A_585, %mul3A_587 : vector<16xf32>
        %sub3A_589 = arith.subf %add3A_11, %mul3A_588 : vector<16xf32>
        %max3A_590 = arith.maximumf %sub3A_589, %convert_element_type3A : vector<16xf32>
        %convert_element_type3A_591 = arith.fptosi %max3A_590 : vector<16xf32> to vector<16xi32>
        %and3A_592 = arith.constant -2 : i32
        %and3A_593 = vector.broadcast %and3A_592 : i32 to vector<16xi32>
        %and3A_594 = arith.andi %convert_element_type3A_591, %and3A_593 : vector<16xi32>
        %add3A_595 = arith.addi %and3A_594, %get3A_185 : vector<16xi32>
        %bitcast_convert_type3A_596 = tpu.bitcast %get3A_188 : vector<16xf32> -> vector<16xi32>
        %shift_left3A_597 = arith.constant 31 : i32
        %shift_left3A_598 = vector.broadcast %shift_left3A_597 : i32 to vector<16xi32>
        %shift_left3A_599 = arith.shli %get3A_191, %shift_left3A_598 : vector<16xi32>
        %xor3A_600 = arith.xori %bitcast_convert_type3A_596, %shift_left3A_599 : vector<16xi32>
        %bitcast_convert_type3A_601 = tpu.bitcast %xor3A_600 : vector<16xi32> -> vector<16xf32>
        %add3A_602 = arith.constant 1.000000e+00 : f32
        %add3A_603 = vector.broadcast %add3A_602 : f32 to vector<16xf32>
        %add3A_604 = arith.addf %add3A_603, %bitcast_convert_type3A_601 : vector<16xf32>
        %max3A_605 = arith.constant 0.000000e+00 : f32
        %max3A_606 = vector.broadcast %max3A_605 : f32 to vector<16xf32>
        %max3A_607 = arith.maximumf %add3A_604, %max3A_606 : vector<16xf32>
        %mul3A_608 = arith.constant 85.3333359 : f32
        %mul3A_609 = vector.broadcast %mul3A_608 : f32 to vector<16xf32>
        %mul3A_610 = arith.mulf %max3A_607, %mul3A_609 : vector<16xf32>
        %sub3A_611 = arith.subf %add3A_11, %mul3A_610 : vector<16xf32>
        %max3A_612 = arith.maximumf %sub3A_611, %convert_element_type3A : vector<16xf32>
        %convert_element_type3A_613 = arith.fptosi %max3A_612 : vector<16xf32> to vector<16xi32>
        %and3A_614 = arith.constant -2 : i32
        %and3A_615 = vector.broadcast %and3A_614 : i32 to vector<16xi32>
        %and3A_616 = arith.andi %convert_element_type3A_613, %and3A_615 : vector<16xi32>
        %add3A_617 = arith.addi %and3A_616, %get3A_191 : vector<16xi32>
        %bitcast_convert_type3A_618 = tpu.bitcast %get3A_194 : vector<16xf32> -> vector<16xi32>
        %shift_left3A_619 = arith.constant 31 : i32
        %shift_left3A_620 = vector.broadcast %shift_left3A_619 : i32 to vector<16xi32>
        %shift_left3A_621 = arith.shli %get3A_197, %shift_left3A_620 : vector<16xi32>
        %xor3A_622 = arith.xori %bitcast_convert_type3A_618, %shift_left3A_621 : vector<16xi32>
        %bitcast_convert_type3A_623 = tpu.bitcast %xor3A_622 : vector<16xi32> -> vector<16xf32>
        %add3A_624 = arith.constant 1.000000e+00 : f32
        %add3A_625 = vector.broadcast %add3A_624 : f32 to vector<16xf32>
        %add3A_626 = arith.addf %add3A_625, %bitcast_convert_type3A_623 : vector<16xf32>
        %max3A_627 = arith.constant 0.000000e+00 : f32
        %max3A_628 = vector.broadcast %max3A_627 : f32 to vector<16xf32>
        %max3A_629 = arith.maximumf %add3A_626, %max3A_628 : vector<16xf32>
        %mul3A_630 = arith.constant 85.3333359 : f32
        %mul3A_631 = vector.broadcast %mul3A_630 : f32 to vector<16xf32>
        %mul3A_632 = arith.mulf %max3A_629, %mul3A_631 : vector<16xf32>
        %sub3A_633 = arith.subf %add3A_11, %mul3A_632 : vector<16xf32>
        %max3A_634 = arith.maximumf %sub3A_633, %convert_element_type3A : vector<16xf32>
        %convert_element_type3A_635 = arith.fptosi %max3A_634 : vector<16xf32> to vector<16xi32>
        %and3A_636 = arith.constant -2 : i32
        %and3A_637 = vector.broadcast %and3A_636 : i32 to vector<16xi32>
        %and3A_638 = arith.andi %convert_element_type3A_635, %and3A_637 : vector<16xi32>
        %add3A_639 = arith.addi %and3A_638, %get3A_197 : vector<16xi32>
        %bitcast_convert_type3A_640 = tpu.bitcast %get3A_200 : vector<16xf32> -> vector<16xi32>
        %shift_left3A_641 = arith.constant 31 : i32
        %shift_left3A_642 = vector.broadcast %shift_left3A_641 : i32 to vector<16xi32>
        %shift_left3A_643 = arith.shli %get3A_203, %shift_left3A_642 : vector<16xi32>
        %xor3A_644 = arith.xori %bitcast_convert_type3A_640, %shift_left3A_643 : vector<16xi32>
        %bitcast_convert_type3A_645 = tpu.bitcast %xor3A_644 : vector<16xi32> -> vector<16xf32>
        %add3A_646 = arith.constant 1.000000e+00 : f32
        %add3A_647 = vector.broadcast %add3A_646 : f32 to vector<16xf32>
        %add3A_648 = arith.addf %add3A_647, %bitcast_convert_type3A_645 : vector<16xf32>
        %max3A_649 = arith.constant 0.000000e+00 : f32
        %max3A_650 = vector.broadcast %max3A_649 : f32 to vector<16xf32>
        %max3A_651 = arith.maximumf %add3A_648, %max3A_650 : vector<16xf32>
        %mul3A_652 = arith.constant 85.3333359 : f32
        %mul3A_653 = vector.broadcast %mul3A_652 : f32 to vector<16xf32>
        %mul3A_654 = arith.mulf %max3A_651, %mul3A_653 : vector<16xf32>
        %sub3A_655 = arith.subf %add3A_11, %mul3A_654 : vector<16xf32>
        %max3A_656 = arith.maximumf %sub3A_655, %convert_element_type3A : vector<16xf32>
        %convert_element_type3A_657 = arith.fptosi %max3A_656 : vector<16xf32> to vector<16xi32>
        %and3A_658 = arith.constant -2 : i32
        %and3A_659 = vector.broadcast %and3A_658 : i32 to vector<16xi32>
        %and3A_660 = arith.andi %convert_element_type3A_657, %and3A_659 : vector<16xi32>
        %add3A_661 = arith.addi %and3A_660, %get3A_203 : vector<16xi32>
        %bitcast_convert_type3A_662 = tpu.bitcast %get3A_206 : vector<16xf32> -> vector<16xi32>
        %shift_left3A_663 = arith.constant 31 : i32
        %shift_left3A_664 = vector.broadcast %shift_left3A_663 : i32 to vector<16xi32>
        %shift_left3A_665 = arith.shli %get3A_209, %shift_left3A_664 : vector<16xi32>
        %xor3A_666 = arith.xori %bitcast_convert_type3A_662, %shift_left3A_665 : vector<16xi32>
        %bitcast_convert_type3A_667 = tpu.bitcast %xor3A_666 : vector<16xi32> -> vector<16xf32>
        %add3A_668 = arith.constant 1.000000e+00 : f32
        %add3A_669 = vector.broadcast %add3A_668 : f32 to vector<16xf32>
        %add3A_670 = arith.addf %add3A_669, %bitcast_convert_type3A_667 : vector<16xf32>
        %max3A_671 = arith.constant 0.000000e+00 : f32
        %max3A_672 = vector.broadcast %max3A_671 : f32 to vector<16xf32>
        %max3A_673 = arith.maximumf %add3A_670, %max3A_672 : vector<16xf32>
        %mul3A_674 = arith.constant 85.3333359 : f32
        %mul3A_675 = vector.broadcast %mul3A_674 : f32 to vector<16xf32>
        %mul3A_676 = arith.mulf %max3A_673, %mul3A_675 : vector<16xf32>
        %sub3A_677 = arith.subf %add3A_11, %mul3A_676 : vector<16xf32>
        %max3A_678 = arith.maximumf %sub3A_677, %convert_element_type3A : vector<16xf32>
        %convert_element_type3A_679 = arith.fptosi %max3A_678 : vector<16xf32> to vector<16xi32>
        %and3A_680 = arith.constant -2 : i32
        %and3A_681 = vector.broadcast %and3A_680 : i32 to vector<16xi32>
        %and3A_682 = arith.andi %convert_element_type3A_679, %and3A_681 : vector<16xi32>
        %add3A_683 = arith.addi %and3A_682, %get3A_209 : vector<16xi32>
        %bitcast_convert_type3A_684 = tpu.bitcast %get3A_212 : vector<16xf32> -> vector<16xi32>
        %shift_left3A_685 = arith.constant 31 : i32
        %shift_left3A_686 = vector.broadcast %shift_left3A_685 : i32 to vector<16xi32>
        %shift_left3A_687 = arith.shli %get3A_215, %shift_left3A_686 : vector<16xi32>
        %xor3A_688 = arith.xori %bitcast_convert_type3A_684, %shift_left3A_687 : vector<16xi32>
        %bitcast_convert_type3A_689 = tpu.bitcast %xor3A_688 : vector<16xi32> -> vector<16xf32>
        %add3A_690 = arith.constant 1.000000e+00 : f32
        %add3A_691 = vector.broadcast %add3A_690 : f32 to vector<16xf32>
        %add3A_692 = arith.addf %add3A_691, %bitcast_convert_type3A_689 : vector<16xf32>
        %max3A_693 = arith.constant 0.000000e+00 : f32
        %max3A_694 = vector.broadcast %max3A_693 : f32 to vector<16xf32>
        %max3A_695 = arith.maximumf %add3A_692, %max3A_694 : vector<16xf32>
        %mul3A_696 = arith.constant 85.3333359 : f32
        %mul3A_697 = vector.broadcast %mul3A_696 : f32 to vector<16xf32>
        %mul3A_698 = arith.mulf %max3A_695, %mul3A_697 : vector<16xf32>
        %sub3A_699 = arith.subf %add3A_11, %mul3A_698 : vector<16xf32>
        %max3A_700 = arith.maximumf %sub3A_699, %convert_element_type3A : vector<16xf32>
        %convert_element_type3A_701 = arith.fptosi %max3A_700 : vector<16xf32> to vector<16xi32>
        %and3A_702 = arith.constant -2 : i32
        %and3A_703 = vector.broadcast %and3A_702 : i32 to vector<16xi32>
        %and3A_704 = arith.andi %convert_element_type3A_701, %and3A_703 : vector<16xi32>
        %add3A_705 = arith.addi %and3A_704, %get3A_215 : vector<16xi32>
        %bitcast_convert_type3A_706 = tpu.bitcast %get3A_218 : vector<16xf32> -> vector<16xi32>
        %shift_left3A_707 = arith.constant 31 : i32
        %shift_left3A_708 = vector.broadcast %shift_left3A_707 : i32 to vector<16xi32>
        %shift_left3A_709 = arith.shli %get3A_221, %shift_left3A_708 : vector<16xi32>
        %xor3A_710 = arith.xori %bitcast_convert_type3A_706, %shift_left3A_709 : vector<16xi32>
        %bitcast_convert_type3A_711 = tpu.bitcast %xor3A_710 : vector<16xi32> -> vector<16xf32>
        %add3A_712 = arith.constant 1.000000e+00 : f32
        %add3A_713 = vector.broadcast %add3A_712 : f32 to vector<16xf32>
        %add3A_714 = arith.addf %add3A_713, %bitcast_convert_type3A_711 : vector<16xf32>
        %max3A_715 = arith.constant 0.000000e+00 : f32
        %max3A_716 = vector.broadcast %max3A_715 : f32 to vector<16xf32>
        %max3A_717 = arith.maximumf %add3A_714, %max3A_716 : vector<16xf32>
        %mul3A_718 = arith.constant 85.3333359 : f32
        %mul3A_719 = vector.broadcast %mul3A_718 : f32 to vector<16xf32>
        %mul3A_720 = arith.mulf %max3A_717, %mul3A_719 : vector<16xf32>
        %sub3A_721 = arith.subf %add3A_11, %mul3A_720 : vector<16xf32>
        %max3A_722 = arith.maximumf %sub3A_721, %convert_element_type3A : vector<16xf32>
        %convert_element_type3A_723 = arith.fptosi %max3A_722 : vector<16xf32> to vector<16xi32>
        %and3A_724 = arith.constant -2 : i32
        %and3A_725 = vector.broadcast %and3A_724 : i32 to vector<16xi32>
        %and3A_726 = arith.andi %convert_element_type3A_723, %and3A_725 : vector<16xi32>
        %add3A_727 = arith.addi %and3A_726, %get3A_221 : vector<16xi32>
        %bitcast_convert_type3A_728 = tpu.bitcast %get3A_224 : vector<16xf32> -> vector<16xi32>
        %shift_left3A_729 = arith.constant 31 : i32
        %shift_left3A_730 = vector.broadcast %shift_left3A_729 : i32 to vector<16xi32>
        %shift_left3A_731 = arith.shli %get3A_227, %shift_left3A_730 : vector<16xi32>
        %xor3A_732 = arith.xori %bitcast_convert_type3A_728, %shift_left3A_731 : vector<16xi32>
        %bitcast_convert_type3A_733 = tpu.bitcast %xor3A_732 : vector<16xi32> -> vector<16xf32>
        %add3A_734 = arith.constant 1.000000e+00 : f32
        %add3A_735 = vector.broadcast %add3A_734 : f32 to vector<16xf32>
        %add3A_736 = arith.addf %add3A_735, %bitcast_convert_type3A_733 : vector<16xf32>
        %max3A_737 = arith.constant 0.000000e+00 : f32
        %max3A_738 = vector.broadcast %max3A_737 : f32 to vector<16xf32>
        %max3A_739 = arith.maximumf %add3A_736, %max3A_738 : vector<16xf32>
        %mul3A_740 = arith.constant 85.3333359 : f32
        %mul3A_741 = vector.broadcast %mul3A_740 : f32 to vector<16xf32>
        %mul3A_742 = arith.mulf %max3A_739, %mul3A_741 : vector<16xf32>
        %sub3A_743 = arith.subf %add3A_11, %mul3A_742 : vector<16xf32>
        %max3A_744 = arith.maximumf %sub3A_743, %convert_element_type3A : vector<16xf32>
        %convert_element_type3A_745 = arith.fptosi %max3A_744 : vector<16xf32> to vector<16xi32>
        %and3A_746 = arith.constant -2 : i32
        %and3A_747 = vector.broadcast %and3A_746 : i32 to vector<16xi32>
        %and3A_748 = arith.andi %convert_element_type3A_745, %and3A_747 : vector<16xi32>
        %add3A_749 = arith.addi %and3A_748, %get3A_227 : vector<16xi32>
        %bitcast_convert_type3A_750 = tpu.bitcast %get3A_230 : vector<16xf32> -> vector<16xi32>
        %shift_left3A_751 = arith.constant 31 : i32
        %shift_left3A_752 = vector.broadcast %shift_left3A_751 : i32 to vector<16xi32>
        %shift_left3A_753 = arith.shli %get3A_233, %shift_left3A_752 : vector<16xi32>
        %xor3A_754 = arith.xori %bitcast_convert_type3A_750, %shift_left3A_753 : vector<16xi32>
        %bitcast_convert_type3A_755 = tpu.bitcast %xor3A_754 : vector<16xi32> -> vector<16xf32>
        %add3A_756 = arith.constant 1.000000e+00 : f32
        %add3A_757 = vector.broadcast %add3A_756 : f32 to vector<16xf32>
        %add3A_758 = arith.addf %add3A_757, %bitcast_convert_type3A_755 : vector<16xf32>
        %max3A_759 = arith.constant 0.000000e+00 : f32
        %max3A_760 = vector.broadcast %max3A_759 : f32 to vector<16xf32>
        %max3A_761 = arith.maximumf %add3A_758, %max3A_760 : vector<16xf32>
        %mul3A_762 = arith.constant 85.3333359 : f32
        %mul3A_763 = vector.broadcast %mul3A_762 : f32 to vector<16xf32>
        %mul3A_764 = arith.mulf %max3A_761, %mul3A_763 : vector<16xf32>
        %sub3A_765 = arith.subf %add3A_11, %mul3A_764 : vector<16xf32>
        %max3A_766 = arith.maximumf %sub3A_765, %convert_element_type3A : vector<16xf32>
        %convert_element_type3A_767 = arith.fptosi %max3A_766 : vector<16xf32> to vector<16xi32>
        %and3A_768 = arith.constant -2 : i32
        %and3A_769 = vector.broadcast %and3A_768 : i32 to vector<16xi32>
        %and3A_770 = arith.andi %convert_element_type3A_767, %and3A_769 : vector<16xi32>
        %add3A_771 = arith.addi %and3A_770, %get3A_233 : vector<16xi32>
        %bitcast_convert_type3A_772 = tpu.bitcast %get3A_236 : vector<16xf32> -> vector<16xi32>
        %shift_left3A_773 = arith.constant 31 : i32
        %shift_left3A_774 = vector.broadcast %shift_left3A_773 : i32 to vector<16xi32>
        %shift_left3A_775 = arith.shli %get3A_239, %shift_left3A_774 : vector<16xi32>
        %xor3A_776 = arith.xori %bitcast_convert_type3A_772, %shift_left3A_775 : vector<16xi32>
        %bitcast_convert_type3A_777 = tpu.bitcast %xor3A_776 : vector<16xi32> -> vector<16xf32>
        %add3A_778 = arith.constant 1.000000e+00 : f32
        %add3A_779 = vector.broadcast %add3A_778 : f32 to vector<16xf32>
        %add3A_780 = arith.addf %add3A_779, %bitcast_convert_type3A_777 : vector<16xf32>
        %max3A_781 = arith.constant 0.000000e+00 : f32
        %max3A_782 = vector.broadcast %max3A_781 : f32 to vector<16xf32>
        %max3A_783 = arith.maximumf %add3A_780, %max3A_782 : vector<16xf32>
        %mul3A_784 = arith.constant 85.3333359 : f32
        %mul3A_785 = vector.broadcast %mul3A_784 : f32 to vector<16xf32>
        %mul3A_786 = arith.mulf %max3A_783, %mul3A_785 : vector<16xf32>
        %sub3A_787 = arith.subf %add3A_11, %mul3A_786 : vector<16xf32>
        %max3A_788 = arith.maximumf %sub3A_787, %convert_element_type3A : vector<16xf32>
        %convert_element_type3A_789 = arith.fptosi %max3A_788 : vector<16xf32> to vector<16xi32>
        %and3A_790 = arith.constant -2 : i32
        %and3A_791 = vector.broadcast %and3A_790 : i32 to vector<16xi32>
        %and3A_792 = arith.andi %convert_element_type3A_789, %and3A_791 : vector<16xi32>
        %add3A_793 = arith.addi %and3A_792, %get3A_239 : vector<16xi32>
        %bitcast_convert_type3A_794 = tpu.bitcast %get3A_242 : vector<16xf32> -> vector<16xi32>
        %shift_left3A_795 = arith.constant 31 : i32
        %shift_left3A_796 = vector.broadcast %shift_left3A_795 : i32 to vector<16xi32>
        %shift_left3A_797 = arith.shli %get3A_245, %shift_left3A_796 : vector<16xi32>
        %xor3A_798 = arith.xori %bitcast_convert_type3A_794, %shift_left3A_797 : vector<16xi32>
        %bitcast_convert_type3A_799 = tpu.bitcast %xor3A_798 : vector<16xi32> -> vector<16xf32>
        %add3A_800 = arith.constant 1.000000e+00 : f32
        %add3A_801 = vector.broadcast %add3A_800 : f32 to vector<16xf32>
        %add3A_802 = arith.addf %add3A_801, %bitcast_convert_type3A_799 : vector<16xf32>
        %max3A_803 = arith.constant 0.000000e+00 : f32
        %max3A_804 = vector.broadcast %max3A_803 : f32 to vector<16xf32>
        %max3A_805 = arith.maximumf %add3A_802, %max3A_804 : vector<16xf32>
        %mul3A_806 = arith.constant 85.3333359 : f32
        %mul3A_807 = vector.broadcast %mul3A_806 : f32 to vector<16xf32>
        %mul3A_808 = arith.mulf %max3A_805, %mul3A_807 : vector<16xf32>
        %sub3A_809 = arith.subf %add3A_11, %mul3A_808 : vector<16xf32>
        %max3A_810 = arith.maximumf %sub3A_809, %convert_element_type3A : vector<16xf32>
        %convert_element_type3A_811 = arith.fptosi %max3A_810 : vector<16xf32> to vector<16xi32>
        %and3A_812 = arith.constant -2 : i32
        %and3A_813 = vector.broadcast %and3A_812 : i32 to vector<16xi32>
        %and3A_814 = arith.andi %convert_element_type3A_811, %and3A_813 : vector<16xi32>
        %add3A_815 = arith.addi %and3A_814, %get3A_245 : vector<16xi32>
        %bitcast_convert_type3A_816 = tpu.bitcast %get3A_248 : vector<16xf32> -> vector<16xi32>
        %shift_left3A_817 = arith.constant 31 : i32
        %shift_left3A_818 = vector.broadcast %shift_left3A_817 : i32 to vector<16xi32>
        %shift_left3A_819 = arith.shli %get3A_251, %shift_left3A_818 : vector<16xi32>
        %xor3A_820 = arith.xori %bitcast_convert_type3A_816, %shift_left3A_819 : vector<16xi32>
        %bitcast_convert_type3A_821 = tpu.bitcast %xor3A_820 : vector<16xi32> -> vector<16xf32>
        %add3A_822 = arith.constant 1.000000e+00 : f32
        %add3A_823 = vector.broadcast %add3A_822 : f32 to vector<16xf32>
        %add3A_824 = arith.addf %add3A_823, %bitcast_convert_type3A_821 : vector<16xf32>
        %max3A_825 = arith.constant 0.000000e+00 : f32
        %max3A_826 = vector.broadcast %max3A_825 : f32 to vector<16xf32>
        %max3A_827 = arith.maximumf %add3A_824, %max3A_826 : vector<16xf32>
        %mul3A_828 = arith.constant 85.3333359 : f32
        %mul3A_829 = vector.broadcast %mul3A_828 : f32 to vector<16xf32>
        %mul3A_830 = arith.mulf %max3A_827, %mul3A_829 : vector<16xf32>
        %sub3A_831 = arith.subf %add3A_11, %mul3A_830 : vector<16xf32>
        %max3A_832 = arith.maximumf %sub3A_831, %convert_element_type3A : vector<16xf32>
        %convert_element_type3A_833 = arith.fptosi %max3A_832 : vector<16xf32> to vector<16xi32>
        %and3A_834 = arith.constant -2 : i32
        %and3A_835 = vector.broadcast %and3A_834 : i32 to vector<16xi32>
        %and3A_836 = arith.andi %convert_element_type3A_833, %and3A_835 : vector<16xi32>
        %add3A_837 = arith.addi %and3A_836, %get3A_251 : vector<16xi32>
        %bitcast_convert_type3A_838 = tpu.bitcast %get3A_254 : vector<16xf32> -> vector<16xi32>
        %shift_left3A_839 = arith.constant 31 : i32
        %shift_left3A_840 = vector.broadcast %shift_left3A_839 : i32 to vector<16xi32>
        %shift_left3A_841 = arith.shli %get3A_257, %shift_left3A_840 : vector<16xi32>
        %xor3A_842 = arith.xori %bitcast_convert_type3A_838, %shift_left3A_841 : vector<16xi32>
        %bitcast_convert_type3A_843 = tpu.bitcast %xor3A_842 : vector<16xi32> -> vector<16xf32>
        %add3A_844 = arith.constant 1.000000e+00 : f32
        %add3A_845 = vector.broadcast %add3A_844 : f32 to vector<16xf32>
        %add3A_846 = arith.addf %add3A_845, %bitcast_convert_type3A_843 : vector<16xf32>
        %max3A_847 = arith.constant 0.000000e+00 : f32
        %max3A_848 = vector.broadcast %max3A_847 : f32 to vector<16xf32>
        %max3A_849 = arith.maximumf %add3A_846, %max3A_848 : vector<16xf32>
        %mul3A_850 = arith.constant 85.3333359 : f32
        %mul3A_851 = vector.broadcast %mul3A_850 : f32 to vector<16xf32>
        %mul3A_852 = arith.mulf %max3A_849, %mul3A_851 : vector<16xf32>
        %sub3A_853 = arith.subf %add3A_11, %mul3A_852 : vector<16xf32>
        %max3A_854 = arith.maximumf %sub3A_853, %convert_element_type3A : vector<16xf32>
        %convert_element_type3A_855 = arith.fptosi %max3A_854 : vector<16xf32> to vector<16xi32>
        %and3A_856 = arith.constant -2 : i32
        %and3A_857 = vector.broadcast %and3A_856 : i32 to vector<16xi32>
        %and3A_858 = arith.andi %convert_element_type3A_855, %and3A_857 : vector<16xi32>
        %add3A_859 = arith.addi %and3A_858, %get3A_257 : vector<16xi32>
        %bitcast_convert_type3A_860 = tpu.bitcast %get3A_260 : vector<16xf32> -> vector<16xi32>
        %shift_left3A_861 = arith.constant 31 : i32
        %shift_left3A_862 = vector.broadcast %shift_left3A_861 : i32 to vector<16xi32>
        %shift_left3A_863 = arith.shli %get3A_263, %shift_left3A_862 : vector<16xi32>
        %xor3A_864 = arith.xori %bitcast_convert_type3A_860, %shift_left3A_863 : vector<16xi32>
        %bitcast_convert_type3A_865 = tpu.bitcast %xor3A_864 : vector<16xi32> -> vector<16xf32>
        %add3A_866 = arith.constant 1.000000e+00 : f32
        %add3A_867 = vector.broadcast %add3A_866 : f32 to vector<16xf32>
        %add3A_868 = arith.addf %add3A_867, %bitcast_convert_type3A_865 : vector<16xf32>
        %max3A_869 = arith.constant 0.000000e+00 : f32
        %max3A_870 = vector.broadcast %max3A_869 : f32 to vector<16xf32>
        %max3A_871 = arith.maximumf %add3A_868, %max3A_870 : vector<16xf32>
        %mul3A_872 = arith.constant 85.3333359 : f32
        %mul3A_873 = vector.broadcast %mul3A_872 : f32 to vector<16xf32>
        %mul3A_874 = arith.mulf %max3A_871, %mul3A_873 : vector<16xf32>
        %sub3A_875 = arith.subf %add3A_11, %mul3A_874 : vector<16xf32>
        %max3A_876 = arith.maximumf %sub3A_875, %convert_element_type3A : vector<16xf32>
        %convert_element_type3A_877 = arith.fptosi %max3A_876 : vector<16xf32> to vector<16xi32>
        %and3A_878 = arith.constant -2 : i32
        %and3A_879 = vector.broadcast %and3A_878 : i32 to vector<16xi32>
        %and3A_880 = arith.andi %convert_element_type3A_877, %and3A_879 : vector<16xi32>
        %add3A_881 = arith.addi %and3A_880, %get3A_263 : vector<16xi32>
        %bitcast_convert_type3A_882 = tpu.bitcast %get3A_266 : vector<16xf32> -> vector<16xi32>
        %shift_left3A_883 = arith.constant 31 : i32
        %shift_left3A_884 = vector.broadcast %shift_left3A_883 : i32 to vector<16xi32>
        %shift_left3A_885 = arith.shli %get3A_269, %shift_left3A_884 : vector<16xi32>
        %xor3A_886 = arith.xori %bitcast_convert_type3A_882, %shift_left3A_885 : vector<16xi32>
        %bitcast_convert_type3A_887 = tpu.bitcast %xor3A_886 : vector<16xi32> -> vector<16xf32>
        %add3A_888 = arith.constant 1.000000e+00 : f32
        %add3A_889 = vector.broadcast %add3A_888 : f32 to vector<16xf32>
        %add3A_890 = arith.addf %add3A_889, %bitcast_convert_type3A_887 : vector<16xf32>
        %max3A_891 = arith.constant 0.000000e+00 : f32
        %max3A_892 = vector.broadcast %max3A_891 : f32 to vector<16xf32>
        %max3A_893 = arith.maximumf %add3A_890, %max3A_892 : vector<16xf32>
        %mul3A_894 = arith.constant 85.3333359 : f32
        %mul3A_895 = vector.broadcast %mul3A_894 : f32 to vector<16xf32>
        %mul3A_896 = arith.mulf %max3A_893, %mul3A_895 : vector<16xf32>
        %sub3A_897 = arith.subf %add3A_11, %mul3A_896 : vector<16xf32>
        %max3A_898 = arith.maximumf %sub3A_897, %convert_element_type3A : vector<16xf32>
        %convert_element_type3A_899 = arith.fptosi %max3A_898 : vector<16xf32> to vector<16xi32>
        %and3A_900 = arith.constant -2 : i32
        %and3A_901 = vector.broadcast %and3A_900 : i32 to vector<16xi32>
        %and3A_902 = arith.andi %convert_element_type3A_899, %and3A_901 : vector<16xi32>
        %add3A_903 = arith.addi %and3A_902, %get3A_269 : vector<16xi32>
        %bitcast_convert_type3A_904 = tpu.bitcast %get3A_272 : vector<16xf32> -> vector<16xi32>
        %shift_left3A_905 = arith.constant 31 : i32
        %shift_left3A_906 = vector.broadcast %shift_left3A_905 : i32 to vector<16xi32>
        %shift_left3A_907 = arith.shli %get3A_275, %shift_left3A_906 : vector<16xi32>
        %xor3A_908 = arith.xori %bitcast_convert_type3A_904, %shift_left3A_907 : vector<16xi32>
        %bitcast_convert_type3A_909 = tpu.bitcast %xor3A_908 : vector<16xi32> -> vector<16xf32>
        %add3A_910 = arith.constant 1.000000e+00 : f32
        %add3A_911 = vector.broadcast %add3A_910 : f32 to vector<16xf32>
        %add3A_912 = arith.addf %add3A_911, %bitcast_convert_type3A_909 : vector<16xf32>
        %max3A_913 = arith.constant 0.000000e+00 : f32
        %max3A_914 = vector.broadcast %max3A_913 : f32 to vector<16xf32>
        %max3A_915 = arith.maximumf %add3A_912, %max3A_914 : vector<16xf32>
        %mul3A_916 = arith.constant 85.3333359 : f32
        %mul3A_917 = vector.broadcast %mul3A_916 : f32 to vector<16xf32>
        %mul3A_918 = arith.mulf %max3A_915, %mul3A_917 : vector<16xf32>
        %sub3A_919 = arith.subf %add3A_11, %mul3A_918 : vector<16xf32>
        %max3A_920 = arith.maximumf %sub3A_919, %convert_element_type3A : vector<16xf32>
        %convert_element_type3A_921 = arith.fptosi %max3A_920 : vector<16xf32> to vector<16xi32>
        %and3A_922 = arith.constant -2 : i32
        %and3A_923 = vector.broadcast %and3A_922 : i32 to vector<16xi32>
        %and3A_924 = arith.andi %convert_element_type3A_921, %and3A_923 : vector<16xi32>
        %add3A_925 = arith.addi %and3A_924, %get3A_275 : vector<16xi32>
        %bitcast_convert_type3A_926 = tpu.bitcast %get3A_278 : vector<16xf32> -> vector<16xi32>
        %shift_left3A_927 = arith.constant 31 : i32
        %shift_left3A_928 = vector.broadcast %shift_left3A_927 : i32 to vector<16xi32>
        %shift_left3A_929 = arith.shli %get3A_281, %shift_left3A_928 : vector<16xi32>
        %xor3A_930 = arith.xori %bitcast_convert_type3A_926, %shift_left3A_929 : vector<16xi32>
        %bitcast_convert_type3A_931 = tpu.bitcast %xor3A_930 : vector<16xi32> -> vector<16xf32>
        %add3A_932 = arith.constant 1.000000e+00 : f32
        %add3A_933 = vector.broadcast %add3A_932 : f32 to vector<16xf32>
        %add3A_934 = arith.addf %add3A_933, %bitcast_convert_type3A_931 : vector<16xf32>
        %max3A_935 = arith.constant 0.000000e+00 : f32
        %max3A_936 = vector.broadcast %max3A_935 : f32 to vector<16xf32>
        %max3A_937 = arith.maximumf %add3A_934, %max3A_936 : vector<16xf32>
        %mul3A_938 = arith.constant 85.3333359 : f32
        %mul3A_939 = vector.broadcast %mul3A_938 : f32 to vector<16xf32>
        %mul3A_940 = arith.mulf %max3A_937, %mul3A_939 : vector<16xf32>
        %sub3A_941 = arith.subf %add3A_11, %mul3A_940 : vector<16xf32>
        %max3A_942 = arith.maximumf %sub3A_941, %convert_element_type3A : vector<16xf32>
        %convert_element_type3A_943 = arith.fptosi %max3A_942 : vector<16xf32> to vector<16xi32>
        %and3A_944 = arith.constant -2 : i32
        %and3A_945 = vector.broadcast %and3A_944 : i32 to vector<16xi32>
        %and3A_946 = arith.andi %convert_element_type3A_943, %and3A_945 : vector<16xi32>
        %add3A_947 = arith.addi %and3A_946, %get3A_281 : vector<16xi32>
        %bitcast_convert_type3A_948 = tpu.bitcast %get3A_284 : vector<16xf32> -> vector<16xi32>
        %shift_left3A_949 = arith.constant 31 : i32
        %shift_left3A_950 = vector.broadcast %shift_left3A_949 : i32 to vector<16xi32>
        %shift_left3A_951 = arith.shli %get3A_287, %shift_left3A_950 : vector<16xi32>
        %xor3A_952 = arith.xori %bitcast_convert_type3A_948, %shift_left3A_951 : vector<16xi32>
        %bitcast_convert_type3A_953 = tpu.bitcast %xor3A_952 : vector<16xi32> -> vector<16xf32>
        %add3A_954 = arith.constant 1.000000e+00 : f32
        %add3A_955 = vector.broadcast %add3A_954 : f32 to vector<16xf32>
        %add3A_956 = arith.addf %add3A_955, %bitcast_convert_type3A_953 : vector<16xf32>
        %max3A_957 = arith.constant 0.000000e+00 : f32
        %max3A_958 = vector.broadcast %max3A_957 : f32 to vector<16xf32>
        %max3A_959 = arith.maximumf %add3A_956, %max3A_958 : vector<16xf32>
        %mul3A_960 = arith.constant 85.3333359 : f32
        %mul3A_961 = vector.broadcast %mul3A_960 : f32 to vector<16xf32>
        %mul3A_962 = arith.mulf %max3A_959, %mul3A_961 : vector<16xf32>
        %sub3A_963 = arith.subf %add3A_11, %mul3A_962 : vector<16xf32>
        %max3A_964 = arith.maximumf %sub3A_963, %convert_element_type3A : vector<16xf32>
        %convert_element_type3A_965 = arith.fptosi %max3A_964 : vector<16xf32> to vector<16xi32>
        %and3A_966 = arith.constant -2 : i32
        %and3A_967 = vector.broadcast %and3A_966 : i32 to vector<16xi32>
        %and3A_968 = arith.andi %convert_element_type3A_965, %and3A_967 : vector<16xi32>
        %add3A_969 = arith.addi %and3A_968, %get3A_287 : vector<16xi32>
        %bitcast_convert_type3A_970 = tpu.bitcast %get3A_290 : vector<16xf32> -> vector<16xi32>
        %shift_left3A_971 = arith.constant 31 : i32
        %shift_left3A_972 = vector.broadcast %shift_left3A_971 : i32 to vector<16xi32>
        %shift_left3A_973 = arith.shli %get3A_293, %shift_left3A_972 : vector<16xi32>
        %xor3A_974 = arith.xori %bitcast_convert_type3A_970, %shift_left3A_973 : vector<16xi32>
        %bitcast_convert_type3A_975 = tpu.bitcast %xor3A_974 : vector<16xi32> -> vector<16xf32>
        %add3A_976 = arith.constant 1.000000e+00 : f32
        %add3A_977 = vector.broadcast %add3A_976 : f32 to vector<16xf32>
        %add3A_978 = arith.addf %add3A_977, %bitcast_convert_type3A_975 : vector<16xf32>
        %max3A_979 = arith.constant 0.000000e+00 : f32
        %max3A_980 = vector.broadcast %max3A_979 : f32 to vector<16xf32>
        %max3A_981 = arith.maximumf %add3A_978, %max3A_980 : vector<16xf32>
        %mul3A_982 = arith.constant 85.3333359 : f32
        %mul3A_983 = vector.broadcast %mul3A_982 : f32 to vector<16xf32>
        %mul3A_984 = arith.mulf %max3A_981, %mul3A_983 : vector<16xf32>
        %sub3A_985 = arith.subf %add3A_11, %mul3A_984 : vector<16xf32>
        %max3A_986 = arith.maximumf %sub3A_985, %convert_element_type3A : vector<16xf32>
        %convert_element_type3A_987 = arith.fptosi %max3A_986 : vector<16xf32> to vector<16xi32>
        %and3A_988 = arith.constant -2 : i32
        %and3A_989 = vector.broadcast %and3A_988 : i32 to vector<16xi32>
        %and3A_990 = arith.andi %convert_element_type3A_987, %and3A_989 : vector<16xi32>
        %add3A_991 = arith.addi %and3A_990, %get3A_293 : vector<16xi32>
        tpu.vector_store_idx %arg9[%add3A_309], %broadcast_in_dim3A_5 {add = true} : memref<16384xf32, #tpu.memory_space<vmem>>[vector<16xi32>], vector<16xf32>,
        tpu.vector_store_idx %arg10[%add3A_309], %max3A_301 {add = true} : memref<16384xf32, #tpu.memory_space<vmem>>[vector<16xi32>], vector<16xf32>,
        tpu.vector_store_idx %arg9[%add3A_331], %broadcast_in_dim3A_5 {add = true} : memref<16384xf32, #tpu.memory_space<vmem>>[vector<16xi32>], vector<16xf32>,
        tpu.vector_store_idx %arg10[%add3A_331], %max3A_321 {add = true} : memref<16384xf32, #tpu.memory_space<vmem>>[vector<16xi32>], vector<16xf32>,
        tpu.vector_store_idx %arg9[%add3A_353], %broadcast_in_dim3A_5 {add = true} : memref<16384xf32, #tpu.memory_space<vmem>>[vector<16xi32>], vector<16xf32>,
        tpu.vector_store_idx %arg10[%add3A_353], %max3A_343 {add = true} : memref<16384xf32, #tpu.memory_space<vmem>>[vector<16xi32>], vector<16xf32>,
        tpu.vector_store_idx %arg9[%add3A_375], %broadcast_in_dim3A_5 {add = true} : memref<16384xf32, #tpu.memory_space<vmem>>[vector<16xi32>], vector<16xf32>,
        tpu.vector_store_idx %arg10[%add3A_375], %max3A_365 {add = true} : memref<16384xf32, #tpu.memory_space<vmem>>[vector<16xi32>], vector<16xf32>,
        tpu.vector_store_idx %arg9[%add3A_397], %broadcast_in_dim3A_5 {add = true} : memref<16384xf32, #tpu.memory_space<vmem>>[vector<16xi32>], vector<16xf32>,
        tpu.vector_store_idx %arg10[%add3A_397], %max3A_387 {add = true} : memref<16384xf32, #tpu.memory_space<vmem>>[vector<16xi32>], vector<16xf32>,
        tpu.vector_store_idx %arg9[%add3A_419], %broadcast_in_dim3A_5 {add = true} : memref<16384xf32, #tpu.memory_space<vmem>>[vector<16xi32>], vector<16xf32>,
        tpu.vector_store_idx %arg10[%add3A_419], %max3A_409 {add = true} : memref<16384xf32, #tpu.memory_space<vmem>>[vector<16xi32>], vector<16xf32>,
        tpu.vector_store_idx %arg9[%add3A_441], %broadcast_in_dim3A_5 {add = true} : memref<16384xf32, #tpu.memory_space<vmem>>[vector<16xi32>], vector<16xf32>,
        tpu.vector_store_idx %arg10[%add3A_441], %max3A_431 {add = true} : memref<16384xf32, #tpu.memory_space<vmem>>[vector<16xi32>], vector<16xf32>,
        tpu.vector_store_idx %arg9[%add3A_463], %broadcast_in_dim3A_5 {add = true} : memref<16384xf32, #tpu.memory_space<vmem>>[vector<16xi32>], vector<16xf32>,
        tpu.vector_store_idx %arg10[%add3A_463], %max3A_453 {add = true} : memref<16384xf32, #tpu.memory_space<vmem>>[vector<16xi32>], vector<16xf32>,
        tpu.vector_store_idx %arg9[%add3A_485], %broadcast_in_dim3A_5 {add = true} : memref<16384xf32, #tpu.memory_space<vmem>>[vector<16xi32>], vector<16xf32>,
        tpu.vector_store_idx %arg10[%add3A_485], %max3A_475 {add = true} : memref<16384xf32, #tpu.memory_space<vmem>>[vector<16xi32>], vector<16xf32>,
        tpu.vector_store_idx %arg9[%add3A_507], %broadcast_in_dim3A_5 {add = true} : memref<16384xf32, #tpu.memory_space<vmem>>[vector<16xi32>], vector<16xf32>,
        tpu.vector_store_idx %arg10[%add3A_507], %max3A_497 {add = true} : memref<16384xf32, #tpu.memory_space<vmem>>[vector<16xi32>], vector<16xf32>,
        tpu.vector_store_idx %arg9[%add3A_529], %broadcast_in_dim3A_5 {add = true} : memref<16384xf32, #tpu.memory_space<vmem>>[vector<16xi32>], vector<16xf32>,
        tpu.vector_store_idx %arg10[%add3A_529], %max3A_519 {add = true} : memref<16384xf32, #tpu.memory_space<vmem>>[vector<16xi32>], vector<16xf32>,
        tpu.vector_store_idx %arg9[%add3A_551], %broadcast_in_dim3A_5 {add = true} : memref<16384xf32, #tpu.memory_space<vmem>>[vector<16xi32>], vector<16xf32>,
        tpu.vector_store_idx %arg10[%add3A_551], %max3A_541 {add = true} : memref<16384xf32, #tpu.memory_space<vmem>>[vector<16xi32>], vector<16xf32>,
        tpu.vector_store_idx %arg9[%add3A_573], %broadcast_in_dim3A_5 {add = true} : memref<16384xf32, #tpu.memory_space<vmem>>[vector<16xi32>], vector<16xf32>,
        tpu.vector_store_idx %arg10[%add3A_573], %max3A_563 {add = true} : memref<16384xf32, #tpu.memory_space<vmem>>[vector<16xi32>], vector<16xf32>,
        tpu.vector_store_idx %arg9[%add3A_595], %broadcast_in_dim3A_5 {add = true} : memref<16384xf32, #tpu.memory_space<vmem>>[vector<16xi32>], vector<16xf32>,
        tpu.vector_store_idx %arg10[%add3A_595], %max3A_585 {add = true} : memref<16384xf32, #tpu.memory_space<vmem>>[vector<16xi32>], vector<16xf32>,
        tpu.vector_store_idx %arg9[%add3A_617], %broadcast_in_dim3A_5 {add = true} : memref<16384xf32, #tpu.memory_space<vmem>>[vector<16xi32>], vector<16xf32>,
        tpu.vector_store_idx %arg10[%add3A_617], %max3A_607 {add = true} : memref<16384xf32, #tpu.memory_space<vmem>>[vector<16xi32>], vector<16xf32>,
        tpu.vector_store_idx %arg9[%add3A_639], %broadcast_in_dim3A_5 {add = true} : memref<16384xf32, #tpu.memory_space<vmem>>[vector<16xi32>], vector<16xf32>,
        tpu.vector_store_idx %arg10[%add3A_639], %max3A_629 {add = true} : memref<16384xf32, #tpu.memory_space<vmem>>[vector<16xi32>], vector<16xf32>,
        tpu.vector_store_idx %arg9[%add3A_661], %broadcast_in_dim3A_5 {add = true} : memref<16384xf32, #tpu.memory_space<vmem>>[vector<16xi32>], vector<16xf32>,
        tpu.vector_store_idx %arg10[%add3A_661], %max3A_651 {add = true} : memref<16384xf32, #tpu.memory_space<vmem>>[vector<16xi32>], vector<16xf32>,
        tpu.vector_store_idx %arg9[%add3A_683], %broadcast_in_dim3A_5 {add = true} : memref<16384xf32, #tpu.memory_space<vmem>>[vector<16xi32>], vector<16xf32>,
        tpu.vector_store_idx %arg10[%add3A_683], %max3A_673 {add = true} : memref<16384xf32, #tpu.memory_space<vmem>>[vector<16xi32>], vector<16xf32>,
        tpu.vector_store_idx %arg9[%add3A_705], %broadcast_in_dim3A_5 {add = true} : memref<16384xf32, #tpu.memory_space<vmem>>[vector<16xi32>], vector<16xf32>,
        tpu.vector_store_idx %arg10[%add3A_705], %max3A_695 {add = true} : memref<16384xf32, #tpu.memory_space<vmem>>[vector<16xi32>], vector<16xf32>,
        tpu.vector_store_idx %arg9[%add3A_727], %broadcast_in_dim3A_5 {add = true} : memref<16384xf32, #tpu.memory_space<vmem>>[vector<16xi32>], vector<16xf32>,
        tpu.vector_store_idx %arg10[%add3A_727], %max3A_717 {add = true} : memref<16384xf32, #tpu.memory_space<vmem>>[vector<16xi32>], vector<16xf32>,
        tpu.vector_store_idx %arg9[%add3A_749], %broadcast_in_dim3A_5 {add = true} : memref<16384xf32, #tpu.memory_space<vmem>>[vector<16xi32>], vector<16xf32>,
        tpu.vector_store_idx %arg10[%add3A_749], %max3A_739 {add = true} : memref<16384xf32, #tpu.memory_space<vmem>>[vector<16xi32>], vector<16xf32>,
        tpu.vector_store_idx %arg9[%add3A_771], %broadcast_in_dim3A_5 {add = true} : memref<16384xf32, #tpu.memory_space<vmem>>[vector<16xi32>], vector<16xf32>,
        tpu.vector_store_idx %arg10[%add3A_771], %max3A_761 {add = true} : memref<16384xf32, #tpu.memory_space<vmem>>[vector<16xi32>], vector<16xf32>,
        tpu.vector_store_idx %arg9[%add3A_793], %broadcast_in_dim3A_5 {add = true} : memref<16384xf32, #tpu.memory_space<vmem>>[vector<16xi32>], vector<16xf32>,
        tpu.vector_store_idx %arg10[%add3A_793], %max3A_783 {add = true} : memref<16384xf32, #tpu.memory_space<vmem>>[vector<16xi32>], vector<16xf32>,
        tpu.vector_store_idx %arg9[%add3A_815], %broadcast_in_dim3A_5 {add = true} : memref<16384xf32, #tpu.memory_space<vmem>>[vector<16xi32>], vector<16xf32>,
        tpu.vector_store_idx %arg10[%add3A_815], %max3A_805 {add = true} : memref<16384xf32, #tpu.memory_space<vmem>>[vector<16xi32>], vector<16xf32>,
        tpu.vector_store_idx %arg9[%add3A_837], %broadcast_in_dim3A_5 {add = true} : memref<16384xf32, #tpu.memory_space<vmem>>[vector<16xi32>], vector<16xf32>,
        tpu.vector_store_idx %arg10[%add3A_837], %max3A_827 {add = true} : memref<16384xf32, #tpu.memory_space<vmem>>[vector<16xi32>], vector<16xf32>,
        tpu.vector_store_idx %arg9[%add3A_859], %broadcast_in_dim3A_5 {add = true} : memref<16384xf32, #tpu.memory_space<vmem>>[vector<16xi32>], vector<16xf32>,
        tpu.vector_store_idx %arg10[%add3A_859], %max3A_849 {add = true} : memref<16384xf32, #tpu.memory_space<vmem>>[vector<16xi32>], vector<16xf32>,
        tpu.vector_store_idx %arg9[%add3A_881], %broadcast_in_dim3A_5 {add = true} : memref<16384xf32, #tpu.memory_space<vmem>>[vector<16xi32>], vector<16xf32>,
        tpu.vector_store_idx %arg10[%add3A_881], %max3A_871 {add = true} : memref<16384xf32, #tpu.memory_space<vmem>>[vector<16xi32>], vector<16xf32>,
        tpu.vector_store_idx %arg9[%add3A_903], %broadcast_in_dim3A_5 {add = true} : memref<16384xf32, #tpu.memory_space<vmem>>[vector<16xi32>], vector<16xf32>,
        tpu.vector_store_idx %arg10[%add3A_903], %max3A_893 {add = true} : memref<16384xf32, #tpu.memory_space<vmem>>[vector<16xi32>], vector<16xf32>,
        tpu.vector_store_idx %arg9[%add3A_925], %broadcast_in_dim3A_5 {add = true} : memref<16384xf32, #tpu.memory_space<vmem>>[vector<16xi32>], vector<16xf32>,
        tpu.vector_store_idx %arg10[%add3A_925], %max3A_915 {add = true} : memref<16384xf32, #tpu.memory_space<vmem>>[vector<16xi32>], vector<16xf32>,
        tpu.vector_store_idx %arg9[%add3A_947], %broadcast_in_dim3A_5 {add = true} : memref<16384xf32, #tpu.memory_space<vmem>>[vector<16xi32>], vector<16xf32>,
        tpu.vector_store_idx %arg10[%add3A_947], %max3A_937 {add = true} : memref<16384xf32, #tpu.memory_space<vmem>>[vector<16xi32>], vector<16xf32>,
        tpu.vector_store_idx %arg9[%add3A_969], %broadcast_in_dim3A_5 {add = true} : memref<16384xf32, #tpu.memory_space<vmem>>[vector<16xi32>], vector<16xf32>,
        tpu.vector_store_idx %arg10[%add3A_969], %max3A_959 {add = true} : memref<16384xf32, #tpu.memory_space<vmem>>[vector<16xi32>], vector<16xf32>,
        tpu.vector_store_idx %arg9[%add3A_991], %broadcast_in_dim3A_5 {add = true} : memref<16384xf32, #tpu.memory_space<vmem>>[vector<16xi32>], vector<16xf32>,
        tpu.vector_store_idx %arg10[%add3A_991], %max3A_981 {add = true} : memref<16384xf32, #tpu.memory_space<vmem>>[vector<16xi32>], vector<16xf32>,
      }
      %scan3A_101 = arith.constant 16 : i32
    }
    %scan3A_31 = arith.constant 8 : i32
    %scan3A_32 = arith.constant 0 : i32
    %scan3A_33 = arith.constant 0 : i32
    %scan3A_34 = arith.constant 64 : i32
    %scan3A_35 = arith.addi %scan3A_33, %scan3A_34 : i32
    %scan3A_36 = arith.constant 1 : i32
    scf.for %scan3A_48 = %scan3A_33 to %scan3A_35 step %scan3A_36  : i32 {
      %mul3A_49 = arith.constant 16 : i32
      %mul3A_50 = arith.muli %scan3A_48, %mul3A_49 : i32
      %add3A_51 = arith.constant 0 : i32
      %add3A_52 = arith.addi %add3A_51, %mul3A_50 : i32
      %get3A = arith.index_cast %add3A_52 : i32 to index
      %get3A_53 = tpu.vector_load %arg9[%get3A] {strides = array<i32>} : memref<16384xf32, #tpu.memory_space<vmem>>, vector<16xf32>,
      %add3A_54 = arith.addf %broadcast_in_dim3A_3, %get3A_53 : vector<16xf32>
      %get3A_55 = arith.index_cast %add3A_52 : i32 to index
      %get3A_56 = tpu.vector_load %arg10[%get3A_55] {strides = array<i32>} : memref<16384xf32, #tpu.memory_space<vmem>>, vector<16xf32>,
      %add3A_57 = arith.addf %broadcast_in_dim3A_3, %get3A_56 : vector<16xf32>
      %add3A_58 = arith.constant 1024 : i32
      %add3A_59 = arith.addi %add3A_58, %mul3A_50 : i32
      %get3A_60 = arith.index_cast %add3A_59 : i32 to index
      %get3A_61 = tpu.vector_load %arg9[%get3A_60] {strides = array<i32>} : memref<16384xf32, #tpu.memory_space<vmem>>, vector<16xf32>,
      %add3A_62 = arith.addf %add3A_54, %get3A_61 : vector<16xf32>
      %get3A_63 = arith.index_cast %add3A_59 : i32 to index
      %get3A_64 = tpu.vector_load %arg10[%get3A_63] {strides = array<i32>} : memref<16384xf32, #tpu.memory_space<vmem>>, vector<16xf32>,
      %add3A_65 = arith.addf %add3A_57, %get3A_64 : vector<16xf32>
      %add3A_66 = arith.constant 2048 : i32
      %add3A_67 = arith.addi %add3A_66, %mul3A_50 : i32
      %get3A_68 = arith.index_cast %add3A_67 : i32 to index
      %get3A_69 = tpu.vector_load %arg9[%get3A_68] {strides = array<i32>} : memref<16384xf32, #tpu.memory_space<vmem>>, vector<16xf32>,
      %add3A_70 = arith.addf %add3A_62, %get3A_69 : vector<16xf32>
      %get3A_71 = arith.index_cast %add3A_67 : i32 to index
      %get3A_72 = tpu.vector_load %arg10[%get3A_71] {strides = array<i32>} : memref<16384xf32, #tpu.memory_space<vmem>>, vector<16xf32>,
      %add3A_73 = arith.addf %add3A_65, %get3A_72 : vector<16xf32>
      %add3A_74 = arith.constant 3072 : i32
      %add3A_75 = arith.addi %add3A_74, %mul3A_50 : i32
      %get3A_76 = arith.index_cast %add3A_75 : i32 to index
      %get3A_77 = tpu.vector_load %arg9[%get3A_76] {strides = array<i32>} : memref<16384xf32, #tpu.memory_space<vmem>>, vector<16xf32>,
      %add3A_78 = arith.addf %add3A_70, %get3A_77 : vector<16xf32>
      %get3A_79 = arith.index_cast %add3A_75 : i32 to index
      %get3A_80 = tpu.vector_load %arg10[%get3A_79] {strides = array<i32>} : memref<16384xf32, #tpu.memory_space<vmem>>, vector<16xf32>,
      %add3A_81 = arith.addf %add3A_73, %get3A_80 : vector<16xf32>
      %add3A_82 = arith.constant 4096 : i32
      %add3A_83 = arith.addi %add3A_82, %mul3A_50 : i32
      %get3A_84 = arith.index_cast %add3A_83 : i32 to index
      %get3A_85 = tpu.vector_load %arg9[%get3A_84] {strides = array<i32>} : memref<16384xf32, #tpu.memory_space<vmem>>, vector<16xf32>,
      %add3A_86 = arith.addf %add3A_78, %get3A_85 : vector<16xf32>
      %get3A_87 = arith.index_cast %add3A_83 : i32 to index
      %get3A_88 = tpu.vector_load %arg10[%get3A_87] {strides = array<i32>} : memref<16384xf32, #tpu.memory_space<vmem>>, vector<16xf32>,
      %add3A_89 = arith.addf %add3A_81, %get3A_88 : vector<16xf32>
      %add3A_90 = arith.constant 5120 : i32
      %add3A_91 = arith.addi %add3A_90, %mul3A_50 : i32
      %get3A_92 = arith.index_cast %add3A_91 : i32 to index
      %get3A_93 = tpu.vector_load %arg9[%get3A_92] {strides = array<i32>} : memref<16384xf32, #tpu.memory_space<vmem>>, vector<16xf32>,
      %add3A_94 = arith.addf %add3A_86, %get3A_93 : vector<16xf32>
      %get3A_95 = arith.index_cast %add3A_91 : i32 to index
      %get3A_96 = tpu.vector_load %arg10[%get3A_95] {strides = array<i32>} : memref<16384xf32, #tpu.memory_space<vmem>>, vector<16xf32>,
      %add3A_97 = arith.addf %add3A_89, %get3A_96 : vector<16xf32>
      %add3A_98 = arith.constant 6144 : i32
      %add3A_99 = arith.addi %add3A_98, %mul3A_50 : i32
      %get3A_100 = arith.index_cast %add3A_99 : i32 to index
      %get3A_101 = tpu.vector_load %arg9[%get3A_100] {strides = array<i32>} : memref<16384xf32, #tpu.memory_space<vmem>>, vector<16xf32>,
      %add3A_102 = arith.addf %add3A_94, %get3A_101 : vector<16xf32>
      %get3A_103 = arith.index_cast %add3A_99 : i32 to index
      %get3A_104 = tpu.vector_load %arg10[%get3A_103] {strides = array<i32>} : memref<16384xf32, #tpu.memory_space<vmem>>, vector<16xf32>,
      %add3A_105 = arith.addf %add3A_97, %get3A_104 : vector<16xf32>
      %add3A_106 = arith.constant 7168 : i32
      %add3A_107 = arith.addi %add3A_106, %mul3A_50 : i32
      %get3A_108 = arith.index_cast %add3A_107 : i32 to index
      %get3A_109 = tpu.vector_load %arg9[%get3A_108] {strides = array<i32>} : memref<16384xf32, #tpu.memory_space<vmem>>, vector<16xf32>,
      %add3A_110 = arith.addf %add3A_102, %get3A_109 : vector<16xf32>
      %get3A_111 = arith.index_cast %add3A_107 : i32 to index
      %get3A_112 = tpu.vector_load %arg10[%get3A_111] {strides = array<i32>} : memref<16384xf32, #tpu.memory_space<vmem>>, vector<16xf32>,
      %add3A_113 = arith.addf %add3A_105, %get3A_112 : vector<16xf32>
      %add3A_114 = arith.constant 8192 : i32
      %add3A_115 = arith.addi %add3A_114, %mul3A_50 : i32
      %get3A_116 = arith.index_cast %add3A_115 : i32 to index
      %get3A_117 = tpu.vector_load %arg9[%get3A_116] {strides = array<i32>} : memref<16384xf32, #tpu.memory_space<vmem>>, vector<16xf32>,
      %add3A_118 = arith.addf %add3A_110, %get3A_117 : vector<16xf32>
      %get3A_119 = arith.index_cast %add3A_115 : i32 to index
      %get3A_120 = tpu.vector_load %arg10[%get3A_119] {strides = array<i32>} : memref<16384xf32, #tpu.memory_space<vmem>>, vector<16xf32>,
      %add3A_121 = arith.addf %add3A_113, %get3A_120 : vector<16xf32>
      %add3A_122 = arith.constant 9216 : i32
      %add3A_123 = arith.addi %add3A_122, %mul3A_50 : i32
      %get3A_124 = arith.index_cast %add3A_123 : i32 to index
      %get3A_125 = tpu.vector_load %arg9[%get3A_124] {strides = array<i32>} : memref<16384xf32, #tpu.memory_space<vmem>>, vector<16xf32>,
      %add3A_126 = arith.addf %add3A_118, %get3A_125 : vector<16xf32>
      %get3A_127 = arith.index_cast %add3A_123 : i32 to index
      %get3A_128 = tpu.vector_load %arg10[%get3A_127] {strides = array<i32>} : memref<16384xf32, #tpu.memory_space<vmem>>, vector<16xf32>,
      %add3A_129 = arith.addf %add3A_121, %get3A_128 : vector<16xf32>
      %add3A_130 = arith.constant 10240 : i32
      %add3A_131 = arith.addi %add3A_130, %mul3A_50 : i32
      %get3A_132 = arith.index_cast %add3A_131 : i32 to index
      %get3A_133 = tpu.vector_load %arg9[%get3A_132] {strides = array<i32>} : memref<16384xf32, #tpu.memory_space<vmem>>, vector<16xf32>,
      %add3A_134 = arith.addf %add3A_126, %get3A_133 : vector<16xf32>
      %get3A_135 = arith.index_cast %add3A_131 : i32 to index
      %get3A_136 = tpu.vector_load %arg10[%get3A_135] {strides = array<i32>} : memref<16384xf32, #tpu.memory_space<vmem>>, vector<16xf32>,
      %add3A_137 = arith.addf %add3A_129, %get3A_136 : vector<16xf32>
      %add3A_138 = arith.constant 11264 : i32
      %add3A_139 = arith.addi %add3A_138, %mul3A_50 : i32
      %get3A_140 = arith.index_cast %add3A_139 : i32 to index
      %get3A_141 = tpu.vector_load %arg9[%get3A_140] {strides = array<i32>} : memref<16384xf32, #tpu.memory_space<vmem>>, vector<16xf32>,
      %add3A_142 = arith.addf %add3A_134, %get3A_141 : vector<16xf32>
      %get3A_143 = arith.index_cast %add3A_139 : i32 to index
      %get3A_144 = tpu.vector_load %arg10[%get3A_143] {strides = array<i32>} : memref<16384xf32, #tpu.memory_space<vmem>>, vector<16xf32>,
      %add3A_145 = arith.addf %add3A_137, %get3A_144 : vector<16xf32>
      %add3A_146 = arith.constant 12288 : i32
      %add3A_147 = arith.addi %add3A_146, %mul3A_50 : i32
      %get3A_148 = arith.index_cast %add3A_147 : i32 to index
      %get3A_149 = tpu.vector_load %arg9[%get3A_148] {strides = array<i32>} : memref<16384xf32, #tpu.memory_space<vmem>>, vector<16xf32>,
      %add3A_150 = arith.addf %add3A_142, %get3A_149 : vector<16xf32>
      %get3A_151 = arith.index_cast %add3A_147 : i32 to index
      %get3A_152 = tpu.vector_load %arg10[%get3A_151] {strides = array<i32>} : memref<16384xf32, #tpu.memory_space<vmem>>, vector<16xf32>,
      %add3A_153 = arith.addf %add3A_145, %get3A_152 : vector<16xf32>
      %add3A_154 = arith.constant 13312 : i32
      %add3A_155 = arith.addi %add3A_154, %mul3A_50 : i32
      %get3A_156 = arith.index_cast %add3A_155 : i32 to index
      %get3A_157 = tpu.vector_load %arg9[%get3A_156] {strides = array<i32>} : memref<16384xf32, #tpu.memory_space<vmem>>, vector<16xf32>,
      %add3A_158 = arith.addf %add3A_150, %get3A_157 : vector<16xf32>
      %get3A_159 = arith.index_cast %add3A_155 : i32 to index
      %get3A_160 = tpu.vector_load %arg10[%get3A_159] {strides = array<i32>} : memref<16384xf32, #tpu.memory_space<vmem>>, vector<16xf32>,
      %add3A_161 = arith.addf %add3A_153, %get3A_160 : vector<16xf32>
      %add3A_162 = arith.constant 14336 : i32
      %add3A_163 = arith.addi %add3A_162, %mul3A_50 : i32
      %get3A_164 = arith.index_cast %add3A_163 : i32 to index
      %get3A_165 = tpu.vector_load %arg9[%get3A_164] {strides = array<i32>} : memref<16384xf32, #tpu.memory_space<vmem>>, vector<16xf32>,
      %add3A_166 = arith.addf %add3A_158, %get3A_165 : vector<16xf32>
      %get3A_167 = arith.index_cast %add3A_163 : i32 to index
      %get3A_168 = tpu.vector_load %arg10[%get3A_167] {strides = array<i32>} : memref<16384xf32, #tpu.memory_space<vmem>>, vector<16xf32>,
      %add3A_169 = arith.addf %add3A_161, %get3A_168 : vector<16xf32>
      %add3A_170 = arith.constant 15360 : i32
      %add3A_171 = arith.addi %add3A_170, %mul3A_50 : i32
      %get3A_172 = arith.index_cast %add3A_171 : i32 to index
      %get3A_173 = tpu.vector_load %arg9[%get3A_172] {strides = array<i32>} : memref<16384xf32, #tpu.memory_space<vmem>>, vector<16xf32>,
      %add3A_174 = arith.addf %add3A_166, %get3A_173 : vector<16xf32>
      %get3A_175 = arith.index_cast %add3A_171 : i32 to index
      %get3A_176 = tpu.vector_load %arg10[%get3A_175] {strides = array<i32>} : memref<16384xf32, #tpu.memory_space<vmem>>, vector<16xf32>,
      %add3A_177 = arith.addf %add3A_169, %get3A_176 : vector<16xf32>
      %swap3A = arith.index_cast %mul3A_50 : i32 to index
      %swap3A_178 = tpu.vector_load %arg11[%swap3A] {strides = array<i32>} : memref<1024xf32, #tpu.memory_space<vmem>>, vector<16xf32>,
      tpu.vector_store %arg11[%swap3A], %add3A_174 {strides = array<i32>} : memref<1024xf32, #tpu.memory_space<vmem>>, vector<16xf32>,
      %swap3A_179 = arith.index_cast %mul3A_50 : i32 to index
      %swap3A_180 = tpu.vector_load %arg12[%swap3A_179] {strides = array<i32>} : memref<1024xf32, #tpu.memory_space<vmem>>, vector<16xf32>,
      tpu.vector_store %arg12[%swap3A_179], %add3A_177 {strides = array<i32>} : memref<1024xf32, #tpu.memory_space<vmem>>, vector<16xf32>,
    }
    %scan3A_37 = arith.constant 64 : i32
    %scan3A_38 = arith.constant 0 : i32
    %scan3A_39 = arith.constant 0 : i32
    %scan3A_40 = arith.constant 32 : i32
    %scan3A_41 = arith.addi %scan3A_39, %scan3A_40 : i32
    %scan3A_42 = arith.constant 1 : i32
    scf.for %scan3A_48 = %scan3A_39 to %scan3A_41 step %scan3A_42  : i32 {
      %mul3A_49 = arith.constant 16 : i32
      %mul3A_50 = arith.muli %scan3A_48, %mul3A_49 : i32
      %add3A_51 = vector.broadcast %mul3A_50 : i32 to vector<16xi32>
      %add3A_52 = arith.addi %add3A_51, %iota3A : vector<16xi32>
      %mul3A_53 = arith.constant 2 : i32
      %mul3A_54 = vector.broadcast %mul3A_53 : i32 to vector<16xi32>
      %mul3A_55 = arith.muli %add3A_52, %mul3A_54 : vector<16xi32>
      %gather3A = tpu.vector_load_idx %arg11[%mul3A_55] : memref<1024xf32, #tpu.memory_space<vmem>>[vector<16xi32>], vector<16xf32>,
      %add3A_56 = arith.constant 1 : i32
      %add3A_57 = vector.broadcast %add3A_56 : i32 to vector<16xi32>
      %add3A_58 = arith.addi %mul3A_55, %add3A_57 : vector<16xi32>
      %gather3A_59 = tpu.vector_load_idx %arg11[%add3A_58] : memref<1024xf32, #tpu.memory_space<vmem>>[vector<16xi32>], vector<16xf32>,
      %gather3A_60 = tpu.vector_load_idx %arg12[%mul3A_55] : memref<1024xf32, #tpu.memory_space<vmem>>[vector<16xi32>], vector<16xf32>,
      %add3A_61 = arith.constant 1 : i32
      %add3A_62 = vector.broadcast %add3A_61 : i32 to vector<16xi32>
      %add3A_63 = arith.addi %mul3A_55, %add3A_62 : vector<16xi32>
      %gather3A_64 = tpu.vector_load_idx %arg12[%add3A_63] : memref<1024xf32, #tpu.memory_space<vmem>>[vector<16xi32>], vector<16xf32>,
      %swap3A = arith.index_cast %mul3A_50 : i32 to index
      %swap3A_65 = tpu.vector_load %arg13[%swap3A] {strides = array<i32>} : memref<2048xf32, #tpu.memory_space<vmem>>, vector<16xf32>,
      tpu.vector_store %arg13[%swap3A], %gather3A_59 {strides = array<i32>} : memref<2048xf32, #tpu.memory_space<vmem>>, vector<16xf32>,
      %add3A_66 = arith.constant 512 : i32
      %add3A_67 = arith.addi %add3A_66, %mul3A_50 : i32
      %swap3A_68 = arith.index_cast %add3A_67 : i32 to index
      %swap3A_69 = tpu.vector_load %arg13[%swap3A_68] {strides = array<i32>} : memref<2048xf32, #tpu.memory_space<vmem>>, vector<16xf32>,
      tpu.vector_store %arg13[%swap3A_68], %gather3A {strides = array<i32>} : memref<2048xf32, #tpu.memory_space<vmem>>, vector<16xf32>,
      %add3A_70 = arith.constant 1024 : i32
      %add3A_71 = arith.addi %add3A_70, %mul3A_50 : i32
      %swap3A_72 = arith.index_cast %add3A_71 : i32 to index
      %swap3A_73 = tpu.vector_load %arg13[%swap3A_72] {strides = array<i32>} : memref<2048xf32, #tpu.memory_space<vmem>>, vector<16xf32>,
      tpu.vector_store %arg13[%swap3A_72], %gather3A_64 {strides = array<i32>} : memref<2048xf32, #tpu.memory_space<vmem>>, vector<16xf32>,
      %add3A_74 = arith.constant 1536 : i32
      %add3A_75 = arith.addi %add3A_74, %mul3A_50 : i32
      %swap3A_76 = arith.index_cast %add3A_75 : i32 to index
      %swap3A_77 = tpu.vector_load %arg13[%swap3A_76] {strides = array<i32>} : memref<2048xf32, #tpu.memory_space<vmem>>, vector<16xf32>,
      tpu.vector_store %arg13[%swap3A_76], %gather3A_60 {strides = array<i32>} : memref<2048xf32, #tpu.memory_space<vmem>>, vector<16xf32>,
    }
    %scan3A_43 = arith.constant 32 : i32
    %mul3A_44 = arith.constant 4 : i32
    %mul3A_45 = arith.muli %add3A, %mul3A_44 : i32
    %mul3A_46 = arith.constant 512 : i32
    %mul3A_47 = arith.muli %mul3A_45, %mul3A_46 : i32
    "tpu.region"() ({
      %run_scoped3A = tpu.sem_alloc : memref<!tpu.dma_semaphore, #tpu.memory_space<semaphore_mem>>
      %dma_start3A_48 = tpu.memref_slice %arg4[%mul3A_47] : memref<65536xf32, #tpu.memory_space<hbm>> -> memref<2048xf32, #tpu.memory_space<hbm>>
      %dma_start3A_49 = tpu.memref_slice %arg4[%mul3A_47] : memref<65536xf32, #tpu.memory_space<hbm>> -> memref<2048xf32, #tpu.memory_space<hbm>>
      tpu.enqueue_dma source(%arg13 : memref<2048xf32, #tpu.memory_space<vmem>>) target(%dma_start3A_49 : memref<2048xf32, #tpu.memory_space<hbm>>) target_semaphore(%run_scoped3A : memref<!tpu.dma_semaphore, #tpu.memory_space<semaphore_mem>>)
      %dma_wait3A = tpu.memref_slice %arg4[%mul3A_47] : memref<65536xf32, #tpu.memory_space<hbm>> -> memref<2048xf32, #tpu.memory_space<hbm>>
      %dma_wait3A_50 = tpu.memref_slice %arg4[%mul3A_47] : memref<65536xf32, #tpu.memory_space<hbm>> -> memref<2048xf32, #tpu.memory_space<hbm>>
      tpu.wait_dma2 semaphore(%run_scoped3A : memref<!tpu.dma_semaphore, #tpu.memory_space<semaphore_mem>>) src(%arg13 : memref<2048xf32, #tpu.memory_space<vmem>>) dst(%dma_wait3A_50 : memref<2048xf32, #tpu.memory_space<hbm>>)
      tpu.yield
    }) : () -> ()
    return
  }
}

module attributes {stable_mosaic.version = 14 : i64} {
  func.func @_tc_finish_body(%arg0: memref<32x2048xf32, #tpu.memory_space<vmem>>, %arg1: memref<1x1xf32, #tpu.memory_space<vmem>>) attributes {dimension_semantics = [], scalar_prefetch = 0 : i64, scratch_operands = 0 : i64, tpu.core_type = #tpu.core_type<tc>} {
    %get3A = arith.constant 0 : index
    %get3A_0 = arith.constant 0 : index
    %get3A_1 = vector.load %arg0[%get3A, %get3A_0] : memref<32x2048xf32, #tpu.memory_space<vmem>>, vector<32x2048xf32>
    %slice3A = vector.extract_strided_slice %get3A_1 {offsets = [0, 0], sizes = [32, 512], strides = [1, 1]} : vector<32x2048xf32> to vector<32x512xf32>
    %reduce_sum3A = arith.constant dense<0.000000e+00> : vector<512xf32>
    %reduce_sum3A_2 = vector.multi_reduction <add>, %slice3A, %reduce_sum3A [0] : vector<32x512xf32> to vector<512xf32>
    %broadcast_in_dim3A = vector.shape_cast %reduce_sum3A_2 : vector<512xf32> to vector<1x512xf32>
    %slice3A_3 = vector.extract_strided_slice %get3A_1 {offsets = [0, 512], sizes = [32, 512], strides = [1, 1]} : vector<32x2048xf32> to vector<32x512xf32>
    %reduce_sum3A_4 = arith.constant dense<0.000000e+00> : vector<512xf32>
    %reduce_sum3A_5 = vector.multi_reduction <add>, %slice3A_3, %reduce_sum3A_4 [0] : vector<32x512xf32> to vector<512xf32>
    %broadcast_in_dim3A_6 = vector.shape_cast %reduce_sum3A_5 : vector<512xf32> to vector<1x512xf32>
    %slice3A_7 = vector.extract_strided_slice %get3A_1 {offsets = [0, 1024], sizes = [32, 512], strides = [1, 1]} : vector<32x2048xf32> to vector<32x512xf32>
    %reduce_sum3A_8 = arith.constant dense<0.000000e+00> : vector<512xf32>
    %reduce_sum3A_9 = vector.multi_reduction <add>, %slice3A_7, %reduce_sum3A_8 [0] : vector<32x512xf32> to vector<512xf32>
    %broadcast_in_dim3A_10 = vector.shape_cast %reduce_sum3A_9 : vector<512xf32> to vector<1x512xf32>
    %slice3A_11 = vector.extract_strided_slice %get3A_1 {offsets = [0, 1536], sizes = [32, 512], strides = [1, 1]} : vector<32x2048xf32> to vector<32x512xf32>
    %reduce_sum3A_12 = arith.constant dense<0.000000e+00> : vector<512xf32>
    %reduce_sum3A_13 = vector.multi_reduction <add>, %slice3A_11, %reduce_sum3A_12 [0] : vector<32x512xf32> to vector<512xf32>
    %broadcast_in_dim3A_14 = vector.shape_cast %reduce_sum3A_13 : vector<512xf32> to vector<1x512xf32>
    %reduce_sum3A_15 = vector.shape_cast %broadcast_in_dim3A : vector<1x512xf32> to vector<1x1x512xf32>
    %reduce_sum3A_16 = arith.constant dense<0.000000e+00> : vector<1xf32>
    %reduce_sum3A_17 = vector.multi_reduction <add>, %reduce_sum3A_15, %reduce_sum3A_16 [1, 2] : vector<1x1x512xf32> to vector<1xf32>
    %reduce_sum3A_18 = vector.shape_cast %reduce_sum3A_17 : vector<1xf32> to vector<1x1x1xf32>
    %reduce_sum3A_19 = vector.extract %reduce_sum3A_18[0, 0, 0] : f32 from vector<1x1x1xf32>
    %iota3A = tpu.iota {dimensions = array<i32: 0>} : vector<512x512xi32>
    %iota3A_20 = tpu.iota {dimensions = array<i32: 1>} : vector<512x512xi32>
    %lt3A = arith.cmpi slt, %iota3A, %iota3A_20 : vector<512x512xi32>
    %convert_element_type3A = arith.extui %lt3A : vector<512x512xi1> to vector<512x512xi32>
    %convert_element_type3A_21 = arith.sitofp %convert_element_type3A : vector<512x512xi32> to vector<512x512xf32>
    %concatenate3A = tpu.concatenate %broadcast_in_dim3A_6, %broadcast_in_dim3A in 0 : vector<1x512xf32>, vector<1x512xf32> -> vector<2x512xf32>
    %dot_general3A = arith.constant dense<0.000000e+00> : vector<2x512xf32>
    %dot_general3A_22 = tpu.matmul %concatenate3A, %convert_element_type3A_21, %dot_general3A {dimension_numbers = #tpu.dot_dimension_numbers<[1], [0], [0], [1], [0, 0, 1, 1], [], []>, transpose_lhs_hint = false} : vector<2x512xf32>, vector<512x512xf32>, vector<2x512xf32> -> vector<2x512xf32>
    %slice3A_23 = vector.extract_strided_slice %dot_general3A_22 {offsets = [0, 0], sizes = [1, 512], strides = [1, 1]} : vector<2x512xf32> to vector<1x512xf32>
    %slice3A_24 = vector.extract_strided_slice %dot_general3A_22 {offsets = [1, 0], sizes = [1, 512], strides = [1, 1]} : vector<2x512xf32> to vector<1x512xf32>
    %add3A = vector.broadcast %reduce_sum3A_19 : f32 to vector<1x512xf32>
    %add3A_25 = arith.addf %add3A, %slice3A_23 : vector<1x512xf32>
    %max3A = arith.constant 1.000000e+00 : f32
    %max3A_26 = vector.broadcast %max3A : f32 to vector<1x512xf32>
    %max3A_27 = arith.maximumf %add3A_25, %max3A_26 : vector<1x512xf32>
    %max3A_28 = arith.constant 5.000000e-01 : f32
    %max3A_29 = vector.broadcast %max3A_28 : f32 to vector<1x512xf32>
    %max3A_30 = arith.maximumf %add3A_25, %max3A_29 : vector<1x512xf32>
    %div3A = arith.divf %broadcast_in_dim3A_10, %max3A_30 : vector<1x512xf32>
    %sub3A = vector.broadcast %reduce_sum3A_19 : f32 to vector<1x512xf32>
    %sub3A_31 = arith.subf %sub3A, %slice3A_24 : vector<1x512xf32>
    %sub3A_32 = arith.subf %sub3A_31, %broadcast_in_dim3A : vector<1x512xf32>
    %mul3A = arith.mulf %broadcast_in_dim3A_14, %sub3A_32 : vector<1x512xf32>
    %add3A_33 = arith.addf %max3A_27, %broadcast_in_dim3A_6 : vector<1x512xf32>
    %mul3A_34 = arith.mulf %max3A_27, %add3A_33 : vector<1x512xf32>
    %div3A_35 = arith.divf %mul3A, %mul3A_34 : vector<1x512xf32>
    %add3A_36 = arith.addf %div3A, %div3A_35 : vector<1x512xf32>
    %reduce_sum3A_37 = vector.shape_cast %add3A_36 : vector<1x512xf32> to vector<1x1x512xf32>
    %reduce_sum3A_38 = arith.constant dense<0.000000e+00> : vector<1xf32>
    %reduce_sum3A_39 = vector.multi_reduction <add>, %reduce_sum3A_37, %reduce_sum3A_38 [1, 2] : vector<1x1x512xf32> to vector<1xf32>
    %reduce_sum3A_40 = vector.shape_cast %reduce_sum3A_39 : vector<1xf32> to vector<1x1x1xf32>
    %reduce_sum3A_41 = vector.extract %reduce_sum3A_40[0, 0, 0] : f32 from vector<1x1x1xf32>
    %reshape3A = vector.broadcast %reduce_sum3A_41 : f32 to vector<1x1xf32>
    %swap3A = arith.constant 0 : index
    %swap3A_42 = arith.constant 0 : index
    %swap3A_43 = vector.load %arg1[%swap3A, %swap3A_42] : memref<1x1xf32, #tpu.memory_space<vmem>>, vector<1x1xf32>
    tpu.vector_store %arg1[%swap3A, %swap3A_42], %reshape3A {strides = array<i32>} : memref<1x1xf32, #tpu.memory_space<vmem>>, vector<1x1xf32>,
    return
  }
}

</mosaic_0001>

<sc_bundles>
// kernel: kernel.4.cloned.1.call-start
scs
__scs_entry_jumppad:
0x0: {  	(pc) =	sbr.rel $0x88, $3  }
0x1: {  	(tag) =	ssettag $0x0;
	lr =	simm.s32 $0x1  }
0x2: {  	[smem:$0x3F9F] =	sst lr;
	_ =	strace $0xD0000000  }
0x3: {  	_ = 	snop  }
0x4: {  	_ = 	snop  }
0x5: {  	_ = 	snop  }
0x6: {  	_ = 	snop  }
0x7: {  	_ = 	snop  }
__scs_overlays_trampoline_lowered:
0x8: {  	[smem:$0x3FAE] =	sst s0  }
0x9: {  	[smem:$0x3FAF] =	sst s1  }
0xa: {  	[smem:$0x3FB0] =	sst s2  }
0xb: {  	[smem:$0x3FB1] =	sst s3  }
0xc: {  	[smem:$0x3FB2] =	sst s4  }
0xd: {  	[smem:$0x3FB3] =	sst s5  }
0xe: {  	[smem:$0x3FB4] =	sst s6  }
0xf: {  	[smem:$0x3FB5] =	sst s7  }
0x10: {  	[smem:$0x3FB6] =	sst s8  }
0x11: {  	[smem:$0x3FB7] =	sst s9;
	s0 =	simm.s32 @!p0 $0x0  }
0x12: {  	s1 =	sld [smem:$0x3F9D];
	s0 =	simm.s32 @p0 $0x1  }
0x13: {  	[smem:$0x3FB8] =	sst s0;
	s0 =	simm.s32 @!p1 $0x0  }
0x14: {  	s2 =	sld [smem:$0x3F9C];
	s0 =	simm.s32 @p1 $0x1  }
0x15: {  	[smem:$0x3FB9] =	sst s0;
	s0 =	simm.s32 @!p2 $0x0  }
0x16: {  	s3 =	sld [smem:$0x3FDB];
	s0 =	simm.s32 @p2 $0x1  }
0x17: {  	s4 =	simm.s32 $0x1BF5;
	[smem:$0x3FBB] =	sst s0  }
0x18: {  	s0 =	sld [smem:$0x3F9E];
	_ =	swait.ge [sflag:s4], $0x0  }
0x19: {  	s7 =	sld [smem:$0x3F9F]  }
0x1a: {  	s8 =	sadd.s32 $0xFFFFE003, lr  }
0x1b: {  	s9 =	sadd.s32 $0xFFFFFEF7, lr;
	s5 =	simm.s32 $0xFFFFFFFF;
	p2 =	slt.u32 s8, $0xFFFFF086  }
0x1c: {  	p1 =	slt.u32 s9, $0xF7A;
	s5 =	simm.s32 @!p2 $0x0  }
0x1d: {  	s5 =	simm.s32 @p1 $0x1;
	p0 =	seq.s32 s7, s2  }
0x1e: {  	s7 =	smul.u32 @!p0 $0xF7A, s2;
	p2 =	seq.s32 @!p0 s5, $0x0  }
0x1f: {  	s9 =	smul.u32 $0xF7A, s1;
	s8 =	simm.s32 @!p0 $0x1BF5;
	p2 =	por !p2, p0  }
0x20: {  	[sflag:s8] =	ssyncset.s32 @!p0 $0xFFFFF086;
	s6 =	sadd.s32 @!p0 s3, s7;
	s7 =	simm.s32 @!p0 $0x108  }
0x21: {  	s3 =	sadd.s32 s3, s9;
	s6 =	sadd.s32 @!p0 $0x88, s6;
	s7 =	simm.s32 @p2 $0x1082  }
0x22: {  	[simem:s7], [sflag:s8] =	dma.local @!p0 [hbm:s6], $0xF7A  }
0x23: {  	s9 =	sor.u32 $0xD0000000, s2;
	s6 =	simm.s32 $0x108;
	_ =	swait.ge @!p0 [sflag:s8], $0x0  }
0x24: {  	s3 =	sadd.s32 $0x88, s3;
	s6 =	simm.s32 @!p1 $0x1082;
	[sflag:s4] =	ssyncset.s32 $0xFFFFF086  }
0x25: {  	[simem:s6], [sflag:s4] =	dma.local [hbm:s3], $0xF7A  }
0x26: {  	[smem:$0x3F9F] =	sst s1;
	(tag) =	ssettag s2;
	_ =	strace s9  }
0x27: {  	s1 =	sld [smem:$0x3FAF]  }
0x28: {  	s2 =	sld [smem:$0x3FB0]  }
0x29: {  	s4 =	sld [smem:$0x3FB2]  }
0x2a: {  	p0 =	seq.s32 s5, $0x0;
	s5 =	sld [smem:$0x3FB3]  }
0x2b: {  	s6 =	sld [smem:$0x3FB4]  }
0x2c: {  	s7 =	sld [smem:$0x3FB5]  }
0x2d: {  	s3 =	simm.s32 $0x108;
	s8 =	sld [smem:$0x3FB6]  }
0x2e: {  	s3 =	simm.s32 @!p0 $0x1082;
	s9 =	sld [smem:$0x3FB7]  }
0x2f: {  	lr =	sadd.s32 s0, s3;
	s0 =	sld [smem:$0x3FAE]  }
0x30: {  	s3 =	sld [smem:$0x3FB1]  }
0x31: {  	[smem:$0x3FBA] =	sst s10  }
0x32: {  	s10 =	sld [smem:$0x3FB8];
	_ =	sdelay $0x3  }
0x33: {  	p0 =	seq.s32 s10, $0x1;
	s10 =	sld [smem:$0x3FBA];
	_ =	sdelay $0x3  }
0x34: {  	[smem:$0x3FBA] =	sst s10  }
0x35: {  	s10 =	sld [smem:$0x3FB9];
	_ =	sdelay $0x3  }
0x36: {  	p1 =	seq.s32 s10, $0x1;
	s10 =	sld [smem:$0x3FBA];
	_ =	sdelay $0x3  }
0x37: {  	[smem:$0x3FBA] =	sst s10  }
0x38: {  	s10 =	sld [smem:$0x3FBB]  }
0x39: {  	_ = 	snop;
	(pc) =	sbr.ind lr, $3  }
0x3a: {  	_ = 	snop  }
0x3b: {  	_ = 	snop  }
0x3c: {  	p2 =	seq.s32 s10, $0x1;
	s10 =	sld [smem:$0x3FBA]  }
0x3d: {  	_ =	shalt  }
0x3e: {  	_ =	shalt  }
0x3f: {  	_ =	shalt  }
0x40: {  	_ =	shalt  }
0x41: {  	_ =	shalt  }
0x42: {  	_ =	shalt  }
0x43: {  	_ =	shalt  }
0x44: {  	_ =	shalt  }
0x45: {  	_ =	shalt  }
0x46: {  	_ =	shalt  }
0x47: {  	_ =	shalt  }
0x48: {  	_ =	shalt  }
0x49: {  	_ =	shalt  }
0x4a: {  	_ =	shalt  }
0x4b: {  	_ =	shalt  }
0x4c: {  	_ =	shalt  }
0x4d: {  	_ =	shalt  }
0x4e: {  	_ =	shalt  }
0x4f: {  	_ =	shalt  }
0x50: {  	_ =	shalt  }
0x51: {  	_ =	shalt  }
0x52: {  	_ =	shalt  }
0x53: {  	_ =	shalt  }
0x54: {  	_ =	shalt  }
0x55: {  	_ =	shalt  }
0x56: {  	_ =	shalt  }
0x57: {  	_ =	shalt  }
0x58: {  	_ =	shalt  }
0x59: {  	_ =	shalt  }
0x5a: {  	_ =	shalt  }
0x5b: {  	_ =	shalt  }
0x5c: {  	_ =	shalt  }
0x5d: {  	_ =	shalt  }
0x5e: {  	_ =	shalt  }
0x5f: {  	_ =	shalt  }
0x60: {  	_ =	shalt  }
0x61: {  	_ =	shalt  }
0x62: {  	_ =	shalt  }
0x63: {  	_ =	shalt  }
0x64: {  	_ =	shalt  }
0x65: {  	_ =	shalt  }
0x66: {  	_ =	shalt  }
0x67: {  	_ =	shalt  }
0x68: {  	_ =	shalt  }
0x69: {  	_ =	shalt  }
0x6a: {  	_ =	shalt  }
0x6b: {  	_ =	shalt  }
0x6c: {  	_ =	shalt  }
0x6d: {  	_ =	shalt  }
0x6e: {  	_ =	shalt  }
0x6f: {  	_ =	shalt  }
0x70: {  	_ =	shalt  }
0x71: {  	_ =	shalt  }
0x72: {  	_ =	shalt  }
0x73: {  	_ =	shalt  }
0x74: {  	_ =	shalt  }
0x75: {  	_ =	shalt  }
0x76: {  	_ =	shalt  }
0x77: {  	_ =	shalt  }
0x78: {  	_ =	shalt  }
0x79: {  	_ =	shalt  }
0x7a: {  	_ =	shalt  }
0x7b: {  	_ =	shalt  }
0x7c: {  	_ =	shalt  }
0x7d: {  	_ =	shalt  }
0x7e: {  	_ =	shalt  }
0x7f: {  	_ =	shalt  }
0x80: {  	_ =	shalt  }
0x81: {  	_ =	shalt  }
0x82: {  	_ =	shalt  }
0x83: {  	_ =	shalt  }
0x84: {  	_ =	shalt  }
0x85: {  	_ =	shalt  }
0x86: {  	_ =	shalt  }
0x87: {  	_ =	shalt  }
.Lfunc_end0:
.L_simem_size_0:
called_computation_lowered:
.L_overlay_start_0:
0x88: {  	s2 =	sld [smem:$0x3FD9]  }
0x89: {  	s3 =	sld [smem:$0x3FFE];
	_ =	sdelay $0x1  }
0x8a: {  	s1 =	srdreg.scid  }
0x8b: {  	s0 =	sand.u32 $0x1, s1  }
0x8c: {  	s17 =	sshll.u32 s0, $0xA;
	s2 =	sadd.s32 s3, s2  }
0x8d: {  	s2 =	sadd.s32 s2, s17  }
0x8e: {  	[smem:$0x3FC6] =	sst s2  }
0x8f: {  	_ = 	snop  }
0x90: {  	s2 =	sld [smem:$0x3FC9]  }
0x91: {  	s18 =	sld [smem:$0x3FC8];
	(tm) =	ssettm $0x1  }
0x92: {  	s4 =	sld [smem:$0x3FFB];
	_ =	sdelay $0x3  }
0x93: {  	_ =	strace s4  }
0x94: {  	s4 =	sld [smem:$0x3FFC];
	_ =	sdelay $0x3  }
0x95: {  	_ =	strace s4  }
0x96: {  	s4 =	sld [smem:$0x3FFD];
	_ =	sdelay $0x3  }
0x97: {  	_ =	strace s4  }
0x98: {  	_ =	strace $0x8FFFFFFF  }
0x99: {  	s19 =	sld [smem:$0x3FDB];
	_ =	sdelay $0x1  }
0x9a: {  	s5 =	simm.s32 $_scs_section_size  }
0x9b: {  	s6 =	simm.s32 $_size__tile_overlayer_lowered;
	s7 =	simm.s32 $_tile_overlayer_lowered  }
0x9c: {  	s22 =	simm.s32 $0x1BFF;
	s21 =	sshll.u32 s7, $0x1;
	s4 =	sadd.s32 s5, s19  }
0x9d: {  	s8 =	simm.s32 $0x0;
	s20 =	sshll.u32 s6, $0x1;
	s6 =	sadd.s32 s21, s4  }
0x9e: {  	[timem:s8], [sflag:s22] =	dma.local [hbm:s6], s20  }
0x9f: {  	_ =	swait.ge [sflag:s22], s20  }
0xa0: {  	s5 =	ssub.s32 $0x0, s20;
	[sflag:s22] =	ssyncset.done $0x0  }
0xa1: {  	[sflag:s22] =	ssyncadd.s32 s5;
	_ =	sdelay $0x1  }
0xa2: {  	s23 =	simm.s32 $0x1B8B  }
0xa3: {  	_ =	swait.ge [sflag:s23], $0x1  }
0xa4: {  	[sflag:s23] =	ssyncset.done $0x0  }
0xa5: {  	s25 =	simm.s32 $0x1B8E;
	s24 =	sld [smem:$0x3FFE];
	[sflag:s23] =	ssyncadd.s32 $0xFFFFFFFF  }
0xa6: {  	s26 =	simm.s32 $execute0_lowered;
	[smem:$0x3FD2] =	sst s25  }
0xa7: {  	s6 =	sshll.u32 s26, $0x1;
	_ =	strace $0x80000046;
	[dreg:$0x1] =	wrdreg $0xFFFFFFFF  }
0xa8: {  	s28 =	simm.s32 $_size_execute0_lowered;
	s4 =	sadd.s32 s4, s6;
	[dreg:$0x0] =	wrdreg $0x0  }
0xa9: {  	s6 =	sshll.u32 s28, $0x1;
	[dreg:$0x2] =	wrdreg s4  }
0xaa: {  	[dreg:$0x3] =	wrdreg s6  }
0xab: {  	[dreg:$0x4] =	wrdreg $0xC0  }
0xac: {  	_ =	task [dreg:s8], $0x5FFFF  }
0xad: {  	[dreg:$0x1] =	wrdreg $0xFFFFFFFF  }
0xae: {  	[dreg:$0x0] =	wrdreg $0x60  }
0xaf: {  	[dreg:$0x2] =	wrdreg s2  }
0xb0: {  	[dreg:$0x3] =	wrdreg s18  }
0xb1: {  	[dreg:$0x4] =	wrdreg s24  }
0xb2: {  	[dreg:$0x5] =	wrdreg $0x9  }
0xb3: {  	_ =	task.clear_ibuf [dreg:s8], $0x6FFFF;
	_ =	strace $0x90000046  }
0xb4: {  	s29 =	simm.s32 $0x9;
	_ =	strace $0x80000048  }
0xb5: {  	_ =	swait.ge [sflag:s29], $0x1  }
0xb6: {  	[sflag:s29] =	ssyncadd.s32 $0xFFFFFFFF  }
0xb7: {  	_ =	strace $0x90000048  }
0xb8: {  	_ =	sfence  }
0xb9: {  	s30 =	sld [smem:$0x0];
	_ =	sdelay $0x2  }
0xba: {  	s31 =	sshll.u32 s1, $0xD;
	s1 =	sshrl.u32 s1, $0x2  }
0xbb: {  	s3 =	sand.u32 $0x4000, s31;
	s1 =	sadd.s32 s1, s30  }
0xbc: {  	s0 =	sor.u32 s3, s0;
	s1 =	sshll.u32 s1, $0x11  }
0xbd: {  	s0 =	sor.u32 s1, s0  }
0xbe: {  	s0 =	sadd.s32 $0x8F2B, s0  }
0xbf: {  	[sflag:s0] =	ssyncadd.remote.s32 $0x1  }
0xc0: {  	_ =	sfence.sel $0xFFFF  }
0xc1: {  	[dreg:$0x0] =	wrdreg $0xFFFFFFFF;
	(pc) =	sbr.abs _section_cstart, $3  }
0xc2: {  	[dreg:$0x1] =	wrdreg $0xFFFFFFFF  }
0xc3: {  	_ =	task.clear_ibuf [dreg:s8], $0x2FFFF;
	_ =	strace $0x9FFFFFFF  }
0xc4: {  	(tm) =	ssettm $0x7FFFFFFF  }
0xc5: {  	_ =	shalt  }
tec
execute0_lowered:
.L_overlay_start_1:
0x0: {  	(tag) =	ssettag $0x1  }
0x1: {  	v5 =	vimm.f32 $0.0e+00;
	v0 =	vimm.f32 $1.638300000e+04;
	vm0 =	vcmask $0x300  }
0x2: {  	vm1 =	vcmask $0x704;
	v1 =	vimm.f32 $1.536000000e+04;
	vm2 =	vcmask $0xB08  }
0x3: {  	vm4 =	vcmask $0xF0C;
	v0 =	vsel vm0, $0x447FC000, v0;
	v1 =	vsel vm0, $0x0, v1  }
0x4: {  	s0 =	rddreg [dreg:$0x0];
	vm5 =	vcmask $0x1310;
	v0 =	vsel vm1, $0x44FFE000, v0;
	v1 =	vsel vm1, $0x44800000, v1  }
0x5: {  	s1 =	rddreg [dreg:$0x1];
	vm6 =	vcmask $0x1714;
	v0 =	vsel vm2, $0x453FF000, v0;
	v1 =	vsel vm2, $0x45000000, v1  }
0x6: {  	s6 =	rddreg [dreg:$0x2];
	vm7 =	vcmask $0x1B18;
	v0 =	vsel vm4, $0x457FF000, v0;
	v1 =	vsel vm4, $0x45400000, v1  }
0x7: {  	s2 =	rddreg [dreg:$0x3];
	s5 =	srdreg.scid;
	vm8 =	vcmask $0x1F1C;
	v0 =	vsel vm5, $0x459FF800, v0;
	v1 =	vsel vm5, $0x45800000, v1  }
0x8: {  	s3 =	stileid.u32;
	vm9 =	vcmask $0x2320;
	s10 =	simm.s32 $0x4000;
	s12 =	simm.s32 $0x2000;
	v0 =	vsel vm6, $0x45BFF800, v0;
	v1 =	vsel vm6, $0x45A00000, v1  }
0x9: {  	s4 =	simm.s32 $0x0;
	vm10 =	vcmask $0x2724;
	s13 =	simm.s32 $0x6000;
	s15 =	simm.s32 $0x8000;
	v0 =	vsel vm7, $0x45DFF800, v0;
	v1 =	vsel vm7, $0x45C00000, v1  }
0xa: {  	vm11 =	vcmask $0x2B28;
	s14 =	simm.s32 $0x1;
	s16 =	simm.s32 $0xC000;
	s18 =	simm.s32 $0x10000;
	v0 =	vsel vm8, $0x45FFF800, v0;
	v1 =	vsel vm8, $0x45E00000, v1  }
0xb: {  	vm12 =	vcmask $0x2F2C;
	s17 =	simm.s32 $0x2;
	s19 =	simm.s32 $0x10400;
	s20 =	simm.s32 $0x10800;
	v0 =	vsel vm9, $0x460FFC00, v0;
	v1 =	vsel vm9, $0x46000000, v1  }
0xc: {  	vm13 =	vcmask $0x3330;
	s21 =	simm.s32 $0x3;
	s7 =	sand.u32 $0x1, s5;
	s30 =	sshll.u32 s3, $0x1;
	v0 =	vsel vm10, $0x461FFC00, v0;
	v1 =	vsel vm10, $0x46100000, v1  }
0xd: {  	vm14 =	vcmask $0x3734;
	s22 =	simm.s32 $0x0;
	[smem:$0x7FF] =	sst s4;
	s8 =	sor.u32 s7, s30;
	v0 =	vsel vm11, $0x462FFC00, v0;
	v1 =	vsel vm11, $0x46200000, v1  }
0xe: {  	v4 =	vlaneseq.u32;
	_ =	strace $0x80000047;
	s7 =	ssub.s32 $0x2, s7;
	s5 =	sshll.u32 s8, $0x8;
	v0 =	vsel vm12, $0x463FFC00, v0;
	v2 =	vsel vm12, $0x46300000, v1  }
0xf: {  	v10 =	vmul.u32 $0x2, v4;
	s31 =	sshrl.u32 s7, $0x1;
	s8 =	sshll.u32 s8, $0xE;
	s9 =	sadd.s32 s5, s6;
	v0 =	vsel vm13, $0x464FFC00, v0;
	v2 =	vsel vm13, $0x46400000, v2  }
0x10: {  	vm15 =	vcmask $0x3B38;
	s11 =	ssub.s32 s7, s31;
	s6 =	sadd.s32 s0, s8;
	s7 =	sadd.s32 s1, s8;
	v0 =	vsel vm14, $0x465FFC00, v0;
	v3 =	vsel vm14, $0x46500000, v2  }
0x11: {  	v48 =	vimm.f32 $1.000000000e+00;
	[tilespmem:$0x1FFF0] =	vst v10;
	s8 =	sor.u32 $0x20, s5;
	s9 =	sadd.s32 $0x400, s9;
	s11 =	smax.u32 s11, $0x1;
	v2 =	vsel vm15, $0x466FFC00, v0;
	v3 =	vsel vm15, $0x46600000, v3  }
.LBB2_1:
0x12: {  	[tilespmem:s4], [sflag:$0x1] =	stream.linear.gather [hbm4b:s6+s4], $0x2000, $0x38;
	[tilespmem:$0x11000] =	vst v63  }
0x13: {  	s24 =	simm.s32 $0x0;
	s23 =	simm.s32 $0x200  }
0x14: {  	[tilespmem:s10], [sflag:$0x1] =	stream.linear.gather [hbm4b:s7+s4], $0x2000, $0x38;
	[tilespmem:$0x11000] =	vst v63  }
.LBB2_2:
0x15: {  	p0 =	sne.s32 s23, $0xFE00;
	[tilespmem:s24+$0xC070] =	vst v5  }
0x16: {  	[tilespmem:s24+$0x8000] =	vst v5  }
0x17: {  	[tilespmem:s24+$0xC000] =	vst v5  }
0x18: {  	[tilespmem:s24+$0x8010] =	vst v5  }
0x19: {  	[tilespmem:s24+$0xC010] =	vst v5  }
0x1a: {  	[tilespmem:s24+$0x8020] =	vst v5  }
0x1b: {  	[tilespmem:s24+$0xC020] =	vst v5  }
0x1c: {  	[tilespmem:s24+$0x8030] =	vst v5  }
0x1d: {  	[tilespmem:s24+$0xC030] =	vst v5  }
0x1e: {  	[tilespmem:s24+$0x8040] =	vst v5  }
0x1f: {  	[tilespmem:s24+$0xC040] =	vst v5  }
.Ltmp0:
0x20: {  	[tilespmem:s24+$0x8050] =	vst v5;
	(pc) =	sbr.rel @p0 .LBB2_2-.Ltmp0, $4  }
0x21: {  	[tilespmem:s24+$0xC050] =	vst v5  }
0x22: {  	[tilespmem:s24+$0x8060] =	vst v5  }
0x23: {  	[tilespmem:s24+$0xC060] =	vst v5  }
0x24: {  	[tilespmem:s24+$0x8070] =	vst v5;
	s24 =	sshra.s32 s23, $0x2;
	s23 =	sadd.s32 $0x200, s23  }
0x25: {  	[tilespmem:s24+$0xC070] =	vst v5  }
0x26: {  	[tilespmem:s24+$0x8000] =	vst v5  }
0x27: {  	[tilespmem:s24+$0xC000] =	vst v5  }
0x28: {  	[tilespmem:s24+$0x8010] =	vst v5  }
0x29: {  	[tilespmem:s24+$0xC010] =	vst v5  }
0x2a: {  	[tilespmem:s24+$0x8020] =	vst v5  }
0x2b: {  	[tilespmem:s24+$0xC020] =	vst v5  }
0x2c: {  	[tilespmem:s24+$0x8030] =	vst v5  }
0x2d: {  	[tilespmem:s24+$0xC030] =	vst v5  }
0x2e: {  	[tilespmem:s24+$0x8040] =	vst v5  }
0x2f: {  	[tilespmem:s24+$0xC040] =	vst v5  }
0x30: {  	[tilespmem:s24+$0x8050] =	vst v5  }
0x31: {  	[tilespmem:s24+$0xC050] =	vst v5  }
0x32: {  	[tilespmem:s24+$0x8060] =	vst v5  }
0x33: {  	[tilespmem:s24+$0xC060] =	vst v5  }
0x34: {  	s23 =	simm.s32 $0x0;
	[tilespmem:s24+$0x8070] =	vst v5;
	s24 =	simm.s32 $0x0  }
.LBB2_4:
0x35: {  	s25 =	sshll.u32 s24, $0x5  }
0x36: {  	s26 =	sor.u32 s25, s5  }
0x37: {  	s26 =	sshll.u32 s26, $0x6  }
0x38: {  	s26 =	sor.u32 $0x400, s26  }
0x39: {  	s28 =	sadd.s32 s0, s26  }
0x3a: {  	[tilespmem:s12], [sflag:$0x2] =	stream.linear.gather [hbm4b:s28+s23], $0x2000, $0x38;
	[tilespmem:$0x11000] =	vst v63  }
0x3b: {  	s26 =	sadd.s32 s1, s26  }
0x3c: {  	[tilespmem:s13], [sflag:$0x2] =	stream.linear.gather [hbm4b:s26+s23], $0x2000, $0x38;
	[tilespmem:$0x11000] =	vst v63  }
0x3d: {  	_ =	swait.ge [sflag:s14], $0x2000  }
0x3e: {  	[sflag:s14] =	ssyncset.done $0x0  }
0x3f: {  	[sflag:s14] =	ssyncadd.s32 $0xFFFFE000  }
0x40: {  	_ =	swait.ge [sflag:s14], $0x2000  }
0x41: {  	[sflag:s14] =	ssyncset.done $0x0  }
0x42: {  	s28 =	simm.s32 $0x0;
	s26 =	simm.s32 $0x0;
	[sflag:s14] =	ssyncadd.s32 $0xFFFFE000  }
.LBB2_5:
0x43: {  	s29 =	sand.u32 $0x1000, s28;
	s30 =	sand.u32 $0x380, s26  }
0x44: {  	s29 =	sor.u32 s30, s29  }
0x45: {  	v0 =	vld [tilespmem:s29+$0x4000]  }
0x46: {  	v4 =	vld [tilespmem:s29+$0x0]  }
0x47: {  	v9 =	vld [tilespmem:s29+$0x4010]  }
0x48: {  	v5 =	vld [tilespmem:s29+$0x10]  }
0x49: {  	v10 =	vld [tilespmem:s29+$0x4020]  }
0x4a: {  	v7 =	vld [tilespmem:s29+$0x20]  }
0x4b: {  	v11 =	vld [tilespmem:s29+$0x4030]  }
0x4c: {  	v12 =	vld [tilespmem:s29+$0x30]  }
0x4d: {  	v50 =	vld [tilespmem:s29+$0x4040]  }
0x4e: {  	v18 =	vld [tilespmem:s29+$0x4050]  }
0x4f: {  	v21 =	vld [tilespmem:s29+$0x4060]  }
0x50: {  	v27 =	vld [tilespmem:s29+$0x4400]  }
0x51: {  	v31 =	vld [tilespmem:s29+$0x4420]  }
0x52: {  	v14 =	vld [tilespmem:s29+$0x40]  }
0x53: {  	v23 =	vld [tilespmem:s29+$0x400];
	v6 =	vshll.u32 v0, $0x1F  }
0x54: {  	v28 =	vld [tilespmem:s29+$0x420];
	v46 =	vshll.u32 v9, $0x1F;
	v13 =	vshll.u32 v10, $0x1F;
	v49 =	vshll.u32 v11, $0x1F  }
0x55: {  	v53 =	vld [tilespmem:s29+$0x4450];
	v56 =	vshll.u32 v50, $0x1F;
	v57 =	vshll.u32 v18, $0x1F;
	v60 =	vshll.u32 v21, $0x1F  }
0x56: {  	v34 =	vshll.u32 v27, $0x1F;
	v40 =	vshll.u32 v31, $0x1F;
	v4 =	vxor.u32 v4, v6  }
0x57: {  	v5 =	vxor.u32 v5, v46;
	v7 =	vxor.u32 v7, v13;
	v4 =	vadd.f32 $1.000000000e+00, v4  }
0x58: {  	v12 =	vxor.u32 v12, v49;
	v14 =	vxor.u32 v14, v56;
	v23 =	vxor.u32 v23, v34  }
0x59: {  	v12 =	vadd.f32 $1.000000000e+00, v12;
	v1 =	vmax.f32 v4, $0.0e+00;
	v4 =	vadd.f32 $1.000000000e+00, v5  }
0x5a: {  	v28 =	vxor.u32 v28, v40;
	v40 =	vshll.u32 v53, $0x1F;
	v8 =	vmul.f32 $8.533333590e+01, v1  }
0x5b: {  	v54 =	vld [tilespmem:s29+$0x60];
	v7 =	vadd.f32 $1.000000000e+00, v7;
	v39 =	vmax.f32 v12, $0.0e+00;
	[tilespmem:$0x1FF70] =	vst v1;
	v1 =	vmax.f32 v4, $0.0e+00  }
0x5c: {  	v20 =	vmul.f32 $8.533333590e+01, v39;
	v4 =	vsub.f32 v2, v8;
	v47 =	vmul.f32 $8.533333590e+01, v1  }
0x5d: {  	v14 =	vadd.f32 $1.000000000e+00, v14;
	v23 =	vadd.f32 $1.000000000e+00, v23;
	v52 =	vmax.f32 v7, $0.0e+00  }
0x5e: {  	v55 =	vsub.f32 v2, v20;
	v20 =	vld [tilespmem:s29+$0x4070];
	v4 =	vmax.f32 v4, v3;
	v8 =	vsub.f32 v2, v47  }
0x5f: {  	v17 =	vld [tilespmem:s29+$0x50];
	v41 =	vadd.f32 $1.000000000e+00, v28;
	v15 =	vmul.f32 $8.533333590e+01, v52;
	v4 =	vtrunc.f32 v4  }
0x60: {  	v12 =	vxor.u32 v54, v60;
	v8 =	vmax.f32 v8, v3;
	v4 =	vcvt.f32.s32 v4  }
0x61: {  	v28 =	vmax.f32 v41, $0.0e+00;
	v15 =	vsub.f32 v2, v15;
	v8 =	vtrunc.f32 v8  }
0x62: {  	v12 =	vadd.f32 $1.000000000e+00, v12;
	v16 =	vcvt.f32.s32 v8;
	v4 =	vand.u32 $0xFFFFFFFE, v4  }
0x63: {  	v62 =	vshll.u32 v20, $0x1F;
	v22 =	vadd.s32 v0, v4;
	v0 =	vmax.f32 v15, v3  }
0x64: {  	v4 =	vld [tilespmem:s29+$0x70];
	v15 =	vxor.u32 v17, v57;
	v16 =	vand.u32 $0xFFFFFFFE, v16;
	v0 =	vtrunc.f32 v0  }
0x65: {  	v58 =	vadd.f32 $1.000000000e+00, v15;
	v15 =	vmax.f32 v14, $0.0e+00;
	v0 =	vcvt.f32.s32 v0  }
0x66: {  	v26 =	vld [tilespmem:s29+$0x410];
	v19 =	vadd.s32 v9, v16;
	v9 =	vmax.f32 v55, v3;
	v59 =	vmul.f32 $8.533333590e+01, v15  }
0x67: {  	v32 =	vld [tilespmem:s29+$0x430];
	v16 =	vmax.f32 v12, $0.0e+00;
	v9 =	vtrunc.f32 v9;
	v0 =	vand.u32 $0xFFFFFFFE, v0  }
0x68: {  	v63 =	vld [tilespmem:s29+$0x440];
	v36 =	vmax.f32 v58, $0.0e+00;
	v25 =	vadd.s32 v10, v0;
	v0 =	vcvt.f32.s32 v9  }
0x69: {  	v33 =	vld [tilespmem:s29+$0x4440];
	v24 =	vmul.f32 $8.533333590e+01, v16;
	v10 =	vsub.f32 v2, v59;
	v4 =	vxor.u32 v4, v62  }
0x6a: {  	v44 =	vld [tilespmem:s29+$0x4800];
	v61 =	vmul.f32 $8.533333590e+01, v36;
	v4 =	vadd.f32 $1.000000000e+00, v4;
	v0 =	vand.u32 $0xFFFFFFFE, v0  }
0x6b: {  	v9 =	vld [tilespmem:s29+$0x4410];
	v24 =	vsub.f32 v2, v24;
	v10 =	vmax.f32 v10, v3;
	v29 =	vadd.s32 v11, v0  }
0x6c: {  	v0 =	vsub.f32 v2, v61;
	v11 =	vld [tilespmem:s29+$0x4430];
	v10 =	vtrunc.f32 v10;
	v17 =	vmax.f32 v4, $0.0e+00  }
0x6d: {  	v24 =	vmax.f32 v24, v3;
	v4 =	vld [tilespmem:s29+$0x450];
	v10 =	vcvt.f32.s32 v10;
	v30 =	vmul.f32 $8.533333590e+01, v17  }
0x6e: {  	v45 =	vld [tilespmem:s29+$0x4810];
	v35 =	vtrunc.f32 v24;
	v24 =	vmax.f32 v23, $0.0e+00;
	v0 =	vmax.f32 v0, v3  }
0x6f: {  	v34 =	vld [tilespmem:s29+$0x460];
	v0 =	vtrunc.f32 v0;
	v10 =	vand.u32 $0xFFFFFFFE, v10;
	v30 =	vsub.f32 v2, v30  }
0x70: {  	[tilespmem:$0x1FF80] =	vst v1;
	v1 =	vld [tilespmem:s29+$0xC00];
	v38 =	vmul.f32 $8.533333590e+01, v24;
	v0 =	vcvt.f32.s32 v0;
	v42 =	vadd.s32 v50, v10  }
0x71: {  	v13 =	vld [tilespmem:s29+$0x470];
	v10 =	vcvt.f32.s32 v35;
	v35 =	vshll.u32 v9, $0x1F;
	v30 =	vmax.f32 v30, v3  }
0x72: {  	v56 =	vld [tilespmem:s29+$0x800];
	v26 =	vxor.u32 v26, v35;
	v51 =	vshll.u32 v11, $0x1F;
	v4 =	vxor.u32 v4, v40  }
0x73: {  	v49 =	vld [tilespmem:s29+$0xC10];
	v0 =	vand.u32 $0xFFFFFFFE, v0;
	v37 =	vtrunc.f32 v30;
	v30 =	vsub.f32 v2, v38  }
0x74: {  	v54 =	vld [tilespmem:s29+$0x4460];
	v26 =	vadd.f32 $1.000000000e+00, v26;
	v23 =	vcvt.f32.s32 v37;
	v37 =	vmul.f32 $8.533333590e+01, v28  }
0x75: {  	[tilespmem:$0x1FF90] =	vst v1;
	v1 =	vld [tilespmem:s29+$0xC30];
	v43 =	vadd.s32 v18, v0;
	v0 =	vand.u32 $0xFFFFFFFE, v10;
	v10 =	vxor.u32 v32, v51  }
0x76: {  	v5 =	vld [tilespmem:s29+$0x810];
	v51 =	vadd.s32 v21, v0;
	v0 =	vsub.f32 v2, v37;
	v37 =	vshll.u32 v33, $0x1F  }
0x77: {  	v7 =	vld [tilespmem:s29+$0x820];
	v4 =	vadd.f32 $1.000000000e+00, v4;
	v10 =	vadd.f32 $1.000000000e+00, v10;
	v12 =	vxor.u32 v63, v37  }
0x78: {  	v41 =	vld [tilespmem:s29+$0x4840];
	v50 =	vmax.f32 v30, v3;
	v12 =	vadd.f32 $1.000000000e+00, v12  }
0x79: {  	v60 =	vld [tilespmem:s29+$0x860];
	v30 =	vmax.f32 v26, $0.0e+00;
	v40 =	vmax.f32 v4, $0.0e+00;
	v32 =	vmax.f32 v10, $0.0e+00  }
0x7a: {  	[tilespmem:$0x1FFA0] =	vst v1;
	v1 =	vld [tilespmem:s29+$0xC40];
	v26 =	vmul.f32 $8.533333590e+01, v30;
	v10 =	vmul.f32 $8.533333590e+01, v32;
	v37 =	vmax.f32 v12, $0.0e+00  }
0x7b: {  	v8 =	vld [tilespmem:s29+$0x840];
	v47 =	vand.u32 $0xFFFFFFFE, v23;
	v23 =	vtrunc.f32 v50;
	v12 =	vmul.f32 $8.533333590e+01, v37  }
0x7c: {  	v14 =	vld [tilespmem:s29+$0x830];
	v23 =	vcvt.f32.s32 v23;
	v46 =	vadd.s32 v20, v47;
	v10 =	vsub.f32 v2, v10  }
0x7d: {  	v58 =	vld [tilespmem:s29+$0x4470];
	v47 =	vmul.f32 $8.533333590e+01, v40;
	v0 =	vmax.f32 v0, v3;
	v4 =	vsub.f32 v2, v12  }
0x7e: {  	v59 =	vld [tilespmem:s29+$0x850];
	v26 =	vsub.f32 v2, v26;
	v0 =	vtrunc.f32 v0;
	v10 =	vmax.f32 v10, v3  }
0x7f: {  	[tilespmem:$0x1FFB0] =	vst v1;
	v1 =	vld [tilespmem:s29+$0xC70];
	v0 =	vcvt.f32.s32 v0;
	v10 =	vtrunc.f32 v10;
	v4 =	vmax.f32 v4, v3  }
0x80: {  	v35 =	vld [tilespmem:s29+$0x4820];
	v55 =	vand.u32 $0xFFFFFFFE, v23;
	v10 =	vcvt.f32.s32 v10;
	v4 =	vtrunc.f32 v4  }
0x81: {  	v38 =	vld [tilespmem:s29+$0x4830];
	v62 =	vsub.f32 v2, v47;
	v0 =	vand.u32 $0xFFFFFFFE, v0;
	v47 =	vcvt.f32.s32 v4  }
0x82: {  	v18 =	vld [tilespmem:s29+$0x4C00];
	v57 =	vadd.s32 v27, v55;
	v55 =	vadd.s32 v31, v0;
	v0 =	vand.u32 $0xFFFFFFFE, v10  }
0x83: {  	v21 =	vld [tilespmem:s29+$0x4C20];
	v31 =	vshll.u32 v54, $0x1F;
	v4 =	vadd.s32 v11, v0;
	v0 =	vand.u32 $0xFFFFFFFE, v47  }
0x84: {  	v10 =	vxor.u32 v34, v31;
	v34 =	vshll.u32 v58, $0x1F;
	v6 =	vadd.s32 v33, v0;
	v0 =	vld [tilespmem:s29+$0xC50]  }
0x85: {  	v63 =	vld [tilespmem:s29+$0x870];
	v26 =	vmax.f32 v26, v3;
	v10 =	vadd.f32 $1.000000000e+00, v10;
	v12 =	vxor.u32 v13, v34  }
0x86: {  	v23 =	vld [tilespmem:s29+$0x4860];
	v20 =	vtrunc.f32 v26;
	v12 =	vadd.f32 $1.000000000e+00, v12  }
0x87: {  	v27 =	vld [tilespmem:s29+$0x4870];
	v20 =	vcvt.f32.s32 v20;
	v50 =	vmax.f32 v10, $0.0e+00  }
0x88: {  	v26 =	vld [tilespmem:s29+$0x4850];
	v34 =	vmul.f32 $8.533333590e+01, v50;
	v47 =	vmax.f32 v12, $0.0e+00  }
0x89: {  	v20 =	vand.u32 $0xFFFFFFFE, v20;
	v12 =	vmul.f32 $8.533333590e+01, v47;
	[tilespmem:$0x1FFC0] =	vst v0;
	v0 =	vld [tilespmem:s29+$0xC60]  }
0x8a: {  	v61 =	vadd.s32 v9, v20;
	v20 =	vld [tilespmem:s29+$0x4C10];
	v9 =	vmax.f32 v62, v3;
	v13 =	vsub.f32 v2, v34  }
0x8b: {  	v31 =	vld [tilespmem:s29+$0xC20];
	v9 =	vtrunc.f32 v9;
	v12 =	vsub.f32 v2, v12  }
0x8c: {  	v62 =	vcvt.f32.s32 v9;
	v9 =	vld [tilespmem:s29+$0x4C30];
	v34 =	vshll.u32 v45, $0x1F;
	v13 =	vmax.f32 v13, v3  }
0x8d: {  	v10 =	vld [tilespmem:s29+$0x4C40];
	v5 =	vxor.u32 v5, v34;
	v13 =	vtrunc.f32 v13;
	v34 =	vmax.f32 v12, v3  }
0x8e: {  	v11 =	vand.u32 $0xFFFFFFFE, v62;
	[tilespmem:$0x1FFD0] =	vst v0;
	v0 =	vcvt.f32.s32 v13;
	v13 =	vtrunc.f32 v34;
	v34 =	vld [tilespmem:$0x1FF70]  }
0x8f: {  	v62 =	vadd.s32 v53, v11;
	v11 =	vld [tilespmem:s29+$0x4C50]  }
0x90: {  	v33 =	vshll.u32 v35, $0x1F;
	v12 =	vld [tilespmem:s29+$0x4C60]  }
0x91: {  	v7 =	vxor.u32 v7, v33;
	v33 =	vcvt.f32.s32 v13;
	v13 =	vld [tilespmem:s29+$0x4C70]  }
0x92: {  	[tilespmem:v22+s15+$0x0] =	vst.idx.add.f32.msk $0xffff, v48;
	v0 =	vand.u32 $0xFFFFFFFE, v0  }
0x93: {  	[tilespmem:v22+s16+$0x0] =	vst.idx.add.f32.msk $0xffff, v34;
	v22 =	vadd.s32 v54, v0;
	v0 =	vand.u32 $0xFFFFFFFE, v33  }
0x94: {  	v33 =	vadd.s32 v58, v0;
	v58 =	vld [tilespmem:$0x1FF80]  }
0x95: {  	v53 =	vshll.u32 v44, $0x1F;
	v5 =	vadd.f32 $1.000000000e+00, v5  }
0x96: {  	v56 =	vxor.u32 v56, v53  }
0x97: {  	[tilespmem:$0x1FFE0] =	vst v1;
	v56 =	vadd.f32 $1.000000000e+00, v56;
	v53 =	vmax.f32 v5, $0.0e+00  }
0x98: {  	v1 =	vmul.f32 $8.533333590e+01, v53;
	[tilespmem:v19+s15+$0x0] =	vst.idx.add.f32.msk $0xffff, v48  }
0x99: {  	v56 =	vmax.f32 v56, $0.0e+00;
	[tilespmem:v19+s16+$0x0] =	vst.idx.add.f32.msk $0xffff, v58  }
0x9a: {  	v5 =	vmul.f32 $8.533333590e+01, v56;
	v1 =	vsub.f32 v2, v1;
	[tilespmem:v25+s15+$0x0] =	vst.idx.add.f32.msk $0xffff, v48  }
0x9b: {  	v7 =	vadd.f32 $1.000000000e+00, v7;
	[tilespmem:v25+s16+$0x0] =	vst.idx.add.f32.msk $0xffff, v52  }
0x9c: {  	v5 =	vsub.f32 v2, v5;
	v1 =	vmax.f32 v1, v3;
	[tilespmem:v29+s15+$0x0] =	vst.idx.add.f32.msk $0xffff, v48  }
0x9d: {  	v1 =	vtrunc.f32 v1;
	v0 =	vmax.f32 v7, $0.0e+00;
	[tilespmem:v29+s16+$0x0] =	vst.idx.add.f32.msk $0xffff, v39  }
0x9e: {  	v5 =	vmax.f32 v5, v3;
	v1 =	vcvt.f32.s32 v1;
	v34 =	vmul.f32 $8.533333590e+01, v0;
	[tilespmem:v42+s15+$0x0] =	vst.idx.add.f32.msk $0xffff, v48  }
0x9f: {  	v5 =	vtrunc.f32 v5;
	v54 =	vshll.u32 v38, $0x1F;
	[tilespmem:v42+s16+$0x0] =	vst.idx.add.f32.msk $0xffff, v15  }
0xa0: {  	v1 =	vand.u32 $0xFFFFFFFE, v1;
	v14 =	vxor.u32 v14, v54;
	v7 =	vsub.f32 v2, v34;
	[tilespmem:v43+s15+$0x0] =	vst.idx.add.f32.msk $0xffff, v48  }
0xa1: {  	v1 =	vadd.s32 v45, v1;
	v54 =	vshll.u32 v23, $0x1F;
	v45 =	vshll.u32 v18, $0x1F;
	[tilespmem:v43+s16+$0x0] =	vst.idx.add.f32.msk $0xffff, v36  }
0xa2: {  	v14 =	vadd.f32 $1.000000000e+00, v14;
	v58 =	vshll.u32 v41, $0x1F;
	v7 =	vmax.f32 v7, v3;
	[tilespmem:v51+s15+$0x0] =	vst.idx.add.f32.msk $0xffff, v48  }
0xa3: {  	v8 =	vxor.u32 v8, v58;
	v7 =	vtrunc.f32 v7;
	v25 =	vcvt.f32.s32 v5;
	[tilespmem:v51+s16+$0x0] =	vst.idx.add.f32.msk $0xffff, v16  }
0xa4: {  	v5 =	vmax.f32 v14, $0.0e+00;
	v8 =	vadd.f32 $1.000000000e+00, v8;
	v7 =	vcvt.f32.s32 v7;
	[tilespmem:v46+s15+$0x0] =	vst.idx.add.f32.msk $0xffff, v48  }
0xa5: {  	v52 =	vshll.u32 v26, $0x1F;
	v34 =	vand.u32 $0xFFFFFFFE, v25;
	v39 =	vmul.f32 $8.533333590e+01, v5;
	[tilespmem:v46+s16+$0x0] =	vst.idx.add.f32.msk $0xffff, v17  }
0xa6: {  	v8 =	vmax.f32 v8, $0.0e+00;
	v7 =	vand.u32 $0xFFFFFFFE, v7;
	v25 =	vxor.u32 v59, v52;
	v46 =	vld [tilespmem:$0x1FF90]  }
0xa7: {  	v59 =	vxor.u32 v60, v54;
	v14 =	vadd.s32 v44, v34;
	v44 =	vmul.f32 $8.533333590e+01, v8;
	[tilespmem:v57+s15+$0x0] =	vst.idx.add.f32.msk $0xffff, v48  }
0xa8: {  	v60 =	vshll.u32 v27, $0x1F;
	v25 =	vadd.f32 $1.000000000e+00, v25;
	v42 =	vsub.f32 v2, v39;
	[tilespmem:v57+s16+$0x0] =	vst.idx.add.f32.msk $0xffff, v24  }
0xa9: {  	v52 =	vshll.u32 v21, $0x1F;
	v34 =	vxor.u32 v63, v60;
	v19 =	vsub.f32 v2, v44;
	[tilespmem:v61+s15+$0x0] =	vst.idx.add.f32.msk $0xffff, v48  }
0xaa: {  	v7 =	vadd.s32 v35, v7;
	v25 =	vmax.f32 v25, $0.0e+00;
	v15 =	vmax.f32 v42, v3;
	[tilespmem:v61+s16+$0x0] =	vst.idx.add.f32.msk $0xffff, v30  }
0xab: {  	v36 =	vmul.f32 $8.533333590e+01, v25;
	v15 =	vtrunc.f32 v15;
	v58 =	vmax.f32 v19, v3;
	[tilespmem:v55+s15+$0x0] =	vst.idx.add.f32.msk $0xffff, v48  }
0xac: {  	v19 =	vadd.f32 $1.000000000e+00, v59;
	v15 =	vcvt.f32.s32 v15;
	v16 =	vtrunc.f32 v58;
	[tilespmem:v55+s16+$0x0] =	vst.idx.add.f32.msk $0xffff, v28  }
0xad: {  	v39 =	vsub.f32 v2, v36;
	v51 =	vshll.u32 v20, $0x1F;
	v16 =	vcvt.f32.s32 v16;
	[tilespmem:v4+s15+$0x0] =	vst.idx.add.f32.msk $0xffff, v48  }
0xae: {  	v19 =	vmax.f32 v19, $0.0e+00;
	v15 =	vand.u32 $0xFFFFFFFE, v15;
	v17 =	vadd.f32 $1.000000000e+00, v34;
	[tilespmem:v4+s16+$0x0] =	vst.idx.add.f32.msk $0xffff, v32  }
0xaf: {  	v42 =	vmul.f32 $8.533333590e+01, v19;
	v34 =	vshll.u32 v9, $0x1F;
	v15 =	vadd.s32 v38, v15;
	[tilespmem:v6+s15+$0x0] =	vst.idx.add.f32.msk $0xffff, v48  }
0xb0: {  	v16 =	vand.u32 $0xFFFFFFFE, v16;
	v38 =	vshll.u32 v10, $0x1F;
	v17 =	vmax.f32 v17, $0.0e+00;
	[tilespmem:v6+s16+$0x0] =	vst.idx.add.f32.msk $0xffff, v37  }
0xb1: {  	v24 =	vmax.f32 v39, v3;
	v29 =	vsub.f32 v2, v42;
	v43 =	vmul.f32 $8.533333590e+01, v17;
	v37 =	vld [tilespmem:$0x1FFA0]  }
0xb2: {  	v16 =	vadd.s32 v41, v16;
	v41 =	vshll.u32 v11, $0x1F;
	v24 =	vtrunc.f32 v24;
	[tilespmem:v62+s15+$0x0] =	vst.idx.add.f32.msk $0xffff, v48  }
0xb3: {  	v24 =	vcvt.f32.s32 v24;
	v44 =	vmax.f32 v29, v3;
	v30 =	vsub.f32 v2, v43;
	[tilespmem:v62+s16+$0x0] =	vst.idx.add.f32.msk $0xffff, v40  }
0xb4: {  	v29 =	vxor.u32 v46, v45;
	v45 =	vshll.u32 v12, $0x1F;
	v28 =	vtrunc.f32 v44;
	[tilespmem:v22+s15+$0x0] =	vst.idx.add.f32.msk $0xffff, v48  }
0xb5: {  	v29 =	vadd.f32 $1.000000000e+00, v29;
	v30 =	vmax.f32 v30, v3;
	v4 =	vxor.u32 v49, v51;
	[tilespmem:v22+s16+$0x0] =	vst.idx.add.f32.msk $0xffff, v50  }
0xb6: {  	v24 =	vand.u32 $0xFFFFFFFE, v24;
	v30 =	vtrunc.f32 v30;
	v4 =	vadd.f32 $1.000000000e+00, v4;
	v50 =	vld [tilespmem:$0x1FFE0]  }
0xb7: {  	v30 =	vcvt.f32.s32 v30;
	v6 =	vmax.f32 v29, $0.0e+00;
	v29 =	vxor.u32 v31, v52;
	[tilespmem:v33+s15+$0x0] =	vst.idx.add.f32.msk $0xffff, v48  }
0xb8: {  	v28 =	vcvt.f32.s32 v28;
	v54 =	vmul.f32 $8.533333590e+01, v6;
	v29 =	vadd.f32 $1.000000000e+00, v29;
	[tilespmem:v33+s16+$0x0] =	vst.idx.add.f32.msk $0xffff, v47  }
0xb9: {  	v24 =	vadd.s32 v26, v24;
	v4 =	vmax.f32 v4, $0.0e+00;
	v59 =	vand.u32 $0xFFFFFFFE, v30;
	[tilespmem:v14+s15+$0x0] =	vst.idx.add.f32.msk $0xffff, v48  }
0xba: {  	v57 =	vmul.f32 $8.533333590e+01, v4;
	v55 =	vsub.f32 v2, v54;
	v29 =	vmax.f32 v29, $0.0e+00;
	[tilespmem:v14+s16+$0x0] =	vst.idx.add.f32.msk $0xffff, v56  }
0xbb: {  	v49 =	vshll.u32 v13, $0x1F;
	v62 =	vadd.s32 v27, v59;
	v61 =	vmul.f32 $8.533333590e+01, v29;
	[tilespmem:v1+s15+$0x0] =	vst.idx.add.f32.msk $0xffff, v48  }
0xbc: {  	v58 =	vand.u32 $0xFFFFFFFE, v28;
	v60 =	vsub.f32 v2, v57;
	v26 =	vmax.f32 v55, v3;
	[tilespmem:v1+s16+$0x0] =	vst.idx.add.f32.msk $0xffff, v53  }
0xbd: {  	v27 =	vxor.u32 v37, v34;
	v26 =	vtrunc.f32 v26;
	v33 =	vsub.f32 v2, v61;
	v1 =	vld [tilespmem:$0x1FFB0]  }
0xbe: {  	v43 =	vld [tilespmem:$0x1FFC0];
	v63 =	vmax.f32 v60, v3;
	v27 =	vadd.f32 $1.000000000e+00, v27;
	v35 =	vcvt.f32.s32 v26  }
0xbf: {  	v46 =	vld [tilespmem:$0x1FFD0];
	v22 =	vadd.s32 v23, v58;
	v36 =	vtrunc.f32 v63;
	v28 =	vmax.f32 v33, v3  }
0xc0: {  	v26 =	vcvt.f32.s32 v36;
	v27 =	vmax.f32 v27, $0.0e+00;
	v14 =	vand.u32 $0xFFFFFFFE, v35;
	[tilespmem:v7+s15+$0x0] =	vst.idx.add.f32.msk $0xffff, v48  }
0xc1: {  	v28 =	vtrunc.f32 v28;
	v39 =	vmul.f32 $8.533333590e+01, v27;
	v14 =	vadd.s32 v18, v14;
	[tilespmem:v7+s16+$0x0] =	vst.idx.add.f32.msk $0xffff, v0  }
0xc2: {  	v28 =	vcvt.f32.s32 v28;
	v18 =	vxor.u32 v50, v49;
	[tilespmem:v15+s15+$0x0] =	vst.idx.add.f32.msk $0xffff, v48;
	v1 =	vxor.u32 v1, v38  }
0xc3: {  	v18 =	vadd.f32 $1.000000000e+00, v18;
	v0 =	vand.u32 $0xFFFFFFFE, v26;
	[tilespmem:v15+s16+$0x0] =	vst.idx.add.f32.msk $0xffff, v5;
	v1 =	vadd.f32 $1.000000000e+00, v1  }
0xc4: {  	v40 =	vand.u32 $0xFFFFFFFE, v28;
	v7 =	vxor.u32 v43, v41;
	v0 =	vadd.s32 v20, v0;
	[tilespmem:v16+s15+$0x0] =	vst.idx.add.f32.msk $0xffff, v48  }
0xc5: {  	v7 =	vadd.f32 $1.000000000e+00, v7;
	v5 =	vsub.f32 v2, v39;
	[tilespmem:v16+s16+$0x0] =	vst.idx.add.f32.msk $0xffff, v8;
	v1 =	vmax.f32 v1, $0.0e+00  }
0xc6: {  	v42 =	vadd.s32 v21, v40;
	v8 =	vxor.u32 v46, v45;
	[tilespmem:v24+s15+$0x0] =	vst.idx.add.f32.msk $0xffff, v48;
	v44 =	vmul.f32 $8.533333590e+01, v1  }
0xc7: {  	v7 =	vmax.f32 v7, $0.0e+00;
	v5 =	vmax.f32 v5, v3;
	v8 =	vadd.f32 $1.000000000e+00, v8;
	[tilespmem:v24+s16+$0x0] =	vst.idx.add.f32.msk $0xffff, v25  }
0xc8: {  	v51 =	vmul.f32 $8.533333590e+01, v7;
	v5 =	vtrunc.f32 v5;
	[tilespmem:v22+s15+$0x0] =	vst.idx.add.f32.msk $0xffff, v48;
	v47 =	vsub.f32 v2, v44  }
0xc9: {  	v54 =	vmax.f32 v18, $0.0e+00;
	v5 =	vcvt.f32.s32 v5;
	v8 =	vmax.f32 v8, $0.0e+00;
	[tilespmem:v22+s16+$0x0] =	vst.idx.add.f32.msk $0xffff, v19  }
0xca: {  	v52 =	vsub.f32 v2, v51;
	v53 =	vmul.f32 $8.533333590e+01, v8;
	[tilespmem:v62+s15+$0x0] =	vst.idx.add.f32.msk $0xffff, v48;
	v16 =	vmax.f32 v47, v3  }
0xcb: {  	v57 =	vmul.f32 $8.533333590e+01, v54;
	v5 =	vand.u32 $0xFFFFFFFE, v5;
	[tilespmem:v62+s16+$0x0] =	vst.idx.add.f32.msk $0xffff, v17;
	v16 =	vtrunc.f32 v16  }
0xcc: {  	v55 =	vmax.f32 v52, v3;
	v56 =	vsub.f32 v2, v53;
	[tilespmem:v14+s15+$0x0] =	vst.idx.add.f32.msk $0xffff, v48;
	v16 =	vcvt.f32.s32 v16  }
0xcd: {  	v61 =	vsub.f32 v2, v57;
	v5 =	vadd.s32 v9, v5;
	v59 =	vtrunc.f32 v55;
	[tilespmem:v14+s16+$0x0] =	vst.idx.add.f32.msk $0xffff, v6  }
0xce: {  	v9 =	vcvt.f32.s32 v59;
	v60 =	vmax.f32 v56, v3;
	[tilespmem:v0+s15+$0x0] =	vst.idx.add.f32.msk $0xffff, v48;
	v58 =	vand.u32 $0xFFFFFFFE, v16  }
0xcf: {  	[tilespmem:v0+s16+$0x0] =	vst.idx.add.f32.msk $0xffff, v4;
	v4 =	vtrunc.f32 v60;
	v0 =	vadd.s32 v10, v58  }
0xd0: {  	v63 =	vmax.f32 v61, v3;
	v62 =	vand.u32 $0xFFFFFFFE, v9;
	v4 =	vcvt.f32.s32 v4;
	[tilespmem:v42+s15+$0x0] =	vst.idx.add.f32.msk $0xffff, v48  }
0xd1: {  	v9 =	vtrunc.f32 v63;
	v6 =	vadd.s32 v11, v62;
	[tilespmem:v42+s16+$0x0] =	vst.idx.add.f32.msk $0xffff, v29  }
0xd2: {  	v9 =	vcvt.f32.s32 v9;
	v4 =	vand.u32 $0xFFFFFFFE, v4;
	[tilespmem:v5+s15+$0x0] =	vst.idx.add.f32.msk $0xffff, v48  }
0xd3: {  	[tilespmem:v5+s16+$0x0] =	vst.idx.add.f32.msk $0xffff, v27;
	v4 =	vadd.s32 v12, v4  }
0xd4: {  	v5 =	vand.u32 $0xFFFFFFFE, v9;
	[tilespmem:v0+s15+$0x0] =	vst.idx.add.f32.msk $0xffff, v48  }
0xd5: {  	[tilespmem:v0+s16+$0x0] =	vst.idx.add.f32.msk $0xffff, v1;
	v0 =	vadd.s32 v13, v5  }
0xd6: {  	p0 =	sne.s32 s28, $0x1E00;
	[tilespmem:v6+s15+$0x0] =	vst.idx.add.f32.msk $0xffff, v48  }
.Ltmp1:
0xd7: {  	[tilespmem:v6+s16+$0x0] =	vst.idx.add.f32.msk $0xffff, v7;
	(pc) =	sbr.rel @p0 .LBB2_5-.Ltmp1, $4  }
0xd8: {  	[tilespmem:v4+s15+$0x0] =	vst.idx.add.f32.msk $0xffff, v48  }
0xd9: {  	[tilespmem:v4+s16+$0x0] =	vst.idx.add.f32.msk $0xffff, v8  }
0xda: {  	[tilespmem:v0+s15+$0x0] =	vst.idx.add.f32.msk $0xffff, v48  }
0xdb: {  	s26 =	sadd.s32 $0x80, s26;
	s28 =	sadd.s32 $0x200, s28;
	[tilespmem:v0+s16+$0x0] =	vst.idx.add.f32.msk $0xffff, v54  }
0xdc: {  	p0 =	seq.s32 s24, $0x7  }
0xdd: {  	s25 =	sadd.s32 @!p0 s25, s8  }
0xde: {  	s25 =	sshll.u32 @!p0 s25, $0x6  }
0xdf: {  	s28 =	simm.s32 @!p0 $0x0;
	s26 =	sadd.s32 @!p0 s0, s25  }
0xe0: {  	[tilespmem:s28], [sflag:$0x1] =	stream.linear.gather @!p0 [hbm4b:s26+s28], $0x2000, $0x38;
	[tilespmem:$0x11000] =	vst v63  }
0xe1: {  	s25 =	sadd.s32 @!p0 s1, s25;
	s26 =	simm.s32 @!p0 $0x4000  }
0xe2: {  	[tilespmem:s26], [sflag:$0x1] =	stream.linear.gather @!p0 [hbm4b:s25+s28], $0x2000, $0x38;
	[tilespmem:$0x11000] =	vst v63  }
0xe3: {  	_ =	swait.ge [sflag:s17], $0x2000  }
0xe4: {  	[sflag:s17] =	ssyncset.done $0x0  }
0xe5: {  	[sflag:s17] =	ssyncadd.s32 $0xFFFFE000  }
0xe6: {  	_ =	swait.ge [sflag:s17], $0x2000  }
0xe7: {  	[sflag:s17] =	ssyncset.done $0x0  }
0xe8: {  	s25 =	simm.s32 $0x0;
	s26 =	simm.s32 $0x0;
	[sflag:s17] =	ssyncadd.s32 $0xFFFFE000  }
.LBB2_7:
0xe9: {  	s28 =	sand.u32 $0x1000, s26;
	s29 =	sand.u32 $0x380, s25  }
0xea: {  	s28 =	sor.u32 s29, s28  }
0xeb: {  	v0 =	vld [tilespmem:s28+$0x6000]  }
0xec: {  	v1 =	vld [tilespmem:s28+$0x2000]  }
0xed: {  	v4 =	vld [tilespmem:s28+$0x6010]  }
0xee: {  	v5 =	vld [tilespmem:s28+$0x2010]  }
0xef: {  	v9 =	vld [tilespmem:s28+$0x6020]  }
0xf0: {  	v7 =	vld [tilespmem:s28+$0x2020]  }
0xf1: {  	v10 =	vld [tilespmem:s28+$0x6030]  }
0xf2: {  	v47 =	vld [tilespmem:s28+$0x6040]  }
0xf3: {  	v18 =	vld [tilespmem:s28+$0x6050]  }
0xf4: {  	v20 =	vld [tilespmem:s28+$0x6060]  }
0xf5: {  	v21 =	vld [tilespmem:s28+$0x6070]  }
0xf6: {  	v27 =	vld [tilespmem:s28+$0x6400];
	v6 =	vshll.u32 v0, $0x1F  }
0xf7: {  	v11 =	vld [tilespmem:s28+$0x2030];
	v44 =	vshll.u32 v4, $0x1F;
	v1 =	vxor.u32 v1, v6  }
0xf8: {  	v13 =	vld [tilespmem:s28+$0x2040];
	v12 =	vshll.u32 v9, $0x1F;
	v46 =	vshll.u32 v10, $0x1F;
	v1 =	vadd.f32 $1.000000000e+00, v1  }
0xf9: {  	v23 =	vld [tilespmem:s28+$0x2400];
	v50 =	vshll.u32 v47, $0x1F;
	v51 =	vshll.u32 v18, $0x1F;
	v5 =	vxor.u32 v5, v44  }
0xfa: {  	v53 =	vshll.u32 v20, $0x1F;
	v6 =	vmax.f32 v1, $0.0e+00;
	v1 =	vadd.f32 $1.000000000e+00, v5  }
0xfb: {  	v55 =	vshll.u32 v21, $0x1F;
	v32 =	vshll.u32 v27, $0x1F;
	v8 =	vmul.f32 $8.533333590e+01, v6  }
0xfc: {  	v7 =	vxor.u32 v7, v12;
	v11 =	vxor.u32 v11, v46;
	v5 =	vmax.f32 v1, $0.0e+00  }
0xfd: {  	v49 =	vld [tilespmem:s28+$0x2060];
	v7 =	vadd.f32 $1.000000000e+00, v7;
	v1 =	vsub.f32 v2, v8;
	v45 =	vmul.f32 $8.533333590e+01, v5  }
0xfe: {  	v13 =	vxor.u32 v13, v50;
	v23 =	vxor.u32 v23, v32;
	v11 =	vadd.f32 $1.000000000e+00, v11  }
0xff: {  	[tilespmem:$0x1FF00] =	vst v5;
	v5 =	vmax.f32 v7, $0.0e+00;
	v1 =	vmax.f32 v1, v3;
	v8 =	vsub.f32 v2, v45  }
0x100: {  	v16 =	vld [tilespmem:s28+$0x2050];
	v13 =	vadd.f32 $1.000000000e+00, v13;
	v14 =	vmul.f32 $8.533333590e+01, v5;
	v1 =	vtrunc.f32 v1  }
0x101: {  	v39 =	vmax.f32 v11, $0.0e+00;
	v8 =	vmax.f32 v8, v3;
	v1 =	vcvt.f32.s32 v1  }
0x102: {  	v11 =	vxor.u32 v49, v53;
	v14 =	vsub.f32 v2, v14;
	v8 =	vtrunc.f32 v8  }
0x103: {  	v11 =	vadd.f32 $1.000000000e+00, v11;
	v15 =	vcvt.f32.s32 v8;
	v1 =	vand.u32 $0xFFFFFFFE, v1  }
0x104: {  	v17 =	vmul.f32 $8.533333590e+01, v39;
	v22 =	vadd.s32 v0, v1;
	v0 =	vmax.f32 v14, v3  }
0x105: {  	v14 =	vxor.u32 v16, v51;
	v16 =	vmax.f32 v11, $0.0e+00;
	v15 =	vand.u32 $0xFFFFFFFE, v15  }
0x106: {  	v1 =	vld [tilespmem:s28+$0x2070];
	v0 =	vtrunc.f32 v0;
	v14 =	vadd.f32 $1.000000000e+00, v14;
	v24 =	vmul.f32 $8.533333590e+01, v16  }
0x107: {  	v19 =	vadd.s32 v4, v15;
	v4 =	vsub.f32 v2, v17;
	v15 =	vmax.f32 v13, $0.0e+00  }
0x108: {  	v26 =	vld [tilespmem:s28+$0x2410];
	v23 =	vadd.f32 $1.000000000e+00, v23;
	v0 =	vcvt.f32.s32 v0;
	v52 =	vmul.f32 $8.533333590e+01, v15  }
0x109: {  	v13 =	vld [tilespmem:s28+$0x6420];
	v14 =	vmax.f32 v14, $0.0e+00;
	v24 =	vsub.f32 v2, v24;
	v4 =	vmax.f32 v4, v3  }
0x10a: {  	v28 =	vld [tilespmem:s28+$0x2420];
	v0 =	vand.u32 $0xFFFFFFFE, v0;
	v54 =	vmul.f32 $8.533333590e+01, v14;
	v4 =	vtrunc.f32 v4  }
0x10b: {  	v31 =	vld [tilespmem:s28+$0x2430];
	v25 =	vadd.s32 v9, v0;
	v9 =	vsub.f32 v2, v52;
	v1 =	vxor.u32 v1, v55  }
0x10c: {  	v33 =	vld [tilespmem:s28+$0x6440];
	v24 =	vmax.f32 v24, v3;
	v0 =	vcvt.f32.s32 v4;
	v1 =	vadd.f32 $1.000000000e+00, v1  }
0x10d: {  	v58 =	vld [tilespmem:s28+$0x6470];
	v56 =	vtrunc.f32 v24;
	v24 =	vmax.f32 v23, $0.0e+00;
	v9 =	vmax.f32 v9, v3  }
0x10e: {  	v4 =	vld [tilespmem:s28+$0x6410];
	v61 =	vshll.u32 v13, $0x1F;
	v0 =	vand.u32 $0xFFFFFFFE, v0;
	v9 =	vtrunc.f32 v9  }
0x10f: {  	v34 =	vld [tilespmem:s28+$0x6450];
	v17 =	vmax.f32 v1, $0.0e+00;
	v28 =	vxor.u32 v28, v61;
	v29 =	vadd.s32 v10, v0  }
0x110: {  	v36 =	vld [tilespmem:s28+$0x2460];
	v0 =	vsub.f32 v2, v54;
	v9 =	vcvt.f32.s32 v9;
	v30 =	vmul.f32 $8.533333590e+01, v17  }
0x111: {  	v12 =	vld [tilespmem:s28+$0x2470];
	v59 =	vmul.f32 $8.533333590e+01, v24;
	v62 =	vadd.f32 $1.000000000e+00, v28  }
0x112: {  	v1 =	vld [tilespmem:s28+$0x2450];
	v0 =	vmax.f32 v0, v3;
	v9 =	vand.u32 $0xFFFFFFFE, v9;
	v30 =	vsub.f32 v2, v30  }
0x113: {  	v10 =	vld [tilespmem:s28+$0x6430];
	v60 =	vshll.u32 v4, $0x1F;
	v28 =	vmax.f32 v62, $0.0e+00;
	v62 =	vshll.u32 v58, $0x1F  }
0x114: {  	v54 =	vld [tilespmem:s28+$0x6460];
	v0 =	vtrunc.f32 v0;
	v42 =	vadd.s32 v47, v9;
	v9 =	vcvt.f32.s32 v56  }
0x115: {  	v35 =	vld [tilespmem:s28+$0x6820];
	v26 =	vxor.u32 v26, v60;
	v41 =	vmul.f32 $8.533333590e+01, v28;
	v47 =	vshll.u32 v34, $0x1F  }
0x116: {  	v44 =	vld [tilespmem:s28+$0x6800];
	v12 =	vxor.u32 v12, v62;
	v0 =	vcvt.f32.s32 v0;
	v30 =	vmax.f32 v30, v3  }
0x117: {  	v53 =	vld [tilespmem:s28+$0x2800];
	v26 =	vadd.f32 $1.000000000e+00, v26;
	v1 =	vxor.u32 v1, v47;
	v12 =	vadd.f32 $1.000000000e+00, v12  }
0x118: {  	v7 =	vld [tilespmem:s28+$0x2830];
	v57 =	vtrunc.f32 v30;
	v30 =	vsub.f32 v2, v59;
	v40 =	vshll.u32 v10, $0x1F  }
0x119: {  	v11 =	vld [tilespmem:s28+$0x2440];
	v1 =	vadd.f32 $1.000000000e+00, v1;
	v50 =	vshll.u32 v54, $0x1F;
	v0 =	vand.u32 $0xFFFFFFFE, v0  }
0x11a: {  	[tilespmem:$0x1FF10] =	vst v5;
	v5 =	vld [tilespmem:s28+$0x2820];
	v23 =	vcvt.f32.s32 v57;
	v43 =	vadd.s32 v18, v0;
	v0 =	vand.u32 $0xFFFFFFFE, v9  }
0x11b: {  	v45 =	vld [tilespmem:s28+$0x6810];
	v38 =	vmax.f32 v30, v3;
	v30 =	vmax.f32 v26, $0.0e+00;
	v9 =	vxor.u32 v31, v40  }
0x11c: {  	v8 =	vld [tilespmem:s28+$0x2840];
	v40 =	vshll.u32 v33, $0x1F;
	v63 =	vand.u32 $0xFFFFFFFE, v23;
	v26 =	vmul.f32 $8.533333590e+01, v30  }
0x11d: {  	v56 =	vld [tilespmem:s28+$0x2810];
	v23 =	vtrunc.f32 v38;
	v9 =	vadd.f32 $1.000000000e+00, v9;
	v51 =	vadd.s32 v20, v0  }
0x11e: {  	v60 =	vld [tilespmem:s28+$0x2860];
	v0 =	vsub.f32 v2, v41;
	v11 =	vxor.u32 v11, v40;
	v26 =	vsub.f32 v2, v26  }
0x11f: {  	v40 =	vmax.f32 v1, $0.0e+00;
	v1 =	vld [tilespmem:s28+$0x2C00];
	v11 =	vadd.f32 $1.000000000e+00, v11;
	v32 =	vmax.f32 v9, $0.0e+00  }
0x120: {  	v59 =	vld [tilespmem:s28+$0x2850];
	v23 =	vcvt.f32.s32 v23;
	v9 =	vmul.f32 $8.533333590e+01, v32;
	v37 =	vmax.f32 v26, v3  }
0x121: {  	v18 =	vld [tilespmem:s28+$0x6C00];
	v0 =	vmax.f32 v0, v3;
	v20 =	vtrunc.f32 v37;
	v37 =	vmax.f32 v11, $0.0e+00  }
0x122: {  	v31 =	vld [tilespmem:s28+$0x2C10];
	v0 =	vtrunc.f32 v0;
	v9 =	vsub.f32 v2, v9;
	v11 =	vmul.f32 $8.533333590e+01, v37  }
0x123: {  	v38 =	vld [tilespmem:s28+$0x6830];
	v46 =	vadd.s32 v21, v63;
	v49 =	vmul.f32 $8.533333590e+01, v40;
	v0 =	vcvt.f32.s32 v0  }
0x124: {  	v41 =	vld [tilespmem:s28+$0x6840];
	[tilespmem:$0x1FF20] =	vst v1;
	v20 =	vcvt.f32.s32 v20;
	v9 =	vmax.f32 v9, v3;
	v1 =	vsub.f32 v2, v11  }
0x125: {  	v63 =	vld [tilespmem:s28+$0x2870];
	v55 =	vand.u32 $0xFFFFFFFE, v23;
	v0 =	vand.u32 $0xFFFFFFFE, v0;
	v9 =	vtrunc.f32 v9  }
0x126: {  	v21 =	vld [tilespmem:s28+$0x6C20];
	v20 =	vand.u32 $0xFFFFFFFE, v20;
	v9 =	vcvt.f32.s32 v9;
	v1 =	vmax.f32 v1, v3  }
0x127: {  	v61 =	vadd.s32 v4, v20;
	v4 =	vsub.f32 v2, v49;
	v52 =	vtrunc.f32 v1;
	v1 =	vld [tilespmem:s28+$0x2C30]  }
0x128: {  	v47 =	vmax.f32 v12, $0.0e+00;
	v23 =	vld [tilespmem:s28+$0x6860];
	v57 =	vadd.s32 v27, v55;
	v55 =	vadd.s32 v13, v0  }
0x129: {  	v26 =	vld [tilespmem:s28+$0x6850];
	v0 =	vand.u32 $0xFFFFFFFE, v9;
	v9 =	vxor.u32 v36, v50;
	v4 =	vmax.f32 v4, v3  }
0x12a: {  	v27 =	vld [tilespmem:s28+$0x6870];
	v9 =	vadd.f32 $1.000000000e+00, v9;
	v11 =	vcvt.f32.s32 v52;
	v4 =	vtrunc.f32 v4  }
0x12b: {  	v20 =	vld [tilespmem:s28+$0x6C10];
	v49 =	vmul.f32 $8.533333590e+01, v47;
	v13 =	vcvt.f32.s32 v4  }
0x12c: {  	v50 =	vmax.f32 v9, $0.0e+00;
	v4 =	vand.u32 $0xFFFFFFFE, v11;
	[tilespmem:$0x1FF30] =	vst v1;
	v1 =	vadd.s32 v10, v0;
	v0 =	vld [tilespmem:s28+$0x2C40]  }
0x12d: {  	v36 =	vld [tilespmem:s28+$0x2C20];
	v52 =	vmul.f32 $8.533333590e+01, v50;
	v4 =	vadd.s32 v33, v4  }
0x12e: {  	v9 =	vld [tilespmem:s28+$0x6C30];
	v33 =	vand.u32 $0xFFFFFFFE, v13;
	v13 =	vsub.f32 v2, v49;
	v49 =	vshll.u32 v45, $0x1F  }
0x12f: {  	v11 =	vld [tilespmem:s28+$0x6C50];
	v62 =	vadd.s32 v34, v33;
	v34 =	vxor.u32 v56, v49  }
0x130: {  	v10 =	vld [tilespmem:s28+$0x6C40];
	v12 =	vsub.f32 v2, v52;
	v52 =	vshll.u32 v44, $0x1F;
	v13 =	vmax.f32 v13, v3  }
0x131: {  	v34 =	vadd.f32 $1.000000000e+00, v34;
	v53 =	vxor.u32 v53, v52;
	v13 =	vtrunc.f32 v13;
	[tilespmem:$0x1FF40] =	vst v0;
	v0 =	vld [tilespmem:s28+$0x2C50]  }
0x132: {  	v12 =	vmax.f32 v12, v3;
	v53 =	vadd.f32 $1.000000000e+00, v53;
	v33 =	vcvt.f32.s32 v13;
	v13 =	vld [tilespmem:s28+$0x6C70]  }
0x133: {  	v49 =	vtrunc.f32 v12;
	v12 =	vld [tilespmem:s28+$0x6C60]  }
0x134: {  	v56 =	vmax.f32 v53, $0.0e+00;
	v53 =	vmax.f32 v34, $0.0e+00;
	v34 =	vld [tilespmem:s28+$0x2C70];
	v33 =	vand.u32 $0xFFFFFFFE, v33  }
0x135: {  	v33 =	vadd.s32 v58, v33;
	v58 =	vld [tilespmem:$0x1FF00]  }
0x136: {  	v52 =	vshll.u32 v35, $0x1F;
	[tilespmem:$0x1FF50] =	vst v0;
	v0 =	vld [tilespmem:s28+$0x2C60]  }
0x137: {  	v5 =	vxor.u32 v5, v52;
	[tilespmem:v22+s15+$0x0] =	vst.idx.add.f32.msk $0xffff, v48  }
0x138: {  	v5 =	vadd.f32 $1.000000000e+00, v5;
	[tilespmem:v22+s16+$0x0] =	vst.idx.add.f32.msk $0xffff, v6  }
0x139: {  	[tilespmem:v19+s15+$0x0] =	vst.idx.add.f32.msk $0xffff, v48  }
0x13a: {  	v6 =	vmax.f32 v5, $0.0e+00;
	[tilespmem:v19+s16+$0x0] =	vst.idx.add.f32.msk $0xffff, v58  }
0x13b: {  	v19 =	vmul.f32 $8.533333590e+01, v6;
	v58 =	vld [tilespmem:$0x1FF10];
	_ =	sdelay $0x1  }
0x13c: {  	[tilespmem:$0x1FF60] =	vst v0;
	v0 =	vcvt.f32.s32 v49;
	v49 =	vmul.f32 $8.533333590e+01, v56;
	v19 =	vsub.f32 v2, v19  }
0x13d: {  	v52 =	vmul.f32 $8.533333590e+01, v53  }
0x13e: {  	[tilespmem:v25+s15+$0x0] =	vst.idx.add.f32.msk $0xffff, v48;
	v0 =	vand.u32 $0xFFFFFFFE, v0;
	v49 =	vsub.f32 v2, v49;
	v19 =	vmax.f32 v19, v3  }
0x13f: {  	v0 =	vadd.s32 v54, v0;
	v54 =	vsub.f32 v2, v52;
	v52 =	vshll.u32 v38, $0x1F;
	[tilespmem:v25+s16+$0x0] =	vst.idx.add.f32.msk $0xffff, v58  }
0x140: {  	v19 =	vtrunc.f32 v19;
	v49 =	vmax.f32 v49, v3;
	v7 =	vxor.u32 v7, v52;
	[tilespmem:v29+s15+$0x0] =	vst.idx.add.f32.msk $0xffff, v48  }
0x141: {  	v52 =	vshll.u32 v41, $0x1F;
	v5 =	vmax.f32 v54, v3;
	v54 =	vtrunc.f32 v49;
	[tilespmem:v29+s16+$0x0] =	vst.idx.add.f32.msk $0xffff, v39  }
0x142: {  	v7 =	vadd.f32 $1.000000000e+00, v7;
	v8 =	vxor.u32 v8, v52;
	v52 =	vshll.u32 v26, $0x1F;
	[tilespmem:v42+s15+$0x0] =	vst.idx.add.f32.msk $0xffff, v48  }
0x143: {  	v5 =	vtrunc.f32 v5;
	v22 =	vcvt.f32.s32 v54;
	v58 =	vadd.f32 $1.000000000e+00, v8;
	[tilespmem:v42+s16+$0x0] =	vst.idx.add.f32.msk $0xffff, v15  }
0x144: {  	v54 =	vcvt.f32.s32 v5;
	v5 =	vmax.f32 v7, $0.0e+00;
	v42 =	vcvt.f32.s32 v19;
	[tilespmem:v43+s15+$0x0] =	vst.idx.add.f32.msk $0xffff, v48  }
0x145: {  	v19 =	vxor.u32 v59, v52;
	v29 =	vand.u32 $0xFFFFFFFE, v22;
	v7 =	vmax.f32 v58, $0.0e+00;
	[tilespmem:v43+s16+$0x0] =	vst.idx.add.f32.msk $0xffff, v14  }
0x146: {  	v8 =	vadd.s32 v44, v29;
	v44 =	vand.u32 $0xFFFFFFFE, v54;
	v54 =	vshll.u32 v23, $0x1F;
	[tilespmem:v51+s15+$0x0] =	vst.idx.add.f32.msk $0xffff, v48  }
0x147: {  	v39 =	vmul.f32 $8.533333590e+01, v5;
	v49 =	vmul.f32 $8.533333590e+01, v7;
	v29 =	vxor.u32 v60, v54;
	v54 =	vld [tilespmem:$0x1FF20]  }
0x148: {  	v19 =	vadd.f32 $1.000000000e+00, v19;
	[tilespmem:v51+s16+$0x0] =	vst.idx.add.f32.msk $0xffff, v16  }
0x149: {  	v15 =	vand.u32 $0xFFFFFFFE, v42;
	v22 =	vsub.f32 v2, v39;
	v25 =	vsub.f32 v2, v49;
	[tilespmem:v46+s15+$0x0] =	vst.idx.add.f32.msk $0xffff, v48  }
0x14a: {  	v14 =	vadd.s32 v45, v44;
	v19 =	vmax.f32 v19, $0.0e+00;
	v39 =	vshll.u32 v27, $0x1F;
	[tilespmem:v46+s16+$0x0] =	vst.idx.add.f32.msk $0xffff, v17  }
0x14b: {  	v44 =	vmul.f32 $8.533333590e+01, v19;
	v22 =	vmax.f32 v22, v3;
	v59 =	vmax.f32 v25, v3;
	[tilespmem:v57+s15+$0x0] =	vst.idx.add.f32.msk $0xffff, v48  }
0x14c: {  	v43 =	vxor.u32 v63, v39;
	v22 =	vtrunc.f32 v22;
	v42 =	vtrunc.f32 v59;
	[tilespmem:v57+s16+$0x0] =	vst.idx.add.f32.msk $0xffff, v24  }
0x14d: {  	v58 =	vcvt.f32.s32 v22;
	v22 =	vadd.f32 $1.000000000e+00, v43;
	v17 =	vcvt.f32.s32 v42;
	v42 =	vld [tilespmem:$0x1FF40]  }
0x14e: {  	[tilespmem:v61+s15+$0x0] =	vst.idx.add.f32.msk $0xffff, v48  }
0x14f: {  	v25 =	vadd.f32 $1.000000000e+00, v29;
	v45 =	vsub.f32 v2, v44;
	v22 =	vmax.f32 v22, $0.0e+00;
	[tilespmem:v61+s16+$0x0] =	vst.idx.add.f32.msk $0xffff, v30  }
0x150: {  	v52 =	vshll.u32 v18, $0x1F;
	v49 =	vmul.f32 $8.533333590e+01, v22;
	[tilespmem:v55+s15+$0x0] =	vst.idx.add.f32.msk $0xffff, v48  }
0x151: {  	v15 =	vadd.s32 v35, v15;
	v25 =	vmax.f32 v25, $0.0e+00;
	v24 =	vmax.f32 v45, v3;
	[tilespmem:v55+s16+$0x0] =	vst.idx.add.f32.msk $0xffff, v28  }
0x152: {  	v16 =	vand.u32 $0xFFFFFFFE, v58;
	v46 =	vmul.f32 $8.533333590e+01, v25;
	v30 =	vsub.f32 v2, v49;
	v49 =	vld [tilespmem:$0x1FF50]  }
0x153: {  	v57 =	vshll.u32 v21, $0x1F;
	v24 =	vtrunc.f32 v24;
	v16 =	vadd.s32 v38, v16;
	[tilespmem:v1+s15+$0x0] =	vst.idx.add.f32.msk $0xffff, v48  }
0x154: {  	v17 =	vand.u32 $0xFFFFFFFE, v17;
	v24 =	vcvt.f32.s32 v24;
	v29 =	vsub.f32 v2, v46;
	[tilespmem:v1+s16+$0x0] =	vst.idx.add.f32.msk $0xffff, v32  }
0x155: {  	v17 =	vadd.s32 v41, v17;
	v41 =	vshll.u32 v10, $0x1F;
	v46 =	vshll.u32 v11, $0x1F;
	[tilespmem:v4+s15+$0x0] =	vst.idx.add.f32.msk $0xffff, v48  }
0x156: {  	v55 =	vshll.u32 v20, $0x1F;
	v24 =	vand.u32 $0xFFFFFFFE, v24;
	v51 =	vmax.f32 v29, v3;
	[tilespmem:v4+s16+$0x0] =	vst.idx.add.f32.msk $0xffff, v37  }
0x157: {  	v29 =	vxor.u32 v54, v52;
	v24 =	vadd.s32 v26, v24;
	v52 =	vshll.u32 v12, $0x1F;
	[tilespmem:v62+s15+$0x0] =	vst.idx.add.f32.msk $0xffff, v48  }
0x158: {  	v1 =	vxor.u32 v31, v55;
	v28 =	vtrunc.f32 v51;
	v29 =	vadd.f32 $1.000000000e+00, v29;
	[tilespmem:v62+s16+$0x0] =	vst.idx.add.f32.msk $0xffff, v40  }
0x159: {  	v30 =	vmax.f32 v30, v3;
	v28 =	vcvt.f32.s32 v28;
	v1 =	vadd.f32 $1.000000000e+00, v1;
	v40 =	vld [tilespmem:$0x1FF30]  }
0x15a: {  	v30 =	vtrunc.f32 v30;
	v4 =	vmax.f32 v29, $0.0e+00;
	v29 =	vxor.u32 v36, v57;
	[tilespmem:v0+s15+$0x0] =	vst.idx.add.f32.msk $0xffff, v48  }
0x15b: {  	v58 =	vmul.f32 $8.533333590e+01, v4;
	v1 =	vmax.f32 v1, $0.0e+00;
	v29 =	vadd.f32 $1.000000000e+00, v29;
	[tilespmem:v0+s16+$0x0] =	vst.idx.add.f32.msk $0xffff, v50  }
0x15c: {  	v55 =	vshll.u32 v13, $0x1F;
	v30 =	vcvt.f32.s32 v30;
	v60 =	vmul.f32 $8.533333590e+01, v1;
	[tilespmem:v33+s15+$0x0] =	vst.idx.add.f32.msk $0xffff, v48  }
0x15d: {  	v37 =	vshll.u32 v9, $0x1F;
	v59 =	vsub.f32 v2, v58;
	v29 =	vmax.f32 v29, $0.0e+00;
	[tilespmem:v33+s16+$0x0] =	vst.idx.add.f32.msk $0xffff, v47  }
0x15e: {  	v0 =	vand.u32 $0xFFFFFFFE, v28;
	v62 =	vsub.f32 v2, v60;
	v63 =	vmul.f32 $8.533333590e+01, v29;
	[tilespmem:v8+s15+$0x0] =	vst.idx.add.f32.msk $0xffff, v48  }
0x15f: {  	v61 =	vand.u32 $0xFFFFFFFE, v30;
	v26 =	vmax.f32 v59, v3;
	v0 =	vadd.s32 v23, v0;
	[tilespmem:v8+s16+$0x0] =	vst.idx.add.f32.msk $0xffff, v56  }
0x160: {  	v33 =	vadd.s32 v27, v61;
	v26 =	vtrunc.f32 v26;
	v36 =	vsub.f32 v2, v63;
	[tilespmem:v14+s15+$0x0] =	vst.idx.add.f32.msk $0xffff, v48  }
0x161: {  	v35 =	vmax.f32 v62, v3;
	v38 =	vcvt.f32.s32 v26;
	v27 =	vxor.u32 v40, v37;
	[tilespmem:v14+s16+$0x0] =	vst.idx.add.f32.msk $0xffff, v53  }
0x162: {  	v39 =	vtrunc.f32 v35;
	v28 =	vmax.f32 v36, v3;
	v27 =	vadd.f32 $1.000000000e+00, v27;
	v53 =	vld [tilespmem:$0x1FF60]  }
0x163: {  	v26 =	vcvt.f32.s32 v39;
	v28 =	vtrunc.f32 v28;
	v8 =	vand.u32 $0xFFFFFFFE, v38;
	[tilespmem:v15+s15+$0x0] =	vst.idx.add.f32.msk $0xffff, v48  }
0x164: {  	v14 =	vxor.u32 v42, v41;
	v28 =	vcvt.f32.s32 v28;
	v27 =	vmax.f32 v27, $0.0e+00;
	[tilespmem:v15+s16+$0x0] =	vst.idx.add.f32.msk $0xffff, v6  }
0x165: {  	v43 =	vand.u32 $0xFFFFFFFE, v26;
	v8 =	vadd.s32 v18, v8;
	v18 =	vxor.u32 v34, v55;
	[tilespmem:v16+s15+$0x0] =	vst.idx.add.f32.msk $0xffff, v48  }
0x166: {  	v44 =	vmul.f32 $8.533333590e+01, v27;
	v14 =	vadd.f32 $1.000000000e+00, v14;
	v57 =	vadd.f32 $1.000000000e+00, v18;
	[tilespmem:v16+s16+$0x0] =	vst.idx.add.f32.msk $0xffff, v5  }
0x167: {  	v6 =	vadd.s32 v20, v43;
	v45 =	vand.u32 $0xFFFFFFFE, v28;
	v15 =	vxor.u32 v49, v46;
	[tilespmem:v17+s15+$0x0] =	vst.idx.add.f32.msk $0xffff, v48  }
0x168: {  	v14 =	vmax.f32 v14, $0.0e+00;
	v51 =	vadd.f32 $1.000000000e+00, v15;
	v5 =	vsub.f32 v2, v44;
	[tilespmem:v17+s16+$0x0] =	vst.idx.add.f32.msk $0xffff, v7  }
0x169: {  	v47 =	vadd.s32 v21, v45;
	v50 =	vmul.f32 $8.533333590e+01, v14;
	v15 =	vxor.u32 v53, v52;
	[tilespmem:v24+s15+$0x0] =	vst.idx.add.f32.msk $0xffff, v48  }
0x16a: {  	v5 =	vmax.f32 v5, v3;
	v7 =	vmax.f32 v51, $0.0e+00;
	v15 =	vadd.f32 $1.000000000e+00, v15;
	[tilespmem:v24+s16+$0x0] =	vst.idx.add.f32.msk $0xffff, v19  }
0x16b: {  	v54 =	vsub.f32 v2, v50;
	v5 =	vtrunc.f32 v5;
	v56 =	vmul.f32 $8.533333590e+01, v7;
	[tilespmem:v0+s15+$0x0] =	vst.idx.add.f32.msk $0xffff, v48  }
0x16c: {  	v17 =	vmax.f32 v57, $0.0e+00;
	v5 =	vcvt.f32.s32 v5;
	v15 =	vmax.f32 v15, $0.0e+00;
	[tilespmem:v0+s16+$0x0] =	vst.idx.add.f32.msk $0xffff, v25  }
0x16d: {  	v58 =	vsub.f32 v2, v56;
	v59 =	vmul.f32 $8.533333590e+01, v15;
	v0 =	vmax.f32 v54, v3;
	[tilespmem:v33+s15+$0x0] =	vst.idx.add.f32.msk $0xffff, v48  }
0x16e: {  	v60 =	vmul.f32 $8.533333590e+01, v17;
	v5 =	vand.u32 $0xFFFFFFFE, v5;
	v0 =	vtrunc.f32 v0;
	[tilespmem:v33+s16+$0x0] =	vst.idx.add.f32.msk $0xffff, v22  }
0x16f: {  	v18 =	vmax.f32 v58, v3;
	v19 =	vsub.f32 v2, v59;
	v0 =	vcvt.f32.s32 v0;
	[tilespmem:v8+s15+$0x0] =	vst.idx.add.f32.msk $0xffff, v48  }
0x170: {  	v62 =	vsub.f32 v2, v60;
	[tilespmem:v8+s16+$0x0] =	vst.idx.add.f32.msk $0xffff, v4;
	v4 =	vadd.s32 v9, v5;
	v5 =	vtrunc.f32 v18  }
0x171: {  	v61 =	vmax.f32 v19, v3;
	v0 =	vand.u32 $0xFFFFFFFE, v0;
	v5 =	vcvt.f32.s32 v5;
	[tilespmem:v6+s15+$0x0] =	vst.idx.add.f32.msk $0xffff, v48  }
0x172: {  	v0 =	vadd.s32 v10, v0;
	[tilespmem:v6+s16+$0x0] =	vst.idx.add.f32.msk $0xffff, v1;
	v1 =	vtrunc.f32 v61  }
0x173: {  	v63 =	vmax.f32 v62, v3;
	v5 =	vand.u32 $0xFFFFFFFE, v5;
	v1 =	vcvt.f32.s32 v1;
	[tilespmem:v47+s15+$0x0] =	vst.idx.add.f32.msk $0xffff, v48  }
0x174: {  	v6 =	vtrunc.f32 v63;
	[tilespmem:v47+s16+$0x0] =	vst.idx.add.f32.msk $0xffff, v29;
	v5 =	vadd.s32 v11, v5  }
0x175: {  	v6 =	vcvt.f32.s32 v6;
	v1 =	vand.u32 $0xFFFFFFFE, v1;
	[tilespmem:v4+s15+$0x0] =	vst.idx.add.f32.msk $0xffff, v48  }
0x176: {  	[tilespmem:v4+s16+$0x0] =	vst.idx.add.f32.msk $0xffff, v27;
	v1 =	vadd.s32 v12, v1  }
0x177: {  	v4 =	vand.u32 $0xFFFFFFFE, v6;
	[tilespmem:v0+s15+$0x0] =	vst.idx.add.f32.msk $0xffff, v48  }
0x178: {  	[tilespmem:v0+s16+$0x0] =	vst.idx.add.f32.msk $0xffff, v14;
	v0 =	vadd.s32 v13, v4  }
0x179: {  	p0 =	sne.s32 s26, $0x1E00;
	[tilespmem:v5+s15+$0x0] =	vst.idx.add.f32.msk $0xffff, v48  }
.Ltmp2:
0x17a: {  	[tilespmem:v5+s16+$0x0] =	vst.idx.add.f32.msk $0xffff, v7;
	(pc) =	sbr.rel @p0 .LBB2_7-.Ltmp2, $4  }
0x17b: {  	[tilespmem:v1+s15+$0x0] =	vst.idx.add.f32.msk $0xffff, v48  }
0x17c: {  	[tilespmem:v1+s16+$0x0] =	vst.idx.add.f32.msk $0xffff, v15  }
0x17d: {  	[tilespmem:v0+s15+$0x0] =	vst.idx.add.f32.msk $0xffff, v48  }
0x17e: {  	s25 =	sadd.s32 $0x80, s25;
	s26 =	sadd.s32 $0x200, s26;
	[tilespmem:v0+s16+$0x0] =	vst.idx.add.f32.msk $0xffff, v17  }
0x17f: {  	s24 =	sadd.s32 $0x1, s24  }
0x180: {  	p0 =	sne.s32 s24, $0x8  }
.Ltmp3:
0x181: {  	_ = 	snop;
	(pc) =	sbr.rel @p0 .LBB2_4-.Ltmp3, $2  }
0x182: {  	_ =	sdelay $0x2  }
0x183: {  	s25 =	simm.s32 $0x0  }
0x184: {  	s23 =	simm.s32 $0x0  }
0x185: {  	v0 =	vld [tilespmem:s23+$0xC000]  }
0x186: {  	v1 =	vld [tilespmem:s23+$0x8000]  }
0x187: {  	v4 =	vld [tilespmem:s23+$0xC400]  }
0x188: {  	v5 =	vld [tilespmem:s23+$0x8400]  }
0x189: {  	v6 =	vld [tilespmem:s23+$0xC800]  }
0x18a: {  	v7 =	vld [tilespmem:s23+$0x8800];
	v0 =	vadd.f32 $0.0e+00, v0  }
0x18b: {  	v8 =	vld [tilespmem:s23+$0xCC00];
	v1 =	vadd.f32 $0.0e+00, v1  }
0x18c: {  	v0 =	vadd.f32 v4, v0;
	v4 =	vld [tilespmem:s23+$0x8C00]  }
0x18d: {  	v9 =	vld [tilespmem:s23+$0xD000];
	v1 =	vadd.f32 v5, v1  }
0x18e: {  	v5 =	vld [tilespmem:s23+$0x9000];
	v0 =	vadd.f32 v6, v0  }
0x18f: {  	v6 =	vld [tilespmem:s23+$0xD400];
	v1 =	vadd.f32 v7, v1  }
0x190: {  	v7 =	vld [tilespmem:s23+$0x9400];
	v0 =	vadd.f32 v8, v0  }
0x191: {  	v8 =	vld [tilespmem:s23+$0xD800];
	v1 =	vadd.f32 v4, v1  }
0x192: {  	v4 =	vld [tilespmem:s23+$0x9800];
	v0 =	vadd.f32 v9, v0  }
0x193: {  	v9 =	vld [tilespmem:s23+$0xDC00];
	v1 =	vadd.f32 v5, v1  }
0x194: {  	v5 =	vld [tilespmem:s23+$0x9C00];
	v0 =	vadd.f32 v6, v0  }
0x195: {  	v6 =	vld [tilespmem:s23+$0xE000];
	v1 =	vadd.f32 v7, v1  }
0x196: {  	v7 =	vld [tilespmem:s23+$0xA000];
	v0 =	vadd.f32 v8, v0  }
0x197: {  	v8 =	vld [tilespmem:s23+$0xE400];
	v1 =	vadd.f32 v4, v1  }
0x198: {  	v4 =	vld [tilespmem:s23+$0xA400];
	v0 =	vadd.f32 v9, v0  }
0x199: {  	v9 =	vld [tilespmem:s23+$0xE800];
	v1 =	vadd.f32 v5, v1  }
0x19a: {  	v5 =	vld [tilespmem:s23+$0xA800];
	v0 =	vadd.f32 v6, v0  }
0x19b: {  	v6 =	vld [tilespmem:s23+$0xEC00];
	v1 =	vadd.f32 v7, v1  }
0x19c: {  	v7 =	vld [tilespmem:s23+$0xAC00];
	v0 =	vadd.f32 v8, v0  }
0x19d: {  	v8 =	vld [tilespmem:s23+$0xF000];
	v1 =	vadd.f32 v4, v1  }
0x19e: {  	v0 =	vadd.f32 v9, v0;
	v9 =	vld [tilespmem:s23+$0xB000]  }
0x19f: {  	v10 =	vld [tilespmem:s23+$0xF400];
	v1 =	vadd.f32 v5, v1  }
0x1a0: {  	v5 =	vadd.f32 v6, v0;
	v0 =	vld [tilespmem:s23+$0xB400]  }
0x1a1: {  	v4 =	vld [tilespmem:s23+$0xF800];
	v1 =	vadd.f32 v7, v1  }
0x1a2: {  	v7 =	vadd.f32 v8, v5;
	v5 =	vld [tilespmem:s23+$0xB800]  }
0x1a3: {  	v6 =	vld [tilespmem:s23+$0xFC00];
	v8 =	vadd.f32 v9, v1  }
0x1a4: {  	s24 =	simm.s32 $0x10;
	s26 =	simm.s32 $0x80;
	v9 =	vadd.f32 v10, v7;
	v7 =	vld [tilespmem:s23+$0xBC00]  }
.LBB2_10:
0x1a5: {  	p0 =	sne.s32 s26, $0xFC0;
	v1 =	vld [tilespmem:s24+$0xC000];
	v0 =	vadd.f32 v0, v8  }
0x1a6: {  	v8 =	vld [tilespmem:s24+$0x8000];
	v4 =	vadd.f32 v4, v9  }
0x1a7: {  	v9 =	vld [tilespmem:s24+$0xC400];
	v0 =	vadd.f32 v5, v0  }
0x1a8: {  	v5 =	vld [tilespmem:s24+$0x8400];
	v4 =	vadd.f32 v6, v4  }
0x1a9: {  	v6 =	vld [tilespmem:s24+$0xC800];
	v0 =	vadd.f32 v7, v0  }
0x1aa: {  	v1 =	vadd.f32 $0.0e+00, v1;
	v7 =	vld [tilespmem:s24+$0x8800];
	[tilespmem:s23+$0x10400] =	vst v4  }
0x1ab: {  	v4 =	vadd.f32 $0.0e+00, v8;
	v8 =	vld [tilespmem:s24+$0xCC00];
	[tilespmem:s23+$0x10000] =	vst v0;
	s23 =	smov.u32 s24  }
0x1ac: {  	v0 =	vadd.f32 v9, v1;
	v1 =	vld [tilespmem:s23+$0x8C00]  }
0x1ad: {  	v4 =	vadd.f32 v5, v4;
	v5 =	vld [tilespmem:s23+$0xD000]  }
0x1ae: {  	v0 =	vadd.f32 v6, v0;
	v6 =	vld [tilespmem:s23+$0x9000]  }
0x1af: {  	v4 =	vadd.f32 v7, v4;
	v7 =	vld [tilespmem:s23+$0xD400]  }
0x1b0: {  	v0 =	vadd.f32 v8, v0;
	v8 =	vld [tilespmem:s23+$0x9400]  }
0x1b1: {  	v1 =	vadd.f32 v1, v4;
	v4 =	vld [tilespmem:s23+$0xD800]  }
0x1b2: {  	v0 =	vadd.f32 v5, v0;
	v5 =	vld [tilespmem:s23+$0x9800]  }
0x1b3: {  	v1 =	vadd.f32 v6, v1;
	v6 =	vld [tilespmem:s23+$0xDC00]  }
0x1b4: {  	v0 =	vadd.f32 v7, v0;
	v7 =	vld [tilespmem:s23+$0x9C00]  }
0x1b5: {  	v1 =	vadd.f32 v8, v1;
	v8 =	vld [tilespmem:s23+$0xE000]  }
0x1b6: {  	v0 =	vadd.f32 v4, v0;
	v4 =	vld [tilespmem:s23+$0xA000]  }
0x1b7: {  	v1 =	vadd.f32 v5, v1;
	v5 =	vld [tilespmem:s23+$0xE400]  }
0x1b8: {  	v0 =	vadd.f32 v6, v0;
	v6 =	vld [tilespmem:s23+$0xA400]  }
0x1b9: {  	v1 =	vadd.f32 v7, v1;
	v7 =	vld [tilespmem:s23+$0xE800]  }
0x1ba: {  	v0 =	vadd.f32 v8, v0;
	v8 =	vld [tilespmem:s23+$0xA800]  }
0x1bb: {  	v1 =	vadd.f32 v4, v1;
	v4 =	vld [tilespmem:s23+$0xEC00]  }
0x1bc: {  	v0 =	vadd.f32 v5, v0;
	v5 =	vld [tilespmem:s23+$0xAC00]  }
0x1bd: {  	v1 =	vadd.f32 v6, v1;
	v6 =	vld [tilespmem:s23+$0xF000]  }
0x1be: {  	v0 =	vadd.f32 v7, v0;
	v7 =	vld [tilespmem:s23+$0xB000]  }
0x1bf: {  	v1 =	vadd.f32 v8, v1;
	v9 =	vld [tilespmem:s23+$0xF400]  }
.Ltmp4:
0x1c0: {  	v8 =	vadd.f32 v4, v0;
	v0 =	vld [tilespmem:s23+$0xB400];
	(pc) =	sbr.rel @p0 .LBB2_10-.Ltmp4, $4  }
0x1c1: {  	v1 =	vadd.f32 v5, v1;
	v4 =	vld [tilespmem:s23+$0xF800]  }
0x1c2: {  	v10 =	vadd.f32 v6, v8;
	v5 =	vld [tilespmem:s23+$0xB800]  }
0x1c3: {  	v8 =	vadd.f32 v7, v1;
	v6 =	vld [tilespmem:s23+$0xFC00]  }
0x1c4: {  	s24 =	sshra.s32 s26, $0x2;
	s26 =	sadd.s32 $0x40, s26;
	v9 =	vadd.f32 v9, v10;
	v7 =	vld [tilespmem:s23+$0xBC00]  }
0x1c5: {  	v1 =	vld [tilespmem:s24+$0xC000]  }
0x1c6: {  	v10 =	vld [tilespmem:s24+$0x8000];
	v0 =	vadd.f32 v0, v8  }
0x1c7: {  	v8 =	vld [tilespmem:s24+$0xC400];
	v4 =	vadd.f32 v4, v9  }
0x1c8: {  	v9 =	vld [tilespmem:s24+$0x8400];
	v0 =	vadd.f32 v5, v0  }
0x1c9: {  	v5 =	vld [tilespmem:s24+$0xC800];
	v4 =	vadd.f32 v6, v4  }
0x1ca: {  	v6 =	vld [tilespmem:s24+$0x8800];
	v0 =	vadd.f32 v7, v0  }
0x1cb: {  	[tilespmem:s23+$0x10400] =	vst v4;
	v1 =	vadd.f32 $0.0e+00, v1;
	v7 =	vadd.f32 $0.0e+00, v10;
	v10 =	vld [tilespmem:$0x1FFF0]  }
0x1cc: {  	v4 =	vld [tilespmem:s24+$0xCC00];
	[tilespmem:s23+$0x10000] =	vst v0  }
0x1cd: {  	v0 =	vadd.f32 v8, v1;
	v1 =	vld [tilespmem:s24+$0x8C00]  }
0x1ce: {  	v7 =	vadd.f32 v9, v7;
	v8 =	vld [tilespmem:s24+$0xD000]  }
0x1cf: {  	v0 =	vadd.f32 v5, v0;
	v5 =	vld [tilespmem:s24+$0x9000]  }
0x1d0: {  	v6 =	vadd.f32 v6, v7;
	v7 =	vld [tilespmem:s24+$0xD400]  }
0x1d1: {  	v0 =	vadd.f32 v4, v0;
	v4 =	vld [tilespmem:s24+$0x9400]  }
0x1d2: {  	v1 =	vadd.f32 v1, v6;
	v6 =	vld [tilespmem:s24+$0xD800]  }
0x1d3: {  	v0 =	vadd.f32 v8, v0;
	v8 =	vld [tilespmem:s24+$0x9800]  }
0x1d4: {  	v1 =	vadd.f32 v5, v1;
	v5 =	vld [tilespmem:s24+$0xDC00]  }
0x1d5: {  	v0 =	vadd.f32 v7, v0;
	v7 =	vld [tilespmem:s24+$0x9C00]  }
0x1d6: {  	v1 =	vadd.f32 v4, v1;
	v4 =	vld [tilespmem:s24+$0xE000]  }
0x1d7: {  	v0 =	vadd.f32 v6, v0;
	v6 =	vld [tilespmem:s24+$0xA000]  }
0x1d8: {  	v1 =	vadd.f32 v8, v1;
	v8 =	vld [tilespmem:s24+$0xE400]  }
0x1d9: {  	v0 =	vadd.f32 v5, v0;
	v5 =	vld [tilespmem:s24+$0xA400]  }
0x1da: {  	v1 =	vadd.f32 v7, v1;
	v7 =	vld [tilespmem:s24+$0xE800]  }
0x1db: {  	v0 =	vadd.f32 v4, v0;
	v4 =	vld [tilespmem:s24+$0xA800]  }
0x1dc: {  	v1 =	vadd.f32 v6, v1;
	v6 =	vld [tilespmem:s24+$0xEC00]  }
0x1dd: {  	v0 =	vadd.f32 v8, v0;
	v8 =	vld [tilespmem:s24+$0xAC00]  }
0x1de: {  	v1 =	vadd.f32 v5, v1;
	v5 =	vld [tilespmem:s24+$0xF000]  }
0x1df: {  	v0 =	vadd.f32 v7, v0;
	v7 =	vld [tilespmem:s24+$0xB000]  }
0x1e0: {  	v1 =	vadd.f32 v4, v1;
	v4 =	vld [tilespmem:s24+$0xF400]  }
0x1e1: {  	v0 =	vadd.f32 v6, v0;
	v6 =	vld [tilespmem:s24+$0xB400]  }
0x1e2: {  	v1 =	vadd.f32 v8, v1;
	v8 =	vld [tilespmem:s24+$0xF800]  }
0x1e3: {  	v0 =	vadd.f32 v5, v0;
	v5 =	vld [tilespmem:s24+$0xB800]  }
0x1e4: {  	v1 =	vadd.f32 v7, v1;
	v7 =	vld [tilespmem:s24+$0xFC00]  }
0x1e5: {  	v9 =	vmov s25;
	v0 =	vadd.f32 v4, v0;
	v4 =	vld [tilespmem:s24+$0xBC00]  }
0x1e6: {  	v1 =	vadd.f32 v6, v1;
	v6 =	vshll.u32 v9, $0x1  }
0x1e7: {  	v0 =	vadd.f32 v8, v0;
	v8 =	vor.u32 v10, v6  }
0x1e8: {  	v1 =	vadd.f32 v5, v1;
	v9 =	vor.u32 $0x1, v8  }
0x1e9: {  	v0 =	vadd.f32 v7, v0  }
0x1ea: {  	v1 =	vadd.f32 v4, v1  }
0x1eb: {  	[tilespmem:s24+$0x10400] =	vst v0  }
0x1ec: {  	[tilespmem:s24+$0x10000] =	vst v1  }
0x1ed: {  	v1 =	vld.idx.msk [tilespmem:v9+s18+$0x0], $0xffff  }
0x1ee: {  	s23 =	simm.s32 $0x10  }
0x1ef: {  	v0 =	vmov s23;
	v6 =	vld.idx.msk [tilespmem:v8+s19+$0x0], $0xffff  }
0x1f0: {  	v0 =	vshll.u32 v0, $0x1;
	v5 =	vld.idx.msk [tilespmem:v8+s18+$0x0], $0xffff  }
0x1f1: {  	s24 =	simm.s32 $0x10800;
	v7 =	vld.idx.msk [tilespmem:v9+s19+$0x0], $0xffff;
	v4 =	vor.u32 v10, v0  }
0x1f2: {  	s26 =	simm.s32 $0x20;
	s25 =	sand.u32 $0x1F0, s25;
	v0 =	vor.u32 $0x1, v4;
	[tilespmem:s24+$0x0] =	vst v1  }
.LBB2_12:
0x1f3: {  	p0 =	sne.s32 s26, $0x1F0  }
0x1f4: {  	[tilespmem:s25+$0x10E00] =	vst v6;
	s24 =	sadd.s32 $0x10, s24;
	s28 =	smov.u32 s26;
	s26 =	sadd.s32 $0x10, s26  }
0x1f5: {  	[tilespmem:s25+$0x10A00] =	vst v5  }
0x1f6: {  	[tilespmem:s25+$0x10C00] =	vst v7  }
0x1f7: {  	v1 =	vld.idx.msk [tilespmem:v0+s18+$0x0], $0xffff  }
0x1f8: {  	v6 =	vld.idx.msk [tilespmem:v4+s19+$0x0], $0xffff  }
.Ltmp5:
0x1f9: {  	v7 =	vmov s28;
	v5 =	vld.idx.msk [tilespmem:v4+s18+$0x0], $0xffff;
	(pc) =	sbr.rel @p0 .LBB2_12-.Ltmp5, $4  }
0x1fa: {  	v4 =	vshll.u32 v7, $0x1;
	v7 =	vld.idx.msk [tilespmem:v0+s19+$0x0], $0xffff  }
0x1fb: {  	v4 =	vor.u32 v10, v4  }
0x1fc: {  	v0 =	vor.u32 $0x1, v4  }
0x1fd: {  	s25 =	sand.u32 $0x1F0, s23;
	s23 =	smov.u32 s28;
	[tilespmem:s24+$0x0] =	vst v1  }
0x1fe: {  	_ = 	snop  }
0x1ff: {  	[tilespmem:s25+$0x10E00] =	vst v6  }
0x200: {  	[tilespmem:s25+$0x10A00] =	vst v5  }
0x201: {  	[tilespmem:s25+$0x10C00] =	vst v7  }
0x202: {  	v1 =	vld.idx.msk [tilespmem:v0+s18+$0x0], $0xffff  }
0x203: {  	v5 =	vld.idx.msk [tilespmem:v4+s19+$0x0], $0xffff  }
0x204: {  	v4 =	vld.idx.msk [tilespmem:v4+s18+$0x0], $0xffff  }
0x205: {  	v0 =	vld.idx.msk [tilespmem:v0+s19+$0x0], $0xffff  }
0x206: {  	s24 =	sadd.s32 $0x10, s24  }
0x207: {  	s23 =	sand.u32 $0x1F0, s23;
	[tilespmem:s24+$0x0] =	vst v1  }
0x208: {  	s22 =	sadd.s32 $0x1, s22;
	[tilespmem:s23+$0x10E00] =	vst v5  }
0x209: {  	p0 =	sne.s32 s22, s11;
	[tilespmem:s23+$0x10A00] =	vst v4  }
.Ltmp6:
0x20a: {  	[tilespmem:s23+$0x10C00] =	vst v0;
	(pc) =	sbr.rel @p0 .LBB2_1-.Ltmp6, $4  }
0x20b: {  	[hbm4b:s9+s4] =	stream.linear.scatter [tilespmem:s20], [sflag:$0x3], $0x800, $0x38;
	[tilespmem:$0x11000] =	vst v63  }
0x20c: {  	_ =	swait.ge [sflag:s21], $0x800  }
0x20d: {  	[sflag:s21] =	ssyncset.done $0x0  }
0x20e: {  	v5 =	vimm.f32 $0.0e+00;
	[sflag:s21] =	ssyncadd.s32 $0xFFFFF800  }
0x20f: {  	_ =	sfence.sel $0x180000  }
0x210: {  	[bflag:$0x0] =	sbarrier.arrive $0xFFFF  }
0x211: {  	p0 =	sne.s32 s3, $0x0;
	_ =	strace $0x90000047  }
0x212: {  	s0 =	sadd.s32 @!p0 $0x100000, s2;
	[bflag:$0x2] =	sbarrier.arrive $0xFFFF  }
0x213: {  	[sflag:s0] =	ssyncadd.tile.s32 @!p0 $0x1;
	_ =	shalt  }
.Lfunc_end2:
_tile_overlayer_lowered:
.L_overlay_start_2:
0x214: {  	(tag) =	ssettag $0x2  }
0x215: {  	s0 =	rddreg [dreg:$0x0];
	s2 =	stileid.u32  }
0x216: {  	s1 =	rddreg [dreg:$0x1];
	p0 =	sne.s32 s2, $0x0  }
0x217: {  	s3 =	rddreg [dreg:$0x2];
	[bflag:$0x3] =	sbarrier.arrive $0xFFFF;
	s2 =	simm.s32 @!p0 $0x1C03  }
0x218: {  	[timem:s3], [sflag:s2] =	dma.local @!p0 [hbm:s0], s1  }
0x219: {  	s0 =	simm.s32 @!p0 $0x3  }
0x21a: {  	_ =	swait.ge @!p0 [sflag:s0], s1  }
0x21b: {  	s1 =	ssub.s32 @!p0 $0x0, s1;
	[sflag:s0] =	ssyncset.done @!p0 $0x0  }
0x21c: {  	[sflag:s0] =	ssyncadd.s32 @!p0 s1  }
0x21d: {  	[bflag:$0x3] =	sbarrier.arrive $0xFFFF  }
0x21e: {  	_ =	shalt  }

</sc_bundles>
